<compile_context>
chip_gen: v7x
topology: tpu7x:2x2x1
jax: 0.10.2.dev20260603
libtpu: 0.0.44.dev20260713+nightly
codegen_flags: <defaults>
</compile_context>

<pallas_src>
import functools

import jax
import jax.numpy as jnp
import numpy as np
from jax import lax
from jax.experimental import pallas as pl
from jax.experimental.pallas import tpu as pltpu
from jax.experimental.pallas import tpu_sc as plsc

_NUM_FIELDS = 26
_FIELD_SIZE = 100000
_BATCH = 4096
_DIM = 64

_NC = 2
_NS = 16
_NW = _NC * _NS

_N = _BATCH * _NUM_FIELDS
_PER_W = _N // _NW
_CHUNK = 128
_NCH = _PER_W // _CHUNK


@functools.partial(
    pl.kernel,
    mesh=plsc.VectorSubcoreMesh(core_axis_name="c", subcore_axis_name="s"),
    out_type=jax.ShapeDtypeStruct((_N // 2, 2 * _DIM), jnp.float32),
    scratch_types=[
        pltpu.VMEM((_PER_W,), jnp.int32),
        pltpu.VMEM((2, _CHUNK // 2, 2 * _DIM), jnp.float32),
        pltpu.SemaphoreType.DMA,
        pltpu.SemaphoreType.DMA,
    ],
    compiler_params=pltpu.CompilerParams(use_tc_tiling_on_sc=True),
)
def _sc_gather(idx_hbm, table_hbm, out_hbm, idx_v, rows_v, sem_g, sem_w):
    wid = lax.axis_index("s") * _NC + lax.axis_index("c")
    base2 = wid * (_PER_W // 2)
    pltpu.sync_copy(idx_hbm.at[wid], idx_v)

    def fire_chunk(c, b):
        def block(jb, carry):
            rv = idx_v[pl.ds(c * _CHUNK + jb * 16, 16)]
            for rr in range(16):
                j = jb * 16 + rr
                pltpu.async_copy(
                    table_hbm.at[rv[rr]],
                    rows_v.at[b, j // 2, pl.ds((rr % 2) * _DIM, _DIM)],
                    sem_g,
                )
            return carry

        lax.fori_loop(0, _CHUNK // 16, block, 0)

    def drain_chunk(b):
        pltpu.make_async_copy(
            out_hbm.at[pl.ds(base2, _CHUNK // 2)], rows_v.at[b], sem_g
        ).wait()

    def wout_start(c, b):
        pltpu.async_copy(
            rows_v.at[b],
            out_hbm.at[pl.ds(base2 + c * (_CHUNK // 2), _CHUNK // 2)],
            sem_w,
        )

    def wout_wait(b):
        pltpu.make_async_copy(
            rows_v.at[b], out_hbm.at[pl.ds(base2, _CHUNK // 2)], sem_w
        ).wait()

    fire_chunk(0, 0)

    def body(g, carry):
        for b in range(2):
            c = g * 2 + b
            drain_chunk(b)
            wout_start(c, b)

            @pl.when(c >= 1)
            def _():
                wout_wait(1 - b)

            @pl.when(c < _NCH - 1)
            def _():
                fire_chunk(c + 1, 1 - b)

        return carry

    lax.fori_loop(0, _NCH // 2, body, 0)
    wout_wait((_NCH - 1) % 2)


def kernel(x, table):
    offs = jnp.asarray(np.arange(_NUM_FIELDS) * _FIELD_SIZE, dtype=jnp.int32)
    idx = (x + offs[None, :]).reshape(_NW, _PER_W)
    out = _sc_gather(idx, table)
    return out.reshape(_BATCH, _NUM_FIELDS, _DIM)

# --- scband reference (transcript-rebuilt; emitter-appended) ---
"""Pipeline reference for scband-rpcfeatures-embedding-3126736191803 (READ-ONLY COPY).

The authoritative reference and input builder live on the scoring server;
editing this copy changes nothing except your own understanding.
"""

import jax, jax.numpy as jnp
import numpy as np

IN_FEATURES = [100000] * 26
OUT_FEATURES = 64
BATCH = 4096


def setup_inputs(seed: int = 0) -> dict:
    key = jax.random.key(seed)
    k1, k2 = jax.random.split(key)
    x = jax.random.randint(k1, (BATCH, len(IN_FEATURES)), 0, IN_FEATURES[0], dtype=jnp.int32)
    total_rows = int(np.sum(IN_FEATURES))
    table = jax.random.normal(k2, (total_rows, OUT_FEATURES), dtype=jnp.float32) * 0.01
    return {"x": x, "table": table}


def reference(x, table):
    # FeaturesEmbedding: single concatenated table with per-field offsets.
    offsets = jnp.asarray(np.cumsum([0] + IN_FEATURES[:-1]), dtype=x.dtype)
    idx = x + offsets[None, :]  # [B, num_fields]
    out = jnp.take(table, idx, axis=0)  # [B, num_fields, out_features]
    return out

if __name__ == "__main__":
    import jax
    _d = setup_inputs()
    print(jax.jit(kernel)(*tuple(_d.values())))

</pallas_src>

<mosaic_0001>
#map = affine_map<(d0, d1) -> (0, 0)>
module attributes {stable_mosaic.version = 14 : i64} {
  func.func @_sc_gather(%arg0: i32, %arg1: i32, %arg2: memref<32x3328xi32, #tpu.memory_space<hbm>>, %arg3: memref<2600000x64xf32, #tpu.memory_space<hbm>>, %arg4: memref<53248x128xf32, #tpu.memory_space<hbm>>, %arg5: memref<3328xi32, #tpu.memory_space<vmem>>, %arg6: memref<2x64x128xf32, #tpu.memory_space<vmem>>, %arg7: memref<!tpu.dma_semaphore, #tpu.memory_space<semaphore_mem>>, %arg8: memref<!tpu.dma_semaphore, #tpu.memory_space<semaphore_mem>>) attributes {dimension_semantics = [#tpu.dimension_semantics<core_parallel>, #tpu.dimension_semantics<subcore_parallel>], iteration_bounds = array<i64: 2, 16>, scalar_prefetch = 0 : i64, scratch_operands = 4 : i64, tpu.core_type = #tpu.core_type<sc_vector_subcore>, window_params = [{transform_indices = #map}, {transform_indices = #map}, {transform_indices = #map}]} {
    %mul3A = arith.constant 2 : i32
    %mul3A_0 = arith.muli %arg1, %mul3A : i32
    %add3A = arith.addi %mul3A_0, %arg0 : i32
    %mul3A_1 = arith.constant 1664 : i32
    %mul3A_2 = arith.muli %add3A, %mul3A_1 : i32
    "tpu.region"() ({
      %run_scoped3A = tpu.sem_alloc : memref<!tpu.dma_semaphore, #tpu.memory_space<semaphore_mem>>
      %dma_start3A = arith.constant 0 : i32
      %dma_start3A_26 = tpu.memref_slice %arg2[%add3A, %dma_start3A] : memref<32x3328xi32, #tpu.memory_space<hbm>> -> memref<1x3328xi32, #tpu.memory_space<hbm>>
      %dma_start3A_27 = tpu.memref_squeeze %dma_start3A_26 : memref<1x3328xi32, #tpu.memory_space<hbm>> -> memref<3328xi32, #tpu.memory_space<hbm>>
      %dma_start3A_28 = arith.constant 0 : i32
      %dma_start3A_29 = tpu.memref_slice %arg2[%add3A, %dma_start3A_28] : memref<32x3328xi32, #tpu.memory_space<hbm>> -> memref<1x3328xi32, #tpu.memory_space<hbm>>
      %dma_start3A_30 = tpu.memref_squeeze %dma_start3A_29 : memref<1x3328xi32, #tpu.memory_space<hbm>> -> memref<3328xi32, #tpu.memory_space<hbm>>
      tpu.enqueue_dma source(%dma_start3A_30 : memref<3328xi32, #tpu.memory_space<hbm>>) target(%arg5 : memref<3328xi32, #tpu.memory_space<vmem>>) target_semaphore(%run_scoped3A : memref<!tpu.dma_semaphore, #tpu.memory_space<semaphore_mem>>)
      %dma_wait3A_31 = arith.constant 0 : i32
      %dma_wait3A_32 = tpu.memref_slice %arg2[%add3A, %dma_wait3A_31] : memref<32x3328xi32, #tpu.memory_space<hbm>> -> memref<1x3328xi32, #tpu.memory_space<hbm>>
      %dma_wait3A_33 = tpu.memref_squeeze %dma_wait3A_32 : memref<1x3328xi32, #tpu.memory_space<hbm>> -> memref<3328xi32, #tpu.memory_space<hbm>>
      %dma_wait3A_34 = arith.constant 0 : i32
      %dma_wait3A_35 = tpu.memref_slice %arg2[%add3A, %dma_wait3A_34] : memref<32x3328xi32, #tpu.memory_space<hbm>> -> memref<1x3328xi32, #tpu.memory_space<hbm>>
      %dma_wait3A_36 = tpu.memref_squeeze %dma_wait3A_35 : memref<1x3328xi32, #tpu.memory_space<hbm>> -> memref<3328xi32, #tpu.memory_space<hbm>>
      tpu.wait_dma2 semaphore(%run_scoped3A : memref<!tpu.dma_semaphore, #tpu.memory_space<semaphore_mem>>) src(%dma_wait3A_36 : memref<3328xi32, #tpu.memory_space<hbm>>) dst(%arg5 : memref<3328xi32, #tpu.memory_space<vmem>>)
      tpu.yield
    }) : () -> ()
    %scan3A = arith.constant 0 : i32
    %scan3A_3 = arith.constant 0 : i32
    %scan3A_4 = arith.constant 8 : i32
    %scan3A_5 = arith.addi %scan3A_3, %scan3A_4 : i32
    %scan3A_6 = arith.constant 1 : i32
    scf.for %scan3A_26 = %scan3A_3 to %scan3A_5 step %scan3A_6  : i32 {
      %mul3A_27 = arith.constant 16 : i32
      %mul3A_28 = arith.muli %scan3A_26, %mul3A_27 : i32
      %add3A_29 = arith.constant 0 : i32
      %add3A_30 = arith.addi %add3A_29, %mul3A_28 : i32
      %get3A = arith.index_cast %add3A_30 : i32 to index
      %get3A_31 = tpu.vector_load %arg5[%get3A] {strides = array<i32>} : memref<3328xi32, #tpu.memory_space<vmem>>, vector<16xi32>,
      %get3A_32 = vector.shape_cast %get3A_31 : vector<16xi32> to vector<16xi32>
      %mul3A_33 = arith.constant 16 : i32
      %mul3A_34 = arith.muli %scan3A_26, %mul3A_33 : i32
      %add3A_35 = arith.constant 0 : i32
      %add3A_36 = arith.addi %mul3A_34, %add3A_35 : i32
      %slice3A = vector.extract_strided_slice %get3A_32 {offsets = [0], sizes = [1], strides = [1]} : vector<16xi32> to vector<1xi32>
      %squeeze3A = vector.extract %slice3A[0] : i32 from vector<1xi32>
      %jit3A = arith.constant 2 : i32
      %div3A = arith.divsi %add3A_36, %jit3A : i32
      %sign3A = arith.constant 0 : i32
      %sign3A_37 = arith.cmpi sgt, %add3A_36, %sign3A : i32
      %sign3A_38 = arith.extui %sign3A_37 : i1 to i32
      %sign3A_39 = arith.constant 0 : i32
      %sign3A_40 = arith.cmpi slt, %add3A_36, %sign3A_39 : i32
      %sign3A_41 = arith.extui %sign3A_40 : i1 to i32
      %sign3A_42 = arith.subi %sign3A_38, %sign3A_41 : i32
      %sign3A_43 = arith.constant 0 : i32
      %sign3A_44 = arith.cmpi sgt, %jit3A, %sign3A_43 : i32
      %sign3A_45 = arith.extui %sign3A_44 : i1 to i32
      %sign3A_46 = arith.constant 0 : i32
      %sign3A_47 = arith.cmpi slt, %jit3A, %sign3A_46 : i32
      %sign3A_48 = arith.extui %sign3A_47 : i1 to i32
      %sign3A_49 = arith.subi %sign3A_45, %sign3A_48 : i32
      %ne3A = arith.cmpi ne, %sign3A_42, %sign3A_49 : i32
      %rem3A = arith.remsi %add3A_36, %jit3A : i32
      %ne3A_50 = arith.constant 0 : i32
      %ne3A_51 = arith.cmpi ne, %rem3A, %ne3A_50 : i32
      %and3A = arith.andi %ne3A, %ne3A_51 : i1
      %sub3A = arith.constant 1 : i32
      %sub3A_52 = arith.subi %div3A, %sub3A : i32
      %select_n3A = arith.select %and3A, %sub3A_52, %div3A : i32
      %dma_start3A = arith.constant 0 : i32
      %dma_start3A_53 = arith.constant 0 : i32
      %dma_start3A_54 = tpu.memref_slice %arg6[%dma_start3A, %select_n3A, %dma_start3A_53] : memref<2x64x128xf32, #tpu.memory_space<vmem>> -> memref<1x1x64xf32, #tpu.memory_space<vmem>>
      %dma_start3A_55 = tpu.memref_squeeze %dma_start3A_54 : memref<1x1x64xf32, #tpu.memory_space<vmem>> -> memref<64xf32, #tpu.memory_space<vmem>>
      %dma_start3A_56 = arith.constant 0 : i32
      %dma_start3A_57 = tpu.memref_slice %arg3[%squeeze3A, %dma_start3A_56] : memref<2600000x64xf32, #tpu.memory_space<hbm>> -> memref<1x64xf32, #tpu.memory_space<hbm>>
      %dma_start3A_58 = tpu.memref_squeeze %dma_start3A_57 : memref<1x64xf32, #tpu.memory_space<hbm>> -> memref<64xf32, #tpu.memory_space<hbm>>
      %dma_start3A_59 = arith.constant 0 : i32
      %dma_start3A_60 = tpu.memref_slice %arg6[%dma_start3A, %select_n3A, %dma_start3A_59] : memref<2x64x128xf32, #tpu.memory_space<vmem>> -> memref<1x1x64xf32, #tpu.memory_space<vmem>>
      %dma_start3A_61 = tpu.memref_squeeze %dma_start3A_60 : memref<1x1x64xf32, #tpu.memory_space<vmem>> -> memref<64xf32, #tpu.memory_space<vmem>>
      %dma_start3A_62 = arith.constant 0 : i32
      %dma_start3A_63 = tpu.memref_slice %arg3[%squeeze3A, %dma_start3A_62] : memref<2600000x64xf32, #tpu.memory_space<hbm>> -> memref<1x64xf32, #tpu.memory_space<hbm>>
      %dma_start3A_64 = tpu.memref_squeeze %dma_start3A_63 : memref<1x64xf32, #tpu.memory_space<hbm>> -> memref<64xf32, #tpu.memory_space<hbm>>
      tpu.enqueue_dma source(%dma_start3A_64 : memref<64xf32, #tpu.memory_space<hbm>>) target(%dma_start3A_61 : memref<64xf32, #tpu.memory_space<vmem>>) target_semaphore(%arg7 : memref<!tpu.dma_semaphore, #tpu.memory_space<semaphore_mem>>)
      %mul3A_65 = arith.constant 16 : i32
      %mul3A_66 = arith.muli %scan3A_26, %mul3A_65 : i32
      %add3A_67 = arith.constant 1 : i32
      %add3A_68 = arith.addi %mul3A_66, %add3A_67 : i32
      %slice3A_69 = vector.extract_strided_slice %get3A_32 {offsets = [1], sizes = [1], strides = [1]} : vector<16xi32> to vector<1xi32>
      %squeeze3A_70 = vector.extract %slice3A_69[0] : i32 from vector<1xi32>
      %jit3A_71 = arith.constant 2 : i32
      %div3A_72 = arith.divsi %add3A_68, %jit3A_71 : i32
      %sign3A_73 = arith.constant 0 : i32
      %sign3A_74 = arith.cmpi sgt, %add3A_68, %sign3A_73 : i32
      %sign3A_75 = arith.extui %sign3A_74 : i1 to i32
      %sign3A_76 = arith.constant 0 : i32
      %sign3A_77 = arith.cmpi slt, %add3A_68, %sign3A_76 : i32
      %sign3A_78 = arith.extui %sign3A_77 : i1 to i32
      %sign3A_79 = arith.subi %sign3A_75, %sign3A_78 : i32
      %sign3A_80 = arith.constant 0 : i32
      %sign3A_81 = arith.cmpi sgt, %jit3A_71, %sign3A_80 : i32
      %sign3A_82 = arith.extui %sign3A_81 : i1 to i32
      %sign3A_83 = arith.constant 0 : i32
      %sign3A_84 = arith.cmpi slt, %jit3A_71, %sign3A_83 : i32
      %sign3A_85 = arith.extui %sign3A_84 : i1 to i32
      %sign3A_86 = arith.subi %sign3A_82, %sign3A_85 : i32
      %ne3A_87 = arith.cmpi ne, %sign3A_79, %sign3A_86 : i32
      %rem3A_88 = arith.remsi %add3A_68, %jit3A_71 : i32
      %ne3A_89 = arith.constant 0 : i32
      %ne3A_90 = arith.cmpi ne, %rem3A_88, %ne3A_89 : i32
      %and3A_91 = arith.andi %ne3A_87, %ne3A_90 : i1
      %sub3A_92 = arith.constant 1 : i32
      %sub3A_93 = arith.subi %div3A_72, %sub3A_92 : i32
      %select_n3A_94 = arith.select %and3A_91, %sub3A_93, %div3A_72 : i32
      %dma_start3A_95 = arith.constant 0 : i32
      %dma_start3A_96 = arith.constant 64 : i32
      %dma_start3A_97 = tpu.memref_slice %arg6[%dma_start3A_95, %select_n3A_94, %dma_start3A_96] : memref<2x64x128xf32, #tpu.memory_space<vmem>> -> memref<1x1x64xf32, #tpu.memory_space<vmem>>
      %dma_start3A_98 = tpu.memref_squeeze %dma_start3A_97 : memref<1x1x64xf32, #tpu.memory_space<vmem>> -> memref<64xf32, #tpu.memory_space<vmem>>
      %dma_start3A_99 = arith.constant 0 : i32
      %dma_start3A_100 = tpu.memref_slice %arg3[%squeeze3A_70, %dma_start3A_99] : memref<2600000x64xf32, #tpu.memory_space<hbm>> -> memref<1x64xf32, #tpu.memory_space<hbm>>
      %dma_start3A_101 = tpu.memref_squeeze %dma_start3A_100 : memref<1x64xf32, #tpu.memory_space<hbm>> -> memref<64xf32, #tpu.memory_space<hbm>>
      %dma_start3A_102 = arith.constant 64 : i32
      %dma_start3A_103 = tpu.memref_slice %arg6[%dma_start3A_95, %select_n3A_94, %dma_start3A_102] : memref<2x64x128xf32, #tpu.memory_space<vmem>> -> memref<1x1x64xf32, #tpu.memory_space<vmem>>
      %dma_start3A_104 = tpu.memref_squeeze %dma_start3A_103 : memref<1x1x64xf32, #tpu.memory_space<vmem>> -> memref<64xf32, #tpu.memory_space<vmem>>
      %dma_start3A_105 = arith.constant 0 : i32
      %dma_start3A_106 = tpu.memref_slice %arg3[%squeeze3A_70, %dma_start3A_105] : memref<2600000x64xf32, #tpu.memory_space<hbm>> -> memref<1x64xf32, #tpu.memory_space<hbm>>
      %dma_start3A_107 = tpu.memref_squeeze %dma_start3A_106 : memref<1x64xf32, #tpu.memory_space<hbm>> -> memref<64xf32, #tpu.memory_space<hbm>>
      tpu.enqueue_dma source(%dma_start3A_107 : memref<64xf32, #tpu.memory_space<hbm>>) target(%dma_start3A_104 : memref<64xf32, #tpu.memory_space<vmem>>) target_semaphore(%arg7 : memref<!tpu.dma_semaphore, #tpu.memory_space<semaphore_mem>>)
      %mul3A_108 = arith.constant 16 : i32
      %mul3A_109 = arith.muli %scan3A_26, %mul3A_108 : i32
      %add3A_110 = arith.constant 2 : i32
      %add3A_111 = arith.addi %mul3A_109, %add3A_110 : i32
      %slice3A_112 = vector.extract_strided_slice %get3A_32 {offsets = [2], sizes = [1], strides = [1]} : vector<16xi32> to vector<1xi32>
      %squeeze3A_113 = vector.extract %slice3A_112[0] : i32 from vector<1xi32>
      %jit3A_114 = arith.constant 2 : i32
      %div3A_115 = arith.divsi %add3A_111, %jit3A_114 : i32
      %sign3A_116 = arith.constant 0 : i32
      %sign3A_117 = arith.cmpi sgt, %add3A_111, %sign3A_116 : i32
      %sign3A_118 = arith.extui %sign3A_117 : i1 to i32
      %sign3A_119 = arith.constant 0 : i32
      %sign3A_120 = arith.cmpi slt, %add3A_111, %sign3A_119 : i32
      %sign3A_121 = arith.extui %sign3A_120 : i1 to i32
      %sign3A_122 = arith.subi %sign3A_118, %sign3A_121 : i32
      %sign3A_123 = arith.constant 0 : i32
      %sign3A_124 = arith.cmpi sgt, %jit3A_114, %sign3A_123 : i32
      %sign3A_125 = arith.extui %sign3A_124 : i1 to i32
      %sign3A_126 = arith.constant 0 : i32
      %sign3A_127 = arith.cmpi slt, %jit3A_114, %sign3A_126 : i32
      %sign3A_128 = arith.extui %sign3A_127 : i1 to i32
      %sign3A_129 = arith.subi %sign3A_125, %sign3A_128 : i32
      %ne3A_130 = arith.cmpi ne, %sign3A_122, %sign3A_129 : i32
      %rem3A_131 = arith.remsi %add3A_111, %jit3A_114 : i32
      %ne3A_132 = arith.constant 0 : i32
      %ne3A_133 = arith.cmpi ne, %rem3A_131, %ne3A_132 : i32
      %and3A_134 = arith.andi %ne3A_130, %ne3A_133 : i1
      %sub3A_135 = arith.constant 1 : i32
      %sub3A_136 = arith.subi %div3A_115, %sub3A_135 : i32
      %select_n3A_137 = arith.select %and3A_134, %sub3A_136, %div3A_115 : i32
      %dma_start3A_138 = arith.constant 0 : i32
      %dma_start3A_139 = arith.constant 0 : i32
      %dma_start3A_140 = tpu.memref_slice %arg6[%dma_start3A_138, %select_n3A_137, %dma_start3A_139] : memref<2x64x128xf32, #tpu.memory_space<vmem>> -> memref<1x1x64xf32, #tpu.memory_space<vmem>>
      %dma_start3A_141 = tpu.memref_squeeze %dma_start3A_140 : memref<1x1x64xf32, #tpu.memory_space<vmem>> -> memref<64xf32, #tpu.memory_space<vmem>>
      %dma_start3A_142 = arith.constant 0 : i32
      %dma_start3A_143 = tpu.memref_slice %arg3[%squeeze3A_113, %dma_start3A_142] : memref<2600000x64xf32, #tpu.memory_space<hbm>> -> memref<1x64xf32, #tpu.memory_space<hbm>>
      %dma_start3A_144 = tpu.memref_squeeze %dma_start3A_143 : memref<1x64xf32, #tpu.memory_space<hbm>> -> memref<64xf32, #tpu.memory_space<hbm>>
      %dma_start3A_145 = arith.constant 0 : i32
      %dma_start3A_146 = tpu.memref_slice %arg6[%dma_start3A_138, %select_n3A_137, %dma_start3A_145] : memref<2x64x128xf32, #tpu.memory_space<vmem>> -> memref<1x1x64xf32, #tpu.memory_space<vmem>>
      %dma_start3A_147 = tpu.memref_squeeze %dma_start3A_146 : memref<1x1x64xf32, #tpu.memory_space<vmem>> -> memref<64xf32, #tpu.memory_space<vmem>>
      %dma_start3A_148 = arith.constant 0 : i32
      %dma_start3A_149 = tpu.memref_slice %arg3[%squeeze3A_113, %dma_start3A_148] : memref<2600000x64xf32, #tpu.memory_space<hbm>> -> memref<1x64xf32, #tpu.memory_space<hbm>>
      %dma_start3A_150 = tpu.memref_squeeze %dma_start3A_149 : memref<1x64xf32, #tpu.memory_space<hbm>> -> memref<64xf32, #tpu.memory_space<hbm>>
      tpu.enqueue_dma source(%dma_start3A_150 : memref<64xf32, #tpu.memory_space<hbm>>) target(%dma_start3A_147 : memref<64xf32, #tpu.memory_space<vmem>>) target_semaphore(%arg7 : memref<!tpu.dma_semaphore, #tpu.memory_space<semaphore_mem>>)
      %mul3A_151 = arith.constant 16 : i32
      %mul3A_152 = arith.muli %scan3A_26, %mul3A_151 : i32
      %add3A_153 = arith.constant 3 : i32
      %add3A_154 = arith.addi %mul3A_152, %add3A_153 : i32
      %slice3A_155 = vector.extract_strided_slice %get3A_32 {offsets = [3], sizes = [1], strides = [1]} : vector<16xi32> to vector<1xi32>
      %squeeze3A_156 = vector.extract %slice3A_155[0] : i32 from vector<1xi32>
      %jit3A_157 = arith.constant 2 : i32
      %div3A_158 = arith.divsi %add3A_154, %jit3A_157 : i32
      %sign3A_159 = arith.constant 0 : i32
      %sign3A_160 = arith.cmpi sgt, %add3A_154, %sign3A_159 : i32
      %sign3A_161 = arith.extui %sign3A_160 : i1 to i32
      %sign3A_162 = arith.constant 0 : i32
      %sign3A_163 = arith.cmpi slt, %add3A_154, %sign3A_162 : i32
      %sign3A_164 = arith.extui %sign3A_163 : i1 to i32
      %sign3A_165 = arith.subi %sign3A_161, %sign3A_164 : i32
      %sign3A_166 = arith.constant 0 : i32
      %sign3A_167 = arith.cmpi sgt, %jit3A_157, %sign3A_166 : i32
      %sign3A_168 = arith.extui %sign3A_167 : i1 to i32
      %sign3A_169 = arith.constant 0 : i32
      %sign3A_170 = arith.cmpi slt, %jit3A_157, %sign3A_169 : i32
      %sign3A_171 = arith.extui %sign3A_170 : i1 to i32
      %sign3A_172 = arith.subi %sign3A_168, %sign3A_171 : i32
      %ne3A_173 = arith.cmpi ne, %sign3A_165, %sign3A_172 : i32
      %rem3A_174 = arith.remsi %add3A_154, %jit3A_157 : i32
      %ne3A_175 = arith.constant 0 : i32
      %ne3A_176 = arith.cmpi ne, %rem3A_174, %ne3A_175 : i32
      %and3A_177 = arith.andi %ne3A_173, %ne3A_176 : i1
      %sub3A_178 = arith.constant 1 : i32
      %sub3A_179 = arith.subi %div3A_158, %sub3A_178 : i32
      %select_n3A_180 = arith.select %and3A_177, %sub3A_179, %div3A_158 : i32
      %dma_start3A_181 = arith.constant 0 : i32
      %dma_start3A_182 = arith.constant 64 : i32
      %dma_start3A_183 = tpu.memref_slice %arg6[%dma_start3A_181, %select_n3A_180, %dma_start3A_182] : memref<2x64x128xf32, #tpu.memory_space<vmem>> -> memref<1x1x64xf32, #tpu.memory_space<vmem>>
      %dma_start3A_184 = tpu.memref_squeeze %dma_start3A_183 : memref<1x1x64xf32, #tpu.memory_space<vmem>> -> memref<64xf32, #tpu.memory_space<vmem>>
      %dma_start3A_185 = arith.constant 0 : i32
      %dma_start3A_186 = tpu.memref_slice %arg3[%squeeze3A_156, %dma_start3A_185] : memref<2600000x64xf32, #tpu.memory_space<hbm>> -> memref<1x64xf32, #tpu.memory_space<hbm>>
      %dma_start3A_187 = tpu.memref_squeeze %dma_start3A_186 : memref<1x64xf32, #tpu.memory_space<hbm>> -> memref<64xf32, #tpu.memory_space<hbm>>
      %dma_start3A_188 = arith.constant 64 : i32
      %dma_start3A_189 = tpu.memref_slice %arg6[%dma_start3A_181, %select_n3A_180, %dma_start3A_188] : memref<2x64x128xf32, #tpu.memory_space<vmem>> -> memref<1x1x64xf32, #tpu.memory_space<vmem>>
      %dma_start3A_190 = tpu.memref_squeeze %dma_start3A_189 : memref<1x1x64xf32, #tpu.memory_space<vmem>> -> memref<64xf32, #tpu.memory_space<vmem>>
      %dma_start3A_191 = arith.constant 0 : i32
      %dma_start3A_192 = tpu.memref_slice %arg3[%squeeze3A_156, %dma_start3A_191] : memref<2600000x64xf32, #tpu.memory_space<hbm>> -> memref<1x64xf32, #tpu.memory_space<hbm>>
      %dma_start3A_193 = tpu.memref_squeeze %dma_start3A_192 : memref<1x64xf32, #tpu.memory_space<hbm>> -> memref<64xf32, #tpu.memory_space<hbm>>
      tpu.enqueue_dma source(%dma_start3A_193 : memref<64xf32, #tpu.memory_space<hbm>>) target(%dma_start3A_190 : memref<64xf32, #tpu.memory_space<vmem>>) target_semaphore(%arg7 : memref<!tpu.dma_semaphore, #tpu.memory_space<semaphore_mem>>)
      %mul3A_194 = arith.constant 16 : i32
      %mul3A_195 = arith.muli %scan3A_26, %mul3A_194 : i32
      %add3A_196 = arith.constant 4 : i32
      %add3A_197 = arith.addi %mul3A_195, %add3A_196 : i32
      %slice3A_198 = vector.extract_strided_slice %get3A_32 {offsets = [4], sizes = [1], strides = [1]} : vector<16xi32> to vector<1xi32>
      %squeeze3A_199 = vector.extract %slice3A_198[0] : i32 from vector<1xi32>
      %jit3A_200 = arith.constant 2 : i32
      %div3A_201 = arith.divsi %add3A_197, %jit3A_200 : i32
      %sign3A_202 = arith.constant 0 : i32
      %sign3A_203 = arith.cmpi sgt, %add3A_197, %sign3A_202 : i32
      %sign3A_204 = arith.extui %sign3A_203 : i1 to i32
      %sign3A_205 = arith.constant 0 : i32
      %sign3A_206 = arith.cmpi slt, %add3A_197, %sign3A_205 : i32
      %sign3A_207 = arith.extui %sign3A_206 : i1 to i32
      %sign3A_208 = arith.subi %sign3A_204, %sign3A_207 : i32
      %sign3A_209 = arith.constant 0 : i32
      %sign3A_210 = arith.cmpi sgt, %jit3A_200, %sign3A_209 : i32
      %sign3A_211 = arith.extui %sign3A_210 : i1 to i32
      %sign3A_212 = arith.constant 0 : i32
      %sign3A_213 = arith.cmpi slt, %jit3A_200, %sign3A_212 : i32
      %sign3A_214 = arith.extui %sign3A_213 : i1 to i32
      %sign3A_215 = arith.subi %sign3A_211, %sign3A_214 : i32
      %ne3A_216 = arith.cmpi ne, %sign3A_208, %sign3A_215 : i32
      %rem3A_217 = arith.remsi %add3A_197, %jit3A_200 : i32
      %ne3A_218 = arith.constant 0 : i32
      %ne3A_219 = arith.cmpi ne, %rem3A_217, %ne3A_218 : i32
      %and3A_220 = arith.andi %ne3A_216, %ne3A_219 : i1
      %sub3A_221 = arith.constant 1 : i32
      %sub3A_222 = arith.subi %div3A_201, %sub3A_221 : i32
      %select_n3A_223 = arith.select %and3A_220, %sub3A_222, %div3A_201 : i32
      %dma_start3A_224 = arith.constant 0 : i32
      %dma_start3A_225 = arith.constant 0 : i32
      %dma_start3A_226 = tpu.memref_slice %arg6[%dma_start3A_224, %select_n3A_223, %dma_start3A_225] : memref<2x64x128xf32, #tpu.memory_space<vmem>> -> memref<1x1x64xf32, #tpu.memory_space<vmem>>
      %dma_start3A_227 = tpu.memref_squeeze %dma_start3A_226 : memref<1x1x64xf32, #tpu.memory_space<vmem>> -> memref<64xf32, #tpu.memory_space<vmem>>
      %dma_start3A_228 = arith.constant 0 : i32
      %dma_start3A_229 = tpu.memref_slice %arg3[%squeeze3A_199, %dma_start3A_228] : memref<2600000x64xf32, #tpu.memory_space<hbm>> -> memref<1x64xf32, #tpu.memory_space<hbm>>
      %dma_start3A_230 = tpu.memref_squeeze %dma_start3A_229 : memref<1x64xf32, #tpu.memory_space<hbm>> -> memref<64xf32, #tpu.memory_space<hbm>>
      %dma_start3A_231 = arith.constant 0 : i32
      %dma_start3A_232 = tpu.memref_slice %arg6[%dma_start3A_224, %select_n3A_223, %dma_start3A_231] : memref<2x64x128xf32, #tpu.memory_space<vmem>> -> memref<1x1x64xf32, #tpu.memory_space<vmem>>
      %dma_start3A_233 = tpu.memref_squeeze %dma_start3A_232 : memref<1x1x64xf32, #tpu.memory_space<vmem>> -> memref<64xf32, #tpu.memory_space<vmem>>
      %dma_start3A_234 = arith.constant 0 : i32
      %dma_start3A_235 = tpu.memref_slice %arg3[%squeeze3A_199, %dma_start3A_234] : memref<2600000x64xf32, #tpu.memory_space<hbm>> -> memref<1x64xf32, #tpu.memory_space<hbm>>
      %dma_start3A_236 = tpu.memref_squeeze %dma_start3A_235 : memref<1x64xf32, #tpu.memory_space<hbm>> -> memref<64xf32, #tpu.memory_space<hbm>>
      tpu.enqueue_dma source(%dma_start3A_236 : memref<64xf32, #tpu.memory_space<hbm>>) target(%dma_start3A_233 : memref<64xf32, #tpu.memory_space<vmem>>) target_semaphore(%arg7 : memref<!tpu.dma_semaphore, #tpu.memory_space<semaphore_mem>>)
      %mul3A_237 = arith.constant 16 : i32
      %mul3A_238 = arith.muli %scan3A_26, %mul3A_237 : i32
      %add3A_239 = arith.constant 5 : i32
      %add3A_240 = arith.addi %mul3A_238, %add3A_239 : i32
      %slice3A_241 = vector.extract_strided_slice %get3A_32 {offsets = [5], sizes = [1], strides = [1]} : vector<16xi32> to vector<1xi32>
      %squeeze3A_242 = vector.extract %slice3A_241[0] : i32 from vector<1xi32>
      %jit3A_243 = arith.constant 2 : i32
      %div3A_244 = arith.divsi %add3A_240, %jit3A_243 : i32
      %sign3A_245 = arith.constant 0 : i32
      %sign3A_246 = arith.cmpi sgt, %add3A_240, %sign3A_245 : i32
      %sign3A_247 = arith.extui %sign3A_246 : i1 to i32
      %sign3A_248 = arith.constant 0 : i32
      %sign3A_249 = arith.cmpi slt, %add3A_240, %sign3A_248 : i32
      %sign3A_250 = arith.extui %sign3A_249 : i1 to i32
      %sign3A_251 = arith.subi %sign3A_247, %sign3A_250 : i32
      %sign3A_252 = arith.constant 0 : i32
      %sign3A_253 = arith.cmpi sgt, %jit3A_243, %sign3A_252 : i32
      %sign3A_254 = arith.extui %sign3A_253 : i1 to i32
      %sign3A_255 = arith.constant 0 : i32
      %sign3A_256 = arith.cmpi slt, %jit3A_243, %sign3A_255 : i32
      %sign3A_257 = arith.extui %sign3A_256 : i1 to i32
      %sign3A_258 = arith.subi %sign3A_254, %sign3A_257 : i32
      %ne3A_259 = arith.cmpi ne, %sign3A_251, %sign3A_258 : i32
      %rem3A_260 = arith.remsi %add3A_240, %jit3A_243 : i32
      %ne3A_261 = arith.constant 0 : i32
      %ne3A_262 = arith.cmpi ne, %rem3A_260, %ne3A_261 : i32
      %and3A_263 = arith.andi %ne3A_259, %ne3A_262 : i1
      %sub3A_264 = arith.constant 1 : i32
      %sub3A_265 = arith.subi %div3A_244, %sub3A_264 : i32
      %select_n3A_266 = arith.select %and3A_263, %sub3A_265, %div3A_244 : i32
      %dma_start3A_267 = arith.constant 0 : i32
      %dma_start3A_268 = arith.constant 64 : i32
      %dma_start3A_269 = tpu.memref_slice %arg6[%dma_start3A_267, %select_n3A_266, %dma_start3A_268] : memref<2x64x128xf32, #tpu.memory_space<vmem>> -> memref<1x1x64xf32, #tpu.memory_space<vmem>>
      %dma_start3A_270 = tpu.memref_squeeze %dma_start3A_269 : memref<1x1x64xf32, #tpu.memory_space<vmem>> -> memref<64xf32, #tpu.memory_space<vmem>>
      %dma_start3A_271 = arith.constant 0 : i32
      %dma_start3A_272 = tpu.memref_slice %arg3[%squeeze3A_242, %dma_start3A_271] : memref<2600000x64xf32, #tpu.memory_space<hbm>> -> memref<1x64xf32, #tpu.memory_space<hbm>>
      %dma_start3A_273 = tpu.memref_squeeze %dma_start3A_272 : memref<1x64xf32, #tpu.memory_space<hbm>> -> memref<64xf32, #tpu.memory_space<hbm>>
      %dma_start3A_274 = arith.constant 64 : i32
      %dma_start3A_275 = tpu.memref_slice %arg6[%dma_start3A_267, %select_n3A_266, %dma_start3A_274] : memref<2x64x128xf32, #tpu.memory_space<vmem>> -> memref<1x1x64xf32, #tpu.memory_space<vmem>>
      %dma_start3A_276 = tpu.memref_squeeze %dma_start3A_275 : memref<1x1x64xf32, #tpu.memory_space<vmem>> -> memref<64xf32, #tpu.memory_space<vmem>>
      %dma_start3A_277 = arith.constant 0 : i32
      %dma_start3A_278 = tpu.memref_slice %arg3[%squeeze3A_242, %dma_start3A_277] : memref<2600000x64xf32, #tpu.memory_space<hbm>> -> memref<1x64xf32, #tpu.memory_space<hbm>>
      %dma_start3A_279 = tpu.memref_squeeze %dma_start3A_278 : memref<1x64xf32, #tpu.memory_space<hbm>> -> memref<64xf32, #tpu.memory_space<hbm>>
      tpu.enqueue_dma source(%dma_start3A_279 : memref<64xf32, #tpu.memory_space<hbm>>) target(%dma_start3A_276 : memref<64xf32, #tpu.memory_space<vmem>>) target_semaphore(%arg7 : memref<!tpu.dma_semaphore, #tpu.memory_space<semaphore_mem>>)
      %mul3A_280 = arith.constant 16 : i32
      %mul3A_281 = arith.muli %scan3A_26, %mul3A_280 : i32
      %add3A_282 = arith.constant 6 : i32
      %add3A_283 = arith.addi %mul3A_281, %add3A_282 : i32
      %slice3A_284 = vector.extract_strided_slice %get3A_32 {offsets = [6], sizes = [1], strides = [1]} : vector<16xi32> to vector<1xi32>
      %squeeze3A_285 = vector.extract %slice3A_284[0] : i32 from vector<1xi32>
      %jit3A_286 = arith.constant 2 : i32
      %div3A_287 = arith.divsi %add3A_283, %jit3A_286 : i32
      %sign3A_288 = arith.constant 0 : i32
      %sign3A_289 = arith.cmpi sgt, %add3A_283, %sign3A_288 : i32
      %sign3A_290 = arith.extui %sign3A_289 : i1 to i32
      %sign3A_291 = arith.constant 0 : i32
      %sign3A_292 = arith.cmpi slt, %add3A_283, %sign3A_291 : i32
      %sign3A_293 = arith.extui %sign3A_292 : i1 to i32
      %sign3A_294 = arith.subi %sign3A_290, %sign3A_293 : i32
      %sign3A_295 = arith.constant 0 : i32
      %sign3A_296 = arith.cmpi sgt, %jit3A_286, %sign3A_295 : i32
      %sign3A_297 = arith.extui %sign3A_296 : i1 to i32
      %sign3A_298 = arith.constant 0 : i32
      %sign3A_299 = arith.cmpi slt, %jit3A_286, %sign3A_298 : i32
      %sign3A_300 = arith.extui %sign3A_299 : i1 to i32
      %sign3A_301 = arith.subi %sign3A_297, %sign3A_300 : i32
      %ne3A_302 = arith.cmpi ne, %sign3A_294, %sign3A_301 : i32
      %rem3A_303 = arith.remsi %add3A_283, %jit3A_286 : i32
      %ne3A_304 = arith.constant 0 : i32
      %ne3A_305 = arith.cmpi ne, %rem3A_303, %ne3A_304 : i32
      %and3A_306 = arith.andi %ne3A_302, %ne3A_305 : i1
      %sub3A_307 = arith.constant 1 : i32
      %sub3A_308 = arith.subi %div3A_287, %sub3A_307 : i32
      %select_n3A_309 = arith.select %and3A_306, %sub3A_308, %div3A_287 : i32
      %dma_start3A_310 = arith.constant 0 : i32
      %dma_start3A_311 = arith.constant 0 : i32
      %dma_start3A_312 = tpu.memref_slice %arg6[%dma_start3A_310, %select_n3A_309, %dma_start3A_311] : memref<2x64x128xf32, #tpu.memory_space<vmem>> -> memref<1x1x64xf32, #tpu.memory_space<vmem>>
      %dma_start3A_313 = tpu.memref_squeeze %dma_start3A_312 : memref<1x1x64xf32, #tpu.memory_space<vmem>> -> memref<64xf32, #tpu.memory_space<vmem>>
      %dma_start3A_314 = arith.constant 0 : i32
      %dma_start3A_315 = tpu.memref_slice %arg3[%squeeze3A_285, %dma_start3A_314] : memref<2600000x64xf32, #tpu.memory_space<hbm>> -> memref<1x64xf32, #tpu.memory_space<hbm>>
      %dma_start3A_316 = tpu.memref_squeeze %dma_start3A_315 : memref<1x64xf32, #tpu.memory_space<hbm>> -> memref<64xf32, #tpu.memory_space<hbm>>
      %dma_start3A_317 = arith.constant 0 : i32
      %dma_start3A_318 = tpu.memref_slice %arg6[%dma_start3A_310, %select_n3A_309, %dma_start3A_317] : memref<2x64x128xf32, #tpu.memory_space<vmem>> -> memref<1x1x64xf32, #tpu.memory_space<vmem>>
      %dma_start3A_319 = tpu.memref_squeeze %dma_start3A_318 : memref<1x1x64xf32, #tpu.memory_space<vmem>> -> memref<64xf32, #tpu.memory_space<vmem>>
      %dma_start3A_320 = arith.constant 0 : i32
      %dma_start3A_321 = tpu.memref_slice %arg3[%squeeze3A_285, %dma_start3A_320] : memref<2600000x64xf32, #tpu.memory_space<hbm>> -> memref<1x64xf32, #tpu.memory_space<hbm>>
      %dma_start3A_322 = tpu.memref_squeeze %dma_start3A_321 : memref<1x64xf32, #tpu.memory_space<hbm>> -> memref<64xf32, #tpu.memory_space<hbm>>
      tpu.enqueue_dma source(%dma_start3A_322 : memref<64xf32, #tpu.memory_space<hbm>>) target(%dma_start3A_319 : memref<64xf32, #tpu.memory_space<vmem>>) target_semaphore(%arg7 : memref<!tpu.dma_semaphore, #tpu.memory_space<semaphore_mem>>)
      %mul3A_323 = arith.constant 16 : i32
      %mul3A_324 = arith.muli %scan3A_26, %mul3A_323 : i32
      %add3A_325 = arith.constant 7 : i32
      %add3A_326 = arith.addi %mul3A_324, %add3A_325 : i32
      %slice3A_327 = vector.extract_strided_slice %get3A_32 {offsets = [7], sizes = [1], strides = [1]} : vector<16xi32> to vector<1xi32>
      %squeeze3A_328 = vector.extract %slice3A_327[0] : i32 from vector<1xi32>
      %jit3A_329 = arith.constant 2 : i32
      %div3A_330 = arith.divsi %add3A_326, %jit3A_329 : i32
      %sign3A_331 = arith.constant 0 : i32
      %sign3A_332 = arith.cmpi sgt, %add3A_326, %sign3A_331 : i32
      %sign3A_333 = arith.extui %sign3A_332 : i1 to i32
      %sign3A_334 = arith.constant 0 : i32
      %sign3A_335 = arith.cmpi slt, %add3A_326, %sign3A_334 : i32
      %sign3A_336 = arith.extui %sign3A_335 : i1 to i32
      %sign3A_337 = arith.subi %sign3A_333, %sign3A_336 : i32
      %sign3A_338 = arith.constant 0 : i32
      %sign3A_339 = arith.cmpi sgt, %jit3A_329, %sign3A_338 : i32
      %sign3A_340 = arith.extui %sign3A_339 : i1 to i32
      %sign3A_341 = arith.constant 0 : i32
      %sign3A_342 = arith.cmpi slt, %jit3A_329, %sign3A_341 : i32
      %sign3A_343 = arith.extui %sign3A_342 : i1 to i32
      %sign3A_344 = arith.subi %sign3A_340, %sign3A_343 : i32
      %ne3A_345 = arith.cmpi ne, %sign3A_337, %sign3A_344 : i32
      %rem3A_346 = arith.remsi %add3A_326, %jit3A_329 : i32
      %ne3A_347 = arith.constant 0 : i32
      %ne3A_348 = arith.cmpi ne, %rem3A_346, %ne3A_347 : i32
      %and3A_349 = arith.andi %ne3A_345, %ne3A_348 : i1
      %sub3A_350 = arith.constant 1 : i32
      %sub3A_351 = arith.subi %div3A_330, %sub3A_350 : i32
      %select_n3A_352 = arith.select %and3A_349, %sub3A_351, %div3A_330 : i32
      %dma_start3A_353 = arith.constant 0 : i32
      %dma_start3A_354 = arith.constant 64 : i32
      %dma_start3A_355 = tpu.memref_slice %arg6[%dma_start3A_353, %select_n3A_352, %dma_start3A_354] : memref<2x64x128xf32, #tpu.memory_space<vmem>> -> memref<1x1x64xf32, #tpu.memory_space<vmem>>
      %dma_start3A_356 = tpu.memref_squeeze %dma_start3A_355 : memref<1x1x64xf32, #tpu.memory_space<vmem>> -> memref<64xf32, #tpu.memory_space<vmem>>
      %dma_start3A_357 = arith.constant 0 : i32
      %dma_start3A_358 = tpu.memref_slice %arg3[%squeeze3A_328, %dma_start3A_357] : memref<2600000x64xf32, #tpu.memory_space<hbm>> -> memref<1x64xf32, #tpu.memory_space<hbm>>
      %dma_start3A_359 = tpu.memref_squeeze %dma_start3A_358 : memref<1x64xf32, #tpu.memory_space<hbm>> -> memref<64xf32, #tpu.memory_space<hbm>>
      %dma_start3A_360 = arith.constant 64 : i32
      %dma_start3A_361 = tpu.memref_slice %arg6[%dma_start3A_353, %select_n3A_352, %dma_start3A_360] : memref<2x64x128xf32, #tpu.memory_space<vmem>> -> memref<1x1x64xf32, #tpu.memory_space<vmem>>
      %dma_start3A_362 = tpu.memref_squeeze %dma_start3A_361 : memref<1x1x64xf32, #tpu.memory_space<vmem>> -> memref<64xf32, #tpu.memory_space<vmem>>
      %dma_start3A_363 = arith.constant 0 : i32
      %dma_start3A_364 = tpu.memref_slice %arg3[%squeeze3A_328, %dma_start3A_363] : memref<2600000x64xf32, #tpu.memory_space<hbm>> -> memref<1x64xf32, #tpu.memory_space<hbm>>
      %dma_start3A_365 = tpu.memref_squeeze %dma_start3A_364 : memref<1x64xf32, #tpu.memory_space<hbm>> -> memref<64xf32, #tpu.memory_space<hbm>>
      tpu.enqueue_dma source(%dma_start3A_365 : memref<64xf32, #tpu.memory_space<hbm>>) target(%dma_start3A_362 : memref<64xf32, #tpu.memory_space<vmem>>) target_semaphore(%arg7 : memref<!tpu.dma_semaphore, #tpu.memory_space<semaphore_mem>>)
      %mul3A_366 = arith.constant 16 : i32
      %mul3A_367 = arith.muli %scan3A_26, %mul3A_366 : i32
      %add3A_368 = arith.constant 8 : i32
      %add3A_369 = arith.addi %mul3A_367, %add3A_368 : i32
      %slice3A_370 = vector.extract_strided_slice %get3A_32 {offsets = [8], sizes = [1], strides = [1]} : vector<16xi32> to vector<1xi32>
      %squeeze3A_371 = vector.extract %slice3A_370[0] : i32 from vector<1xi32>
      %jit3A_372 = arith.constant 2 : i32
      %div3A_373 = arith.divsi %add3A_369, %jit3A_372 : i32
      %sign3A_374 = arith.constant 0 : i32
      %sign3A_375 = arith.cmpi sgt, %add3A_369, %sign3A_374 : i32
      %sign3A_376 = arith.extui %sign3A_375 : i1 to i32
      %sign3A_377 = arith.constant 0 : i32
      %sign3A_378 = arith.cmpi slt, %add3A_369, %sign3A_377 : i32
      %sign3A_379 = arith.extui %sign3A_378 : i1 to i32
      %sign3A_380 = arith.subi %sign3A_376, %sign3A_379 : i32
      %sign3A_381 = arith.constant 0 : i32
      %sign3A_382 = arith.cmpi sgt, %jit3A_372, %sign3A_381 : i32
      %sign3A_383 = arith.extui %sign3A_382 : i1 to i32
      %sign3A_384 = arith.constant 0 : i32
      %sign3A_385 = arith.cmpi slt, %jit3A_372, %sign3A_384 : i32
      %sign3A_386 = arith.extui %sign3A_385 : i1 to i32
      %sign3A_387 = arith.subi %sign3A_383, %sign3A_386 : i32
      %ne3A_388 = arith.cmpi ne, %sign3A_380, %sign3A_387 : i32
      %rem3A_389 = arith.remsi %add3A_369, %jit3A_372 : i32
      %ne3A_390 = arith.constant 0 : i32
      %ne3A_391 = arith.cmpi ne, %rem3A_389, %ne3A_390 : i32
      %and3A_392 = arith.andi %ne3A_388, %ne3A_391 : i1
      %sub3A_393 = arith.constant 1 : i32
      %sub3A_394 = arith.subi %div3A_373, %sub3A_393 : i32
      %select_n3A_395 = arith.select %and3A_392, %sub3A_394, %div3A_373 : i32
      %dma_start3A_396 = arith.constant 0 : i32
      %dma_start3A_397 = arith.constant 0 : i32
      %dma_start3A_398 = tpu.memref_slice %arg6[%dma_start3A_396, %select_n3A_395, %dma_start3A_397] : memref<2x64x128xf32, #tpu.memory_space<vmem>> -> memref<1x1x64xf32, #tpu.memory_space<vmem>>
      %dma_start3A_399 = tpu.memref_squeeze %dma_start3A_398 : memref<1x1x64xf32, #tpu.memory_space<vmem>> -> memref<64xf32, #tpu.memory_space<vmem>>
      %dma_start3A_400 = arith.constant 0 : i32
      %dma_start3A_401 = tpu.memref_slice %arg3[%squeeze3A_371, %dma_start3A_400] : memref<2600000x64xf32, #tpu.memory_space<hbm>> -> memref<1x64xf32, #tpu.memory_space<hbm>>
      %dma_start3A_402 = tpu.memref_squeeze %dma_start3A_401 : memref<1x64xf32, #tpu.memory_space<hbm>> -> memref<64xf32, #tpu.memory_space<hbm>>
      %dma_start3A_403 = arith.constant 0 : i32
      %dma_start3A_404 = tpu.memref_slice %arg6[%dma_start3A_396, %select_n3A_395, %dma_start3A_403] : memref<2x64x128xf32, #tpu.memory_space<vmem>> -> memref<1x1x64xf32, #tpu.memory_space<vmem>>
      %dma_start3A_405 = tpu.memref_squeeze %dma_start3A_404 : memref<1x1x64xf32, #tpu.memory_space<vmem>> -> memref<64xf32, #tpu.memory_space<vmem>>
      %dma_start3A_406 = arith.constant 0 : i32
      %dma_start3A_407 = tpu.memref_slice %arg3[%squeeze3A_371, %dma_start3A_406] : memref<2600000x64xf32, #tpu.memory_space<hbm>> -> memref<1x64xf32, #tpu.memory_space<hbm>>
      %dma_start3A_408 = tpu.memref_squeeze %dma_start3A_407 : memref<1x64xf32, #tpu.memory_space<hbm>> -> memref<64xf32, #tpu.memory_space<hbm>>
      tpu.enqueue_dma source(%dma_start3A_408 : memref<64xf32, #tpu.memory_space<hbm>>) target(%dma_start3A_405 : memref<64xf32, #tpu.memory_space<vmem>>) target_semaphore(%arg7 : memref<!tpu.dma_semaphore, #tpu.memory_space<semaphore_mem>>)
      %mul3A_409 = arith.constant 16 : i32
      %mul3A_410 = arith.muli %scan3A_26, %mul3A_409 : i32
      %add3A_411 = arith.constant 9 : i32
      %add3A_412 = arith.addi %mul3A_410, %add3A_411 : i32
      %slice3A_413 = vector.extract_strided_slice %get3A_32 {offsets = [9], sizes = [1], strides = [1]} : vector<16xi32> to vector<1xi32>
      %squeeze3A_414 = vector.extract %slice3A_413[0] : i32 from vector<1xi32>
      %jit3A_415 = arith.constant 2 : i32
      %div3A_416 = arith.divsi %add3A_412, %jit3A_415 : i32
      %sign3A_417 = arith.constant 0 : i32
      %sign3A_418 = arith.cmpi sgt, %add3A_412, %sign3A_417 : i32
      %sign3A_419 = arith.extui %sign3A_418 : i1 to i32
      %sign3A_420 = arith.constant 0 : i32
      %sign3A_421 = arith.cmpi slt, %add3A_412, %sign3A_420 : i32
      %sign3A_422 = arith.extui %sign3A_421 : i1 to i32
      %sign3A_423 = arith.subi %sign3A_419, %sign3A_422 : i32
      %sign3A_424 = arith.constant 0 : i32
      %sign3A_425 = arith.cmpi sgt, %jit3A_415, %sign3A_424 : i32
      %sign3A_426 = arith.extui %sign3A_425 : i1 to i32
      %sign3A_427 = arith.constant 0 : i32
      %sign3A_428 = arith.cmpi slt, %jit3A_415, %sign3A_427 : i32
      %sign3A_429 = arith.extui %sign3A_428 : i1 to i32
      %sign3A_430 = arith.subi %sign3A_426, %sign3A_429 : i32
      %ne3A_431 = arith.cmpi ne, %sign3A_423, %sign3A_430 : i32
      %rem3A_432 = arith.remsi %add3A_412, %jit3A_415 : i32
      %ne3A_433 = arith.constant 0 : i32
      %ne3A_434 = arith.cmpi ne, %rem3A_432, %ne3A_433 : i32
      %and3A_435 = arith.andi %ne3A_431, %ne3A_434 : i1
      %sub3A_436 = arith.constant 1 : i32
      %sub3A_437 = arith.subi %div3A_416, %sub3A_436 : i32
      %select_n3A_438 = arith.select %and3A_435, %sub3A_437, %div3A_416 : i32
      %dma_start3A_439 = arith.constant 0 : i32
      %dma_start3A_440 = arith.constant 64 : i32
      %dma_start3A_441 = tpu.memref_slice %arg6[%dma_start3A_439, %select_n3A_438, %dma_start3A_440] : memref<2x64x128xf32, #tpu.memory_space<vmem>> -> memref<1x1x64xf32, #tpu.memory_space<vmem>>
      %dma_start3A_442 = tpu.memref_squeeze %dma_start3A_441 : memref<1x1x64xf32, #tpu.memory_space<vmem>> -> memref<64xf32, #tpu.memory_space<vmem>>
      %dma_start3A_443 = arith.constant 0 : i32
      %dma_start3A_444 = tpu.memref_slice %arg3[%squeeze3A_414, %dma_start3A_443] : memref<2600000x64xf32, #tpu.memory_space<hbm>> -> memref<1x64xf32, #tpu.memory_space<hbm>>
      %dma_start3A_445 = tpu.memref_squeeze %dma_start3A_444 : memref<1x64xf32, #tpu.memory_space<hbm>> -> memref<64xf32, #tpu.memory_space<hbm>>
      %dma_start3A_446 = arith.constant 64 : i32
      %dma_start3A_447 = tpu.memref_slice %arg6[%dma_start3A_439, %select_n3A_438, %dma_start3A_446] : memref<2x64x128xf32, #tpu.memory_space<vmem>> -> memref<1x1x64xf32, #tpu.memory_space<vmem>>
      %dma_start3A_448 = tpu.memref_squeeze %dma_start3A_447 : memref<1x1x64xf32, #tpu.memory_space<vmem>> -> memref<64xf32, #tpu.memory_space<vmem>>
      %dma_start3A_449 = arith.constant 0 : i32
      %dma_start3A_450 = tpu.memref_slice %arg3[%squeeze3A_414, %dma_start3A_449] : memref<2600000x64xf32, #tpu.memory_space<hbm>> -> memref<1x64xf32, #tpu.memory_space<hbm>>
      %dma_start3A_451 = tpu.memref_squeeze %dma_start3A_450 : memref<1x64xf32, #tpu.memory_space<hbm>> -> memref<64xf32, #tpu.memory_space<hbm>>
      tpu.enqueue_dma source(%dma_start3A_451 : memref<64xf32, #tpu.memory_space<hbm>>) target(%dma_start3A_448 : memref<64xf32, #tpu.memory_space<vmem>>) target_semaphore(%arg7 : memref<!tpu.dma_semaphore, #tpu.memory_space<semaphore_mem>>)
      %mul3A_452 = arith.constant 16 : i32
      %mul3A_453 = arith.muli %scan3A_26, %mul3A_452 : i32
      %add3A_454 = arith.constant 10 : i32
      %add3A_455 = arith.addi %mul3A_453, %add3A_454 : i32
      %slice3A_456 = vector.extract_strided_slice %get3A_32 {offsets = [10], sizes = [1], strides = [1]} : vector<16xi32> to vector<1xi32>
      %squeeze3A_457 = vector.extract %slice3A_456[0] : i32 from vector<1xi32>
      %jit3A_458 = arith.constant 2 : i32
      %div3A_459 = arith.divsi %add3A_455, %jit3A_458 : i32
      %sign3A_460 = arith.constant 0 : i32
      %sign3A_461 = arith.cmpi sgt, %add3A_455, %sign3A_460 : i32
      %sign3A_462 = arith.extui %sign3A_461 : i1 to i32
      %sign3A_463 = arith.constant 0 : i32
      %sign3A_464 = arith.cmpi slt, %add3A_455, %sign3A_463 : i32
      %sign3A_465 = arith.extui %sign3A_464 : i1 to i32
      %sign3A_466 = arith.subi %sign3A_462, %sign3A_465 : i32
      %sign3A_467 = arith.constant 0 : i32
      %sign3A_468 = arith.cmpi sgt, %jit3A_458, %sign3A_467 : i32
      %sign3A_469 = arith.extui %sign3A_468 : i1 to i32
      %sign3A_470 = arith.constant 0 : i32
      %sign3A_471 = arith.cmpi slt, %jit3A_458, %sign3A_470 : i32
      %sign3A_472 = arith.extui %sign3A_471 : i1 to i32
      %sign3A_473 = arith.subi %sign3A_469, %sign3A_472 : i32
      %ne3A_474 = arith.cmpi ne, %sign3A_466, %sign3A_473 : i32
      %rem3A_475 = arith.remsi %add3A_455, %jit3A_458 : i32
      %ne3A_476 = arith.constant 0 : i32
      %ne3A_477 = arith.cmpi ne, %rem3A_475, %ne3A_476 : i32
      %and3A_478 = arith.andi %ne3A_474, %ne3A_477 : i1
      %sub3A_479 = arith.constant 1 : i32
      %sub3A_480 = arith.subi %div3A_459, %sub3A_479 : i32
      %select_n3A_481 = arith.select %and3A_478, %sub3A_480, %div3A_459 : i32
      %dma_start3A_482 = arith.constant 0 : i32
      %dma_start3A_483 = arith.constant 0 : i32
      %dma_start3A_484 = tpu.memref_slice %arg6[%dma_start3A_482, %select_n3A_481, %dma_start3A_483] : memref<2x64x128xf32, #tpu.memory_space<vmem>> -> memref<1x1x64xf32, #tpu.memory_space<vmem>>
      %dma_start3A_485 = tpu.memref_squeeze %dma_start3A_484 : memref<1x1x64xf32, #tpu.memory_space<vmem>> -> memref<64xf32, #tpu.memory_space<vmem>>
      %dma_start3A_486 = arith.constant 0 : i32
      %dma_start3A_487 = tpu.memref_slice %arg3[%squeeze3A_457, %dma_start3A_486] : memref<2600000x64xf32, #tpu.memory_space<hbm>> -> memref<1x64xf32, #tpu.memory_space<hbm>>
      %dma_start3A_488 = tpu.memref_squeeze %dma_start3A_487 : memref<1x64xf32, #tpu.memory_space<hbm>> -> memref<64xf32, #tpu.memory_space<hbm>>
      %dma_start3A_489 = arith.constant 0 : i32
      %dma_start3A_490 = tpu.memref_slice %arg6[%dma_start3A_482, %select_n3A_481, %dma_start3A_489] : memref<2x64x128xf32, #tpu.memory_space<vmem>> -> memref<1x1x64xf32, #tpu.memory_space<vmem>>
      %dma_start3A_491 = tpu.memref_squeeze %dma_start3A_490 : memref<1x1x64xf32, #tpu.memory_space<vmem>> -> memref<64xf32, #tpu.memory_space<vmem>>
      %dma_start3A_492 = arith.constant 0 : i32
      %dma_start3A_493 = tpu.memref_slice %arg3[%squeeze3A_457, %dma_start3A_492] : memref<2600000x64xf32, #tpu.memory_space<hbm>> -> memref<1x64xf32, #tpu.memory_space<hbm>>
      %dma_start3A_494 = tpu.memref_squeeze %dma_start3A_493 : memref<1x64xf32, #tpu.memory_space<hbm>> -> memref<64xf32, #tpu.memory_space<hbm>>
      tpu.enqueue_dma source(%dma_start3A_494 : memref<64xf32, #tpu.memory_space<hbm>>) target(%dma_start3A_491 : memref<64xf32, #tpu.memory_space<vmem>>) target_semaphore(%arg7 : memref<!tpu.dma_semaphore, #tpu.memory_space<semaphore_mem>>)
      %mul3A_495 = arith.constant 16 : i32
      %mul3A_496 = arith.muli %scan3A_26, %mul3A_495 : i32
      %add3A_497 = arith.constant 11 : i32
      %add3A_498 = arith.addi %mul3A_496, %add3A_497 : i32
      %slice3A_499 = vector.extract_strided_slice %get3A_32 {offsets = [11], sizes = [1], strides = [1]} : vector<16xi32> to vector<1xi32>
      %squeeze3A_500 = vector.extract %slice3A_499[0] : i32 from vector<1xi32>
      %jit3A_501 = arith.constant 2 : i32
      %div3A_502 = arith.divsi %add3A_498, %jit3A_501 : i32
      %sign3A_503 = arith.constant 0 : i32
      %sign3A_504 = arith.cmpi sgt, %add3A_498, %sign3A_503 : i32
      %sign3A_505 = arith.extui %sign3A_504 : i1 to i32
      %sign3A_506 = arith.constant 0 : i32
      %sign3A_507 = arith.cmpi slt, %add3A_498, %sign3A_506 : i32
      %sign3A_508 = arith.extui %sign3A_507 : i1 to i32
      %sign3A_509 = arith.subi %sign3A_505, %sign3A_508 : i32
      %sign3A_510 = arith.constant 0 : i32
      %sign3A_511 = arith.cmpi sgt, %jit3A_501, %sign3A_510 : i32
      %sign3A_512 = arith.extui %sign3A_511 : i1 to i32
      %sign3A_513 = arith.constant 0 : i32
      %sign3A_514 = arith.cmpi slt, %jit3A_501, %sign3A_513 : i32
      %sign3A_515 = arith.extui %sign3A_514 : i1 to i32
      %sign3A_516 = arith.subi %sign3A_512, %sign3A_515 : i32
      %ne3A_517 = arith.cmpi ne, %sign3A_509, %sign3A_516 : i32
      %rem3A_518 = arith.remsi %add3A_498, %jit3A_501 : i32
      %ne3A_519 = arith.constant 0 : i32
      %ne3A_520 = arith.cmpi ne, %rem3A_518, %ne3A_519 : i32
      %and3A_521 = arith.andi %ne3A_517, %ne3A_520 : i1
      %sub3A_522 = arith.constant 1 : i32
      %sub3A_523 = arith.subi %div3A_502, %sub3A_522 : i32
      %select_n3A_524 = arith.select %and3A_521, %sub3A_523, %div3A_502 : i32
      %dma_start3A_525 = arith.constant 0 : i32
      %dma_start3A_526 = arith.constant 64 : i32
      %dma_start3A_527 = tpu.memref_slice %arg6[%dma_start3A_525, %select_n3A_524, %dma_start3A_526] : memref<2x64x128xf32, #tpu.memory_space<vmem>> -> memref<1x1x64xf32, #tpu.memory_space<vmem>>
      %dma_start3A_528 = tpu.memref_squeeze %dma_start3A_527 : memref<1x1x64xf32, #tpu.memory_space<vmem>> -> memref<64xf32, #tpu.memory_space<vmem>>
      %dma_start3A_529 = arith.constant 0 : i32
      %dma_start3A_530 = tpu.memref_slice %arg3[%squeeze3A_500, %dma_start3A_529] : memref<2600000x64xf32, #tpu.memory_space<hbm>> -> memref<1x64xf32, #tpu.memory_space<hbm>>
      %dma_start3A_531 = tpu.memref_squeeze %dma_start3A_530 : memref<1x64xf32, #tpu.memory_space<hbm>> -> memref<64xf32, #tpu.memory_space<hbm>>
      %dma_start3A_532 = arith.constant 64 : i32
      %dma_start3A_533 = tpu.memref_slice %arg6[%dma_start3A_525, %select_n3A_524, %dma_start3A_532] : memref<2x64x128xf32, #tpu.memory_space<vmem>> -> memref<1x1x64xf32, #tpu.memory_space<vmem>>
      %dma_start3A_534 = tpu.memref_squeeze %dma_start3A_533 : memref<1x1x64xf32, #tpu.memory_space<vmem>> -> memref<64xf32, #tpu.memory_space<vmem>>
      %dma_start3A_535 = arith.constant 0 : i32
      %dma_start3A_536 = tpu.memref_slice %arg3[%squeeze3A_500, %dma_start3A_535] : memref<2600000x64xf32, #tpu.memory_space<hbm>> -> memref<1x64xf32, #tpu.memory_space<hbm>>
      %dma_start3A_537 = tpu.memref_squeeze %dma_start3A_536 : memref<1x64xf32, #tpu.memory_space<hbm>> -> memref<64xf32, #tpu.memory_space<hbm>>
      tpu.enqueue_dma source(%dma_start3A_537 : memref<64xf32, #tpu.memory_space<hbm>>) target(%dma_start3A_534 : memref<64xf32, #tpu.memory_space<vmem>>) target_semaphore(%arg7 : memref<!tpu.dma_semaphore, #tpu.memory_space<semaphore_mem>>)
      %mul3A_538 = arith.constant 16 : i32
      %mul3A_539 = arith.muli %scan3A_26, %mul3A_538 : i32
      %add3A_540 = arith.constant 12 : i32
      %add3A_541 = arith.addi %mul3A_539, %add3A_540 : i32
      %slice3A_542 = vector.extract_strided_slice %get3A_32 {offsets = [12], sizes = [1], strides = [1]} : vector<16xi32> to vector<1xi32>
      %squeeze3A_543 = vector.extract %slice3A_542[0] : i32 from vector<1xi32>
      %jit3A_544 = arith.constant 2 : i32
      %div3A_545 = arith.divsi %add3A_541, %jit3A_544 : i32
      %sign3A_546 = arith.constant 0 : i32
      %sign3A_547 = arith.cmpi sgt, %add3A_541, %sign3A_546 : i32
      %sign3A_548 = arith.extui %sign3A_547 : i1 to i32
      %sign3A_549 = arith.constant 0 : i32
      %sign3A_550 = arith.cmpi slt, %add3A_541, %sign3A_549 : i32
      %sign3A_551 = arith.extui %sign3A_550 : i1 to i32
      %sign3A_552 = arith.subi %sign3A_548, %sign3A_551 : i32
      %sign3A_553 = arith.constant 0 : i32
      %sign3A_554 = arith.cmpi sgt, %jit3A_544, %sign3A_553 : i32
      %sign3A_555 = arith.extui %sign3A_554 : i1 to i32
      %sign3A_556 = arith.constant 0 : i32
      %sign3A_557 = arith.cmpi slt, %jit3A_544, %sign3A_556 : i32
      %sign3A_558 = arith.extui %sign3A_557 : i1 to i32
      %sign3A_559 = arith.subi %sign3A_555, %sign3A_558 : i32
      %ne3A_560 = arith.cmpi ne, %sign3A_552, %sign3A_559 : i32
      %rem3A_561 = arith.remsi %add3A_541, %jit3A_544 : i32
      %ne3A_562 = arith.constant 0 : i32
      %ne3A_563 = arith.cmpi ne, %rem3A_561, %ne3A_562 : i32
      %and3A_564 = arith.andi %ne3A_560, %ne3A_563 : i1
      %sub3A_565 = arith.constant 1 : i32
      %sub3A_566 = arith.subi %div3A_545, %sub3A_565 : i32
      %select_n3A_567 = arith.select %and3A_564, %sub3A_566, %div3A_545 : i32
      %dma_start3A_568 = arith.constant 0 : i32
      %dma_start3A_569 = arith.constant 0 : i32
      %dma_start3A_570 = tpu.memref_slice %arg6[%dma_start3A_568, %select_n3A_567, %dma_start3A_569] : memref<2x64x128xf32, #tpu.memory_space<vmem>> -> memref<1x1x64xf32, #tpu.memory_space<vmem>>
      %dma_start3A_571 = tpu.memref_squeeze %dma_start3A_570 : memref<1x1x64xf32, #tpu.memory_space<vmem>> -> memref<64xf32, #tpu.memory_space<vmem>>
      %dma_start3A_572 = arith.constant 0 : i32
      %dma_start3A_573 = tpu.memref_slice %arg3[%squeeze3A_543, %dma_start3A_572] : memref<2600000x64xf32, #tpu.memory_space<hbm>> -> memref<1x64xf32, #tpu.memory_space<hbm>>
      %dma_start3A_574 = tpu.memref_squeeze %dma_start3A_573 : memref<1x64xf32, #tpu.memory_space<hbm>> -> memref<64xf32, #tpu.memory_space<hbm>>
      %dma_start3A_575 = arith.constant 0 : i32
      %dma_start3A_576 = tpu.memref_slice %arg6[%dma_start3A_568, %select_n3A_567, %dma_start3A_575] : memref<2x64x128xf32, #tpu.memory_space<vmem>> -> memref<1x1x64xf32, #tpu.memory_space<vmem>>
      %dma_start3A_577 = tpu.memref_squeeze %dma_start3A_576 : memref<1x1x64xf32, #tpu.memory_space<vmem>> -> memref<64xf32, #tpu.memory_space<vmem>>
      %dma_start3A_578 = arith.constant 0 : i32
      %dma_start3A_579 = tpu.memref_slice %arg3[%squeeze3A_543, %dma_start3A_578] : memref<2600000x64xf32, #tpu.memory_space<hbm>> -> memref<1x64xf32, #tpu.memory_space<hbm>>
      %dma_start3A_580 = tpu.memref_squeeze %dma_start3A_579 : memref<1x64xf32, #tpu.memory_space<hbm>> -> memref<64xf32, #tpu.memory_space<hbm>>
      tpu.enqueue_dma source(%dma_start3A_580 : memref<64xf32, #tpu.memory_space<hbm>>) target(%dma_start3A_577 : memref<64xf32, #tpu.memory_space<vmem>>) target_semaphore(%arg7 : memref<!tpu.dma_semaphore, #tpu.memory_space<semaphore_mem>>)
      %mul3A_581 = arith.constant 16 : i32
      %mul3A_582 = arith.muli %scan3A_26, %mul3A_581 : i32
      %add3A_583 = arith.constant 13 : i32
      %add3A_584 = arith.addi %mul3A_582, %add3A_583 : i32
      %slice3A_585 = vector.extract_strided_slice %get3A_32 {offsets = [13], sizes = [1], strides = [1]} : vector<16xi32> to vector<1xi32>
      %squeeze3A_586 = vector.extract %slice3A_585[0] : i32 from vector<1xi32>
      %jit3A_587 = arith.constant 2 : i32
      %div3A_588 = arith.divsi %add3A_584, %jit3A_587 : i32
      %sign3A_589 = arith.constant 0 : i32
      %sign3A_590 = arith.cmpi sgt, %add3A_584, %sign3A_589 : i32
      %sign3A_591 = arith.extui %sign3A_590 : i1 to i32
      %sign3A_592 = arith.constant 0 : i32
      %sign3A_593 = arith.cmpi slt, %add3A_584, %sign3A_592 : i32
      %sign3A_594 = arith.extui %sign3A_593 : i1 to i32
      %sign3A_595 = arith.subi %sign3A_591, %sign3A_594 : i32
      %sign3A_596 = arith.constant 0 : i32
      %sign3A_597 = arith.cmpi sgt, %jit3A_587, %sign3A_596 : i32
      %sign3A_598 = arith.extui %sign3A_597 : i1 to i32
      %sign3A_599 = arith.constant 0 : i32
      %sign3A_600 = arith.cmpi slt, %jit3A_587, %sign3A_599 : i32
      %sign3A_601 = arith.extui %sign3A_600 : i1 to i32
      %sign3A_602 = arith.subi %sign3A_598, %sign3A_601 : i32
      %ne3A_603 = arith.cmpi ne, %sign3A_595, %sign3A_602 : i32
      %rem3A_604 = arith.remsi %add3A_584, %jit3A_587 : i32
      %ne3A_605 = arith.constant 0 : i32
      %ne3A_606 = arith.cmpi ne, %rem3A_604, %ne3A_605 : i32
      %and3A_607 = arith.andi %ne3A_603, %ne3A_606 : i1
      %sub3A_608 = arith.constant 1 : i32
      %sub3A_609 = arith.subi %div3A_588, %sub3A_608 : i32
      %select_n3A_610 = arith.select %and3A_607, %sub3A_609, %div3A_588 : i32
      %dma_start3A_611 = arith.constant 0 : i32
      %dma_start3A_612 = arith.constant 64 : i32
      %dma_start3A_613 = tpu.memref_slice %arg6[%dma_start3A_611, %select_n3A_610, %dma_start3A_612] : memref<2x64x128xf32, #tpu.memory_space<vmem>> -> memref<1x1x64xf32, #tpu.memory_space<vmem>>
      %dma_start3A_614 = tpu.memref_squeeze %dma_start3A_613 : memref<1x1x64xf32, #tpu.memory_space<vmem>> -> memref<64xf32, #tpu.memory_space<vmem>>
      %dma_start3A_615 = arith.constant 0 : i32
      %dma_start3A_616 = tpu.memref_slice %arg3[%squeeze3A_586, %dma_start3A_615] : memref<2600000x64xf32, #tpu.memory_space<hbm>> -> memref<1x64xf32, #tpu.memory_space<hbm>>
      %dma_start3A_617 = tpu.memref_squeeze %dma_start3A_616 : memref<1x64xf32, #tpu.memory_space<hbm>> -> memref<64xf32, #tpu.memory_space<hbm>>
      %dma_start3A_618 = arith.constant 64 : i32
      %dma_start3A_619 = tpu.memref_slice %arg6[%dma_start3A_611, %select_n3A_610, %dma_start3A_618] : memref<2x64x128xf32, #tpu.memory_space<vmem>> -> memref<1x1x64xf32, #tpu.memory_space<vmem>>
      %dma_start3A_620 = tpu.memref_squeeze %dma_start3A_619 : memref<1x1x64xf32, #tpu.memory_space<vmem>> -> memref<64xf32, #tpu.memory_space<vmem>>
      %dma_start3A_621 = arith.constant 0 : i32
      %dma_start3A_622 = tpu.memref_slice %arg3[%squeeze3A_586, %dma_start3A_621] : memref<2600000x64xf32, #tpu.memory_space<hbm>> -> memref<1x64xf32, #tpu.memory_space<hbm>>
      %dma_start3A_623 = tpu.memref_squeeze %dma_start3A_622 : memref<1x64xf32, #tpu.memory_space<hbm>> -> memref<64xf32, #tpu.memory_space<hbm>>
      tpu.enqueue_dma source(%dma_start3A_623 : memref<64xf32, #tpu.memory_space<hbm>>) target(%dma_start3A_620 : memref<64xf32, #tpu.memory_space<vmem>>) target_semaphore(%arg7 : memref<!tpu.dma_semaphore, #tpu.memory_space<semaphore_mem>>)
      %mul3A_624 = arith.constant 16 : i32
      %mul3A_625 = arith.muli %scan3A_26, %mul3A_624 : i32
      %add3A_626 = arith.constant 14 : i32
      %add3A_627 = arith.addi %mul3A_625, %add3A_626 : i32
      %slice3A_628 = vector.extract_strided_slice %get3A_32 {offsets = [14], sizes = [1], strides = [1]} : vector<16xi32> to vector<1xi32>
      %squeeze3A_629 = vector.extract %slice3A_628[0] : i32 from vector<1xi32>
      %jit3A_630 = arith.constant 2 : i32
      %div3A_631 = arith.divsi %add3A_627, %jit3A_630 : i32
      %sign3A_632 = arith.constant 0 : i32
      %sign3A_633 = arith.cmpi sgt, %add3A_627, %sign3A_632 : i32
      %sign3A_634 = arith.extui %sign3A_633 : i1 to i32
      %sign3A_635 = arith.constant 0 : i32
      %sign3A_636 = arith.cmpi slt, %add3A_627, %sign3A_635 : i32
      %sign3A_637 = arith.extui %sign3A_636 : i1 to i32
      %sign3A_638 = arith.subi %sign3A_634, %sign3A_637 : i32
      %sign3A_639 = arith.constant 0 : i32
      %sign3A_640 = arith.cmpi sgt, %jit3A_630, %sign3A_639 : i32
      %sign3A_641 = arith.extui %sign3A_640 : i1 to i32
      %sign3A_642 = arith.constant 0 : i32
      %sign3A_643 = arith.cmpi slt, %jit3A_630, %sign3A_642 : i32
      %sign3A_644 = arith.extui %sign3A_643 : i1 to i32
      %sign3A_645 = arith.subi %sign3A_641, %sign3A_644 : i32
      %ne3A_646 = arith.cmpi ne, %sign3A_638, %sign3A_645 : i32
      %rem3A_647 = arith.remsi %add3A_627, %jit3A_630 : i32
      %ne3A_648 = arith.constant 0 : i32
      %ne3A_649 = arith.cmpi ne, %rem3A_647, %ne3A_648 : i32
      %and3A_650 = arith.andi %ne3A_646, %ne3A_649 : i1
      %sub3A_651 = arith.constant 1 : i32
      %sub3A_652 = arith.subi %div3A_631, %sub3A_651 : i32
      %select_n3A_653 = arith.select %and3A_650, %sub3A_652, %div3A_631 : i32
      %dma_start3A_654 = arith.constant 0 : i32
      %dma_start3A_655 = arith.constant 0 : i32
      %dma_start3A_656 = tpu.memref_slice %arg6[%dma_start3A_654, %select_n3A_653, %dma_start3A_655] : memref<2x64x128xf32, #tpu.memory_space<vmem>> -> memref<1x1x64xf32, #tpu.memory_space<vmem>>
      %dma_start3A_657 = tpu.memref_squeeze %dma_start3A_656 : memref<1x1x64xf32, #tpu.memory_space<vmem>> -> memref<64xf32, #tpu.memory_space<vmem>>
      %dma_start3A_658 = arith.constant 0 : i32
      %dma_start3A_659 = tpu.memref_slice %arg3[%squeeze3A_629, %dma_start3A_658] : memref<2600000x64xf32, #tpu.memory_space<hbm>> -> memref<1x64xf32, #tpu.memory_space<hbm>>
      %dma_start3A_660 = tpu.memref_squeeze %dma_start3A_659 : memref<1x64xf32, #tpu.memory_space<hbm>> -> memref<64xf32, #tpu.memory_space<hbm>>
      %dma_start3A_661 = arith.constant 0 : i32
      %dma_start3A_662 = tpu.memref_slice %arg6[%dma_start3A_654, %select_n3A_653, %dma_start3A_661] : memref<2x64x128xf32, #tpu.memory_space<vmem>> -> memref<1x1x64xf32, #tpu.memory_space<vmem>>
      %dma_start3A_663 = tpu.memref_squeeze %dma_start3A_662 : memref<1x1x64xf32, #tpu.memory_space<vmem>> -> memref<64xf32, #tpu.memory_space<vmem>>
      %dma_start3A_664 = arith.constant 0 : i32
      %dma_start3A_665 = tpu.memref_slice %arg3[%squeeze3A_629, %dma_start3A_664] : memref<2600000x64xf32, #tpu.memory_space<hbm>> -> memref<1x64xf32, #tpu.memory_space<hbm>>
      %dma_start3A_666 = tpu.memref_squeeze %dma_start3A_665 : memref<1x64xf32, #tpu.memory_space<hbm>> -> memref<64xf32, #tpu.memory_space<hbm>>
      tpu.enqueue_dma source(%dma_start3A_666 : memref<64xf32, #tpu.memory_space<hbm>>) target(%dma_start3A_663 : memref<64xf32, #tpu.memory_space<vmem>>) target_semaphore(%arg7 : memref<!tpu.dma_semaphore, #tpu.memory_space<semaphore_mem>>)
      %mul3A_667 = arith.constant 16 : i32
      %mul3A_668 = arith.muli %scan3A_26, %mul3A_667 : i32
      %add3A_669 = arith.constant 15 : i32
      %add3A_670 = arith.addi %mul3A_668, %add3A_669 : i32
      %slice3A_671 = vector.extract_strided_slice %get3A_32 {offsets = [15], sizes = [1], strides = [1]} : vector<16xi32> to vector<1xi32>
      %squeeze3A_672 = vector.extract %slice3A_671[0] : i32 from vector<1xi32>
      %jit3A_673 = arith.constant 2 : i32
      %div3A_674 = arith.divsi %add3A_670, %jit3A_673 : i32
      %sign3A_675 = arith.constant 0 : i32
      %sign3A_676 = arith.cmpi sgt, %add3A_670, %sign3A_675 : i32
      %sign3A_677 = arith.extui %sign3A_676 : i1 to i32
      %sign3A_678 = arith.constant 0 : i32
      %sign3A_679 = arith.cmpi slt, %add3A_670, %sign3A_678 : i32
      %sign3A_680 = arith.extui %sign3A_679 : i1 to i32
      %sign3A_681 = arith.subi %sign3A_677, %sign3A_680 : i32
      %sign3A_682 = arith.constant 0 : i32
      %sign3A_683 = arith.cmpi sgt, %jit3A_673, %sign3A_682 : i32
      %sign3A_684 = arith.extui %sign3A_683 : i1 to i32
      %sign3A_685 = arith.constant 0 : i32
      %sign3A_686 = arith.cmpi slt, %jit3A_673, %sign3A_685 : i32
      %sign3A_687 = arith.extui %sign3A_686 : i1 to i32
      %sign3A_688 = arith.subi %sign3A_684, %sign3A_687 : i32
      %ne3A_689 = arith.cmpi ne, %sign3A_681, %sign3A_688 : i32
      %rem3A_690 = arith.remsi %add3A_670, %jit3A_673 : i32
      %ne3A_691 = arith.constant 0 : i32
      %ne3A_692 = arith.cmpi ne, %rem3A_690, %ne3A_691 : i32
      %and3A_693 = arith.andi %ne3A_689, %ne3A_692 : i1
      %sub3A_694 = arith.constant 1 : i32
      %sub3A_695 = arith.subi %div3A_674, %sub3A_694 : i32
      %select_n3A_696 = arith.select %and3A_693, %sub3A_695, %div3A_674 : i32
      %dma_start3A_697 = arith.constant 0 : i32
      %dma_start3A_698 = arith.constant 64 : i32
      %dma_start3A_699 = tpu.memref_slice %arg6[%dma_start3A_697, %select_n3A_696, %dma_start3A_698] : memref<2x64x128xf32, #tpu.memory_space<vmem>> -> memref<1x1x64xf32, #tpu.memory_space<vmem>>
      %dma_start3A_700 = tpu.memref_squeeze %dma_start3A_699 : memref<1x1x64xf32, #tpu.memory_space<vmem>> -> memref<64xf32, #tpu.memory_space<vmem>>
      %dma_start3A_701 = arith.constant 0 : i32
      %dma_start3A_702 = tpu.memref_slice %arg3[%squeeze3A_672, %dma_start3A_701] : memref<2600000x64xf32, #tpu.memory_space<hbm>> -> memref<1x64xf32, #tpu.memory_space<hbm>>
      %dma_start3A_703 = tpu.memref_squeeze %dma_start3A_702 : memref<1x64xf32, #tpu.memory_space<hbm>> -> memref<64xf32, #tpu.memory_space<hbm>>
      %dma_start3A_704 = arith.constant 64 : i32
      %dma_start3A_705 = tpu.memref_slice %arg6[%dma_start3A_697, %select_n3A_696, %dma_start3A_704] : memref<2x64x128xf32, #tpu.memory_space<vmem>> -> memref<1x1x64xf32, #tpu.memory_space<vmem>>
      %dma_start3A_706 = tpu.memref_squeeze %dma_start3A_705 : memref<1x1x64xf32, #tpu.memory_space<vmem>> -> memref<64xf32, #tpu.memory_space<vmem>>
      %dma_start3A_707 = arith.constant 0 : i32
      %dma_start3A_708 = tpu.memref_slice %arg3[%squeeze3A_672, %dma_start3A_707] : memref<2600000x64xf32, #tpu.memory_space<hbm>> -> memref<1x64xf32, #tpu.memory_space<hbm>>
      %dma_start3A_709 = tpu.memref_squeeze %dma_start3A_708 : memref<1x64xf32, #tpu.memory_space<hbm>> -> memref<64xf32, #tpu.memory_space<hbm>>
      tpu.enqueue_dma source(%dma_start3A_709 : memref<64xf32, #tpu.memory_space<hbm>>) target(%dma_start3A_706 : memref<64xf32, #tpu.memory_space<vmem>>) target_semaphore(%arg7 : memref<!tpu.dma_semaphore, #tpu.memory_space<semaphore_mem>>)
    }
    %scan3A_7 = arith.constant 8 : i32
    %scan3A_8 = arith.constant 0 : i32
    %scan3A_9 = arith.constant 0 : i32
    %scan3A_10 = arith.constant 13 : i32
    %scan3A_11 = arith.addi %scan3A_9, %scan3A_10 : i32
    %scan3A_12 = arith.constant 1 : i32
    scf.for %scan3A_26 = %scan3A_9 to %scan3A_11 step %scan3A_12  : i32 {
      %mul3A_27 = arith.constant 2 : i32
      %mul3A_28 = arith.muli %scan3A_26, %mul3A_27 : i32
      %add3A_29 = arith.constant 0 : i32
      %add3A_30 = arith.addi %mul3A_28, %add3A_29 : i32
      %dma_wait3A_31 = arith.constant 0 : i32
      %dma_wait3A_32 = arith.constant 0 : i32
      %dma_wait3A_33 = arith.constant 0 : i32
      %dma_wait3A_34 = tpu.memref_slice %arg6[%dma_wait3A_31, %dma_wait3A_32, %dma_wait3A_33] : memref<2x64x128xf32, #tpu.memory_space<vmem>> -> memref<1x64x128xf32, #tpu.memory_space<vmem>>
      %dma_wait3A_35 = tpu.memref_squeeze %dma_wait3A_34 : memref<1x64x128xf32, #tpu.memory_space<vmem>> -> memref<64x128xf32, #tpu.memory_space<vmem>>
      %dma_wait3A_36 = arith.constant 0 : i32
      %dma_wait3A_37 = tpu.memref_slice %arg4[%mul3A_2, %dma_wait3A_36] : memref<53248x128xf32, #tpu.memory_space<hbm>> -> memref<64x128xf32, #tpu.memory_space<hbm>>
      %dma_wait3A_38 = arith.constant 0 : i32
      %dma_wait3A_39 = arith.constant 0 : i32
      %dma_wait3A_40 = tpu.memref_slice %arg6[%dma_wait3A_31, %dma_wait3A_38, %dma_wait3A_39] : memref<2x64x128xf32, #tpu.memory_space<vmem>> -> memref<1x64x128xf32, #tpu.memory_space<vmem>>
      %dma_wait3A_41 = tpu.memref_squeeze %dma_wait3A_40 : memref<1x64x128xf32, #tpu.memory_space<vmem>> -> memref<64x128xf32, #tpu.memory_space<vmem>>
      %dma_wait3A_42 = arith.constant 0 : i32
      %dma_wait3A_43 = tpu.memref_slice %arg4[%mul3A_2, %dma_wait3A_42] : memref<53248x128xf32, #tpu.memory_space<hbm>> -> memref<64x128xf32, #tpu.memory_space<hbm>>
      tpu.wait_dma2 semaphore(%arg7 : memref<!tpu.dma_semaphore, #tpu.memory_space<semaphore_mem>>) src(%dma_wait3A_43 : memref<64x128xf32, #tpu.memory_space<hbm>>) dst(%dma_wait3A_41 : memref<64x128xf32, #tpu.memory_space<vmem>>)
      %mul3A_44 = arith.constant 64 : i32
      %mul3A_45 = arith.muli %add3A_30, %mul3A_44 : i32
      %add3A_46 = arith.addi %mul3A_2, %mul3A_45 : i32
      %dma_start3A = arith.constant 0 : i32
      %dma_start3A_47 = arith.constant 0 : i32
      %dma_start3A_48 = arith.constant 0 : i32
      %dma_start3A_49 = tpu.memref_slice %arg6[%dma_start3A, %dma_start3A_47, %dma_start3A_48] : memref<2x64x128xf32, #tpu.memory_space<vmem>> -> memref<1x64x128xf32, #tpu.memory_space<vmem>>
      %dma_start3A_50 = tpu.memref_squeeze %dma_start3A_49 : memref<1x64x128xf32, #tpu.memory_space<vmem>> -> memref<64x128xf32, #tpu.memory_space<vmem>>
      %dma_start3A_51 = arith.constant 0 : i32
      %dma_start3A_52 = tpu.memref_slice %arg4[%add3A_46, %dma_start3A_51] : memref<53248x128xf32, #tpu.memory_space<hbm>> -> memref<64x128xf32, #tpu.memory_space<hbm>>
      %dma_start3A_53 = arith.constant 0 : i32
      %dma_start3A_54 = tpu.memref_slice %arg4[%add3A_46, %dma_start3A_53] : memref<53248x128xf32, #tpu.memory_space<hbm>> -> memref<64x128xf32, #tpu.memory_space<hbm>>
      %dma_start3A_55 = arith.constant 0 : i32
      %dma_start3A_56 = arith.constant 0 : i32
      %dma_start3A_57 = tpu.memref_slice %arg6[%dma_start3A, %dma_start3A_55, %dma_start3A_56] : memref<2x64x128xf32, #tpu.memory_space<vmem>> -> memref<1x64x128xf32, #tpu.memory_space<vmem>>
      %dma_start3A_58 = tpu.memref_squeeze %dma_start3A_57 : memref<1x64x128xf32, #tpu.memory_space<vmem>> -> memref<64x128xf32, #tpu.memory_space<vmem>>
      tpu.enqueue_dma source(%dma_start3A_58 : memref<64x128xf32, #tpu.memory_space<vmem>>) target(%dma_start3A_54 : memref<64x128xf32, #tpu.memory_space<hbm>>) target_semaphore(%arg8 : memref<!tpu.dma_semaphore, #tpu.memory_space<semaphore_mem>>)
      %ge3A = arith.constant 1 : i32
      %ge3A_59 = arith.cmpi sge, %add3A_30, %ge3A : i32
      %convert_element_type3A = arith.extui %ge3A_59 : i1 to i32
      %cond3A = arith.constant 0 : i32
      %cond3A_60 = arith.cmpi ne, %convert_element_type3A, %cond3A : i32
      scf.if %cond3A_60 {
        %dma_wait3A_108 = arith.constant 1 : i32
        %dma_wait3A_109 = arith.constant 0 : i32
        %dma_wait3A_110 = arith.constant 0 : i32
        %dma_wait3A_111 = tpu.memref_slice %arg6[%dma_wait3A_108, %dma_wait3A_109, %dma_wait3A_110] : memref<2x64x128xf32, #tpu.memory_space<vmem>> -> memref<1x64x128xf32, #tpu.memory_space<vmem>>
        %dma_wait3A_112 = tpu.memref_squeeze %dma_wait3A_111 : memref<1x64x128xf32, #tpu.memory_space<vmem>> -> memref<64x128xf32, #tpu.memory_space<vmem>>
        %dma_wait3A_113 = arith.constant 0 : i32
        %dma_wait3A_114 = tpu.memref_slice %arg4[%mul3A_2, %dma_wait3A_113] : memref<53248x128xf32, #tpu.memory_space<hbm>> -> memref<64x128xf32, #tpu.memory_space<hbm>>
        %dma_wait3A_115 = arith.constant 0 : i32
        %dma_wait3A_116 = tpu.memref_slice %arg4[%mul3A_2, %dma_wait3A_115] : memref<53248x128xf32, #tpu.memory_space<hbm>> -> memref<64x128xf32, #tpu.memory_space<hbm>>
        %dma_wait3A_117 = arith.constant 0 : i32
        %dma_wait3A_118 = arith.constant 0 : i32
        %dma_wait3A_119 = tpu.memref_slice %arg6[%dma_wait3A_108, %dma_wait3A_117, %dma_wait3A_118] : memref<2x64x128xf32, #tpu.memory_space<vmem>> -> memref<1x64x128xf32, #tpu.memory_space<vmem>>
        %dma_wait3A_120 = tpu.memref_squeeze %dma_wait3A_119 : memref<1x64x128xf32, #tpu.memory_space<vmem>> -> memref<64x128xf32, #tpu.memory_space<vmem>>
        tpu.wait_dma2 semaphore(%arg8 : memref<!tpu.dma_semaphore, #tpu.memory_space<semaphore_mem>>) src(%dma_wait3A_120 : memref<64x128xf32, #tpu.memory_space<vmem>>) dst(%dma_wait3A_116 : memref<64x128xf32, #tpu.memory_space<hbm>>)
      } else {
      }
      %lt3A = arith.constant 25 : i32
      %lt3A_61 = arith.cmpi slt, %add3A_30, %lt3A : i32
      %convert_element_type3A_62 = arith.extui %lt3A_61 : i1 to i32
      %cond3A_63 = arith.constant 0 : i32
      %cond3A_64 = arith.cmpi ne, %convert_element_type3A_62, %cond3A_63 : i32
      scf.if %cond3A_64 {
        %add3A_108 = arith.constant 1 : i32
        %add3A_109 = arith.addi %add3A_30, %add3A_108 : i32
        %scan3A_110 = arith.constant 0 : i32
        %scan3A_111 = arith.constant 0 : i32
        %scan3A_112 = arith.constant 8 : i32
        %scan3A_113 = arith.addi %scan3A_111, %scan3A_112 : i32
        %scan3A_114 = arith.constant 1 : i32
        scf.for %scan3A_116 = %scan3A_111 to %scan3A_113 step %scan3A_114  : i32 {
          %mul3A_117 = arith.constant 128 : i32
          %mul3A_118 = arith.muli %add3A_109, %mul3A_117 : i32
          %mul3A_119 = arith.constant 16 : i32
          %mul3A_120 = arith.muli %scan3A_116, %mul3A_119 : i32
          %add3A_121 = arith.addi %mul3A_118, %mul3A_120 : i32
          %get3A = arith.index_cast %add3A_121 : i32 to index
          %get3A_122 = tpu.vector_load %arg5[%get3A] {strides = array<i32>} : memref<3328xi32, #tpu.memory_space<vmem>>, vector<16xi32>,
          %get3A_123 = vector.shape_cast %get3A_122 : vector<16xi32> to vector<16xi32>
          %mul3A_124 = arith.constant 16 : i32
          %mul3A_125 = arith.muli %scan3A_116, %mul3A_124 : i32
          %add3A_126 = arith.constant 0 : i32
          %add3A_127 = arith.addi %mul3A_125, %add3A_126 : i32
          %slice3A = vector.extract_strided_slice %get3A_123 {offsets = [0], sizes = [1], strides = [1]} : vector<16xi32> to vector<1xi32>
          %squeeze3A = vector.extract %slice3A[0] : i32 from vector<1xi32>
          %jit3A = arith.constant 2 : i32
          %div3A = arith.divsi %add3A_127, %jit3A : i32
          %sign3A = arith.constant 0 : i32
          %sign3A_128 = arith.cmpi sgt, %add3A_127, %sign3A : i32
          %sign3A_129 = arith.extui %sign3A_128 : i1 to i32
          %sign3A_130 = arith.constant 0 : i32
          %sign3A_131 = arith.cmpi slt, %add3A_127, %sign3A_130 : i32
          %sign3A_132 = arith.extui %sign3A_131 : i1 to i32
          %sign3A_133 = arith.subi %sign3A_129, %sign3A_132 : i32
          %sign3A_134 = arith.constant 0 : i32
          %sign3A_135 = arith.cmpi sgt, %jit3A, %sign3A_134 : i32
          %sign3A_136 = arith.extui %sign3A_135 : i1 to i32
          %sign3A_137 = arith.constant 0 : i32
          %sign3A_138 = arith.cmpi slt, %jit3A, %sign3A_137 : i32
          %sign3A_139 = arith.extui %sign3A_138 : i1 to i32
          %sign3A_140 = arith.subi %sign3A_136, %sign3A_139 : i32
          %ne3A = arith.cmpi ne, %sign3A_133, %sign3A_140 : i32
          %rem3A = arith.remsi %add3A_127, %jit3A : i32
          %ne3A_141 = arith.constant 0 : i32
          %ne3A_142 = arith.cmpi ne, %rem3A, %ne3A_141 : i32
          %and3A = arith.andi %ne3A, %ne3A_142 : i1
          %sub3A = arith.constant 1 : i32
          %sub3A_143 = arith.subi %div3A, %sub3A : i32
          %select_n3A = arith.select %and3A, %sub3A_143, %div3A : i32
          %dma_start3A_144 = arith.constant 1 : i32
          %dma_start3A_145 = arith.constant 0 : i32
          %dma_start3A_146 = tpu.memref_slice %arg6[%dma_start3A_144, %select_n3A, %dma_start3A_145] : memref<2x64x128xf32, #tpu.memory_space<vmem>> -> memref<1x1x64xf32, #tpu.memory_space<vmem>>
          %dma_start3A_147 = tpu.memref_squeeze %dma_start3A_146 : memref<1x1x64xf32, #tpu.memory_space<vmem>> -> memref<64xf32, #tpu.memory_space<vmem>>
          %dma_start3A_148 = arith.constant 0 : i32
          %dma_start3A_149 = tpu.memref_slice %arg3[%squeeze3A, %dma_start3A_148] : memref<2600000x64xf32, #tpu.memory_space<hbm>> -> memref<1x64xf32, #tpu.memory_space<hbm>>
          %dma_start3A_150 = tpu.memref_squeeze %dma_start3A_149 : memref<1x64xf32, #tpu.memory_space<hbm>> -> memref<64xf32, #tpu.memory_space<hbm>>
          %dma_start3A_151 = arith.constant 0 : i32
          %dma_start3A_152 = tpu.memref_slice %arg6[%dma_start3A_144, %select_n3A, %dma_start3A_151] : memref<2x64x128xf32, #tpu.memory_space<vmem>> -> memref<1x1x64xf32, #tpu.memory_space<vmem>>
          %dma_start3A_153 = tpu.memref_squeeze %dma_start3A_152 : memref<1x1x64xf32, #tpu.memory_space<vmem>> -> memref<64xf32, #tpu.memory_space<vmem>>
          %dma_start3A_154 = arith.constant 0 : i32
          %dma_start3A_155 = tpu.memref_slice %arg3[%squeeze3A, %dma_start3A_154] : memref<2600000x64xf32, #tpu.memory_space<hbm>> -> memref<1x64xf32, #tpu.memory_space<hbm>>
          %dma_start3A_156 = tpu.memref_squeeze %dma_start3A_155 : memref<1x64xf32, #tpu.memory_space<hbm>> -> memref<64xf32, #tpu.memory_space<hbm>>
          tpu.enqueue_dma source(%dma_start3A_156 : memref<64xf32, #tpu.memory_space<hbm>>) target(%dma_start3A_153 : memref<64xf32, #tpu.memory_space<vmem>>) target_semaphore(%arg7 : memref<!tpu.dma_semaphore, #tpu.memory_space<semaphore_mem>>)
          %mul3A_157 = arith.constant 16 : i32
          %mul3A_158 = arith.muli %scan3A_116, %mul3A_157 : i32
          %add3A_159 = arith.constant 1 : i32
          %add3A_160 = arith.addi %mul3A_158, %add3A_159 : i32
          %slice3A_161 = vector.extract_strided_slice %get3A_123 {offsets = [1], sizes = [1], strides = [1]} : vector<16xi32> to vector<1xi32>
          %squeeze3A_162 = vector.extract %slice3A_161[0] : i32 from vector<1xi32>
          %jit3A_163 = arith.constant 2 : i32
          %div3A_164 = arith.divsi %add3A_160, %jit3A_163 : i32
          %sign3A_165 = arith.constant 0 : i32
          %sign3A_166 = arith.cmpi sgt, %add3A_160, %sign3A_165 : i32
          %sign3A_167 = arith.extui %sign3A_166 : i1 to i32
          %sign3A_168 = arith.constant 0 : i32
          %sign3A_169 = arith.cmpi slt, %add3A_160, %sign3A_168 : i32
          %sign3A_170 = arith.extui %sign3A_169 : i1 to i32
          %sign3A_171 = arith.subi %sign3A_167, %sign3A_170 : i32
          %sign3A_172 = arith.constant 0 : i32
          %sign3A_173 = arith.cmpi sgt, %jit3A_163, %sign3A_172 : i32
          %sign3A_174 = arith.extui %sign3A_173 : i1 to i32
          %sign3A_175 = arith.constant 0 : i32
          %sign3A_176 = arith.cmpi slt, %jit3A_163, %sign3A_175 : i32
          %sign3A_177 = arith.extui %sign3A_176 : i1 to i32
          %sign3A_178 = arith.subi %sign3A_174, %sign3A_177 : i32
          %ne3A_179 = arith.cmpi ne, %sign3A_171, %sign3A_178 : i32
          %rem3A_180 = arith.remsi %add3A_160, %jit3A_163 : i32
          %ne3A_181 = arith.constant 0 : i32
          %ne3A_182 = arith.cmpi ne, %rem3A_180, %ne3A_181 : i32
          %and3A_183 = arith.andi %ne3A_179, %ne3A_182 : i1
          %sub3A_184 = arith.constant 1 : i32
          %sub3A_185 = arith.subi %div3A_164, %sub3A_184 : i32
          %select_n3A_186 = arith.select %and3A_183, %sub3A_185, %div3A_164 : i32
          %dma_start3A_187 = arith.constant 1 : i32
          %dma_start3A_188 = arith.constant 64 : i32
          %dma_start3A_189 = tpu.memref_slice %arg6[%dma_start3A_187, %select_n3A_186, %dma_start3A_188] : memref<2x64x128xf32, #tpu.memory_space<vmem>> -> memref<1x1x64xf32, #tpu.memory_space<vmem>>
          %dma_start3A_190 = tpu.memref_squeeze %dma_start3A_189 : memref<1x1x64xf32, #tpu.memory_space<vmem>> -> memref<64xf32, #tpu.memory_space<vmem>>
          %dma_start3A_191 = arith.constant 0 : i32
          %dma_start3A_192 = tpu.memref_slice %arg3[%squeeze3A_162, %dma_start3A_191] : memref<2600000x64xf32, #tpu.memory_space<hbm>> -> memref<1x64xf32, #tpu.memory_space<hbm>>
          %dma_start3A_193 = tpu.memref_squeeze %dma_start3A_192 : memref<1x64xf32, #tpu.memory_space<hbm>> -> memref<64xf32, #tpu.memory_space<hbm>>
          %dma_start3A_194 = arith.constant 64 : i32
          %dma_start3A_195 = tpu.memref_slice %arg6[%dma_start3A_187, %select_n3A_186, %dma_start3A_194] : memref<2x64x128xf32, #tpu.memory_space<vmem>> -> memref<1x1x64xf32, #tpu.memory_space<vmem>>
          %dma_start3A_196 = tpu.memref_squeeze %dma_start3A_195 : memref<1x1x64xf32, #tpu.memory_space<vmem>> -> memref<64xf32, #tpu.memory_space<vmem>>
          %dma_start3A_197 = arith.constant 0 : i32
          %dma_start3A_198 = tpu.memref_slice %arg3[%squeeze3A_162, %dma_start3A_197] : memref<2600000x64xf32, #tpu.memory_space<hbm>> -> memref<1x64xf32, #tpu.memory_space<hbm>>
          %dma_start3A_199 = tpu.memref_squeeze %dma_start3A_198 : memref<1x64xf32, #tpu.memory_space<hbm>> -> memref<64xf32, #tpu.memory_space<hbm>>
          tpu.enqueue_dma source(%dma_start3A_199 : memref<64xf32, #tpu.memory_space<hbm>>) target(%dma_start3A_196 : memref<64xf32, #tpu.memory_space<vmem>>) target_semaphore(%arg7 : memref<!tpu.dma_semaphore, #tpu.memory_space<semaphore_mem>>)
          %mul3A_200 = arith.constant 16 : i32
          %mul3A_201 = arith.muli %scan3A_116, %mul3A_200 : i32
          %add3A_202 = arith.constant 2 : i32
          %add3A_203 = arith.addi %mul3A_201, %add3A_202 : i32
          %slice3A_204 = vector.extract_strided_slice %get3A_123 {offsets = [2], sizes = [1], strides = [1]} : vector<16xi32> to vector<1xi32>
          %squeeze3A_205 = vector.extract %slice3A_204[0] : i32 from vector<1xi32>
          %jit3A_206 = arith.constant 2 : i32
          %div3A_207 = arith.divsi %add3A_203, %jit3A_206 : i32
          %sign3A_208 = arith.constant 0 : i32
          %sign3A_209 = arith.cmpi sgt, %add3A_203, %sign3A_208 : i32
          %sign3A_210 = arith.extui %sign3A_209 : i1 to i32
          %sign3A_211 = arith.constant 0 : i32
          %sign3A_212 = arith.cmpi slt, %add3A_203, %sign3A_211 : i32
          %sign3A_213 = arith.extui %sign3A_212 : i1 to i32
          %sign3A_214 = arith.subi %sign3A_210, %sign3A_213 : i32
          %sign3A_215 = arith.constant 0 : i32
          %sign3A_216 = arith.cmpi sgt, %jit3A_206, %sign3A_215 : i32
          %sign3A_217 = arith.extui %sign3A_216 : i1 to i32
          %sign3A_218 = arith.constant 0 : i32
          %sign3A_219 = arith.cmpi slt, %jit3A_206, %sign3A_218 : i32
          %sign3A_220 = arith.extui %sign3A_219 : i1 to i32
          %sign3A_221 = arith.subi %sign3A_217, %sign3A_220 : i32
          %ne3A_222 = arith.cmpi ne, %sign3A_214, %sign3A_221 : i32
          %rem3A_223 = arith.remsi %add3A_203, %jit3A_206 : i32
          %ne3A_224 = arith.constant 0 : i32
          %ne3A_225 = arith.cmpi ne, %rem3A_223, %ne3A_224 : i32
          %and3A_226 = arith.andi %ne3A_222, %ne3A_225 : i1
          %sub3A_227 = arith.constant 1 : i32
          %sub3A_228 = arith.subi %div3A_207, %sub3A_227 : i32
          %select_n3A_229 = arith.select %and3A_226, %sub3A_228, %div3A_207 : i32
          %dma_start3A_230 = arith.constant 1 : i32
          %dma_start3A_231 = arith.constant 0 : i32
          %dma_start3A_232 = tpu.memref_slice %arg6[%dma_start3A_230, %select_n3A_229, %dma_start3A_231] : memref<2x64x128xf32, #tpu.memory_space<vmem>> -> memref<1x1x64xf32, #tpu.memory_space<vmem>>
          %dma_start3A_233 = tpu.memref_squeeze %dma_start3A_232 : memref<1x1x64xf32, #tpu.memory_space<vmem>> -> memref<64xf32, #tpu.memory_space<vmem>>
          %dma_start3A_234 = arith.constant 0 : i32
          %dma_start3A_235 = tpu.memref_slice %arg3[%squeeze3A_205, %dma_start3A_234] : memref<2600000x64xf32, #tpu.memory_space<hbm>> -> memref<1x64xf32, #tpu.memory_space<hbm>>
          %dma_start3A_236 = tpu.memref_squeeze %dma_start3A_235 : memref<1x64xf32, #tpu.memory_space<hbm>> -> memref<64xf32, #tpu.memory_space<hbm>>
          %dma_start3A_237 = arith.constant 0 : i32
          %dma_start3A_238 = tpu.memref_slice %arg6[%dma_start3A_230, %select_n3A_229, %dma_start3A_237] : memref<2x64x128xf32, #tpu.memory_space<vmem>> -> memref<1x1x64xf32, #tpu.memory_space<vmem>>
          %dma_start3A_239 = tpu.memref_squeeze %dma_start3A_238 : memref<1x1x64xf32, #tpu.memory_space<vmem>> -> memref<64xf32, #tpu.memory_space<vmem>>
          %dma_start3A_240 = arith.constant 0 : i32
          %dma_start3A_241 = tpu.memref_slice %arg3[%squeeze3A_205, %dma_start3A_240] : memref<2600000x64xf32, #tpu.memory_space<hbm>> -> memref<1x64xf32, #tpu.memory_space<hbm>>
          %dma_start3A_242 = tpu.memref_squeeze %dma_start3A_241 : memref<1x64xf32, #tpu.memory_space<hbm>> -> memref<64xf32, #tpu.memory_space<hbm>>
          tpu.enqueue_dma source(%dma_start3A_242 : memref<64xf32, #tpu.memory_space<hbm>>) target(%dma_start3A_239 : memref<64xf32, #tpu.memory_space<vmem>>) target_semaphore(%arg7 : memref<!tpu.dma_semaphore, #tpu.memory_space<semaphore_mem>>)
          %mul3A_243 = arith.constant 16 : i32
          %mul3A_244 = arith.muli %scan3A_116, %mul3A_243 : i32
          %add3A_245 = arith.constant 3 : i32
          %add3A_246 = arith.addi %mul3A_244, %add3A_245 : i32
          %slice3A_247 = vector.extract_strided_slice %get3A_123 {offsets = [3], sizes = [1], strides = [1]} : vector<16xi32> to vector<1xi32>
          %squeeze3A_248 = vector.extract %slice3A_247[0] : i32 from vector<1xi32>
          %jit3A_249 = arith.constant 2 : i32
          %div3A_250 = arith.divsi %add3A_246, %jit3A_249 : i32
          %sign3A_251 = arith.constant 0 : i32
          %sign3A_252 = arith.cmpi sgt, %add3A_246, %sign3A_251 : i32
          %sign3A_253 = arith.extui %sign3A_252 : i1 to i32
          %sign3A_254 = arith.constant 0 : i32
          %sign3A_255 = arith.cmpi slt, %add3A_246, %sign3A_254 : i32
          %sign3A_256 = arith.extui %sign3A_255 : i1 to i32
          %sign3A_257 = arith.subi %sign3A_253, %sign3A_256 : i32
          %sign3A_258 = arith.constant 0 : i32
          %sign3A_259 = arith.cmpi sgt, %jit3A_249, %sign3A_258 : i32
          %sign3A_260 = arith.extui %sign3A_259 : i1 to i32
          %sign3A_261 = arith.constant 0 : i32
          %sign3A_262 = arith.cmpi slt, %jit3A_249, %sign3A_261 : i32
          %sign3A_263 = arith.extui %sign3A_262 : i1 to i32
          %sign3A_264 = arith.subi %sign3A_260, %sign3A_263 : i32
          %ne3A_265 = arith.cmpi ne, %sign3A_257, %sign3A_264 : i32
          %rem3A_266 = arith.remsi %add3A_246, %jit3A_249 : i32
          %ne3A_267 = arith.constant 0 : i32
          %ne3A_268 = arith.cmpi ne, %rem3A_266, %ne3A_267 : i32
          %and3A_269 = arith.andi %ne3A_265, %ne3A_268 : i1
          %sub3A_270 = arith.constant 1 : i32
          %sub3A_271 = arith.subi %div3A_250, %sub3A_270 : i32
          %select_n3A_272 = arith.select %and3A_269, %sub3A_271, %div3A_250 : i32
          %dma_start3A_273 = arith.constant 1 : i32
          %dma_start3A_274 = arith.constant 64 : i32
          %dma_start3A_275 = tpu.memref_slice %arg6[%dma_start3A_273, %select_n3A_272, %dma_start3A_274] : memref<2x64x128xf32, #tpu.memory_space<vmem>> -> memref<1x1x64xf32, #tpu.memory_space<vmem>>
          %dma_start3A_276 = tpu.memref_squeeze %dma_start3A_275 : memref<1x1x64xf32, #tpu.memory_space<vmem>> -> memref<64xf32, #tpu.memory_space<vmem>>
          %dma_start3A_277 = arith.constant 0 : i32
          %dma_start3A_278 = tpu.memref_slice %arg3[%squeeze3A_248, %dma_start3A_277] : memref<2600000x64xf32, #tpu.memory_space<hbm>> -> memref<1x64xf32, #tpu.memory_space<hbm>>
          %dma_start3A_279 = tpu.memref_squeeze %dma_start3A_278 : memref<1x64xf32, #tpu.memory_space<hbm>> -> memref<64xf32, #tpu.memory_space<hbm>>
          %dma_start3A_280 = arith.constant 64 : i32
          %dma_start3A_281 = tpu.memref_slice %arg6[%dma_start3A_273, %select_n3A_272, %dma_start3A_280] : memref<2x64x128xf32, #tpu.memory_space<vmem>> -> memref<1x1x64xf32, #tpu.memory_space<vmem>>
          %dma_start3A_282 = tpu.memref_squeeze %dma_start3A_281 : memref<1x1x64xf32, #tpu.memory_space<vmem>> -> memref<64xf32, #tpu.memory_space<vmem>>
          %dma_start3A_283 = arith.constant 0 : i32
          %dma_start3A_284 = tpu.memref_slice %arg3[%squeeze3A_248, %dma_start3A_283] : memref<2600000x64xf32, #tpu.memory_space<hbm>> -> memref<1x64xf32, #tpu.memory_space<hbm>>
          %dma_start3A_285 = tpu.memref_squeeze %dma_start3A_284 : memref<1x64xf32, #tpu.memory_space<hbm>> -> memref<64xf32, #tpu.memory_space<hbm>>
          tpu.enqueue_dma source(%dma_start3A_285 : memref<64xf32, #tpu.memory_space<hbm>>) target(%dma_start3A_282 : memref<64xf32, #tpu.memory_space<vmem>>) target_semaphore(%arg7 : memref<!tpu.dma_semaphore, #tpu.memory_space<semaphore_mem>>)
          %mul3A_286 = arith.constant 16 : i32
          %mul3A_287 = arith.muli %scan3A_116, %mul3A_286 : i32
          %add3A_288 = arith.constant 4 : i32
          %add3A_289 = arith.addi %mul3A_287, %add3A_288 : i32
          %slice3A_290 = vector.extract_strided_slice %get3A_123 {offsets = [4], sizes = [1], strides = [1]} : vector<16xi32> to vector<1xi32>
          %squeeze3A_291 = vector.extract %slice3A_290[0] : i32 from vector<1xi32>
          %jit3A_292 = arith.constant 2 : i32
          %div3A_293 = arith.divsi %add3A_289, %jit3A_292 : i32
          %sign3A_294 = arith.constant 0 : i32
          %sign3A_295 = arith.cmpi sgt, %add3A_289, %sign3A_294 : i32
          %sign3A_296 = arith.extui %sign3A_295 : i1 to i32
          %sign3A_297 = arith.constant 0 : i32
          %sign3A_298 = arith.cmpi slt, %add3A_289, %sign3A_297 : i32
          %sign3A_299 = arith.extui %sign3A_298 : i1 to i32
          %sign3A_300 = arith.subi %sign3A_296, %sign3A_299 : i32
          %sign3A_301 = arith.constant 0 : i32
          %sign3A_302 = arith.cmpi sgt, %jit3A_292, %sign3A_301 : i32
          %sign3A_303 = arith.extui %sign3A_302 : i1 to i32
          %sign3A_304 = arith.constant 0 : i32
          %sign3A_305 = arith.cmpi slt, %jit3A_292, %sign3A_304 : i32
          %sign3A_306 = arith.extui %sign3A_305 : i1 to i32
          %sign3A_307 = arith.subi %sign3A_303, %sign3A_306 : i32
          %ne3A_308 = arith.cmpi ne, %sign3A_300, %sign3A_307 : i32
          %rem3A_309 = arith.remsi %add3A_289, %jit3A_292 : i32
          %ne3A_310 = arith.constant 0 : i32
          %ne3A_311 = arith.cmpi ne, %rem3A_309, %ne3A_310 : i32
          %and3A_312 = arith.andi %ne3A_308, %ne3A_311 : i1
          %sub3A_313 = arith.constant 1 : i32
          %sub3A_314 = arith.subi %div3A_293, %sub3A_313 : i32
          %select_n3A_315 = arith.select %and3A_312, %sub3A_314, %div3A_293 : i32
          %dma_start3A_316 = arith.constant 1 : i32
          %dma_start3A_317 = arith.constant 0 : i32
          %dma_start3A_318 = tpu.memref_slice %arg6[%dma_start3A_316, %select_n3A_315, %dma_start3A_317] : memref<2x64x128xf32, #tpu.memory_space<vmem>> -> memref<1x1x64xf32, #tpu.memory_space<vmem>>
          %dma_start3A_319 = tpu.memref_squeeze %dma_start3A_318 : memref<1x1x64xf32, #tpu.memory_space<vmem>> -> memref<64xf32, #tpu.memory_space<vmem>>
          %dma_start3A_320 = arith.constant 0 : i32
          %dma_start3A_321 = tpu.memref_slice %arg3[%squeeze3A_291, %dma_start3A_320] : memref<2600000x64xf32, #tpu.memory_space<hbm>> -> memref<1x64xf32, #tpu.memory_space<hbm>>
          %dma_start3A_322 = tpu.memref_squeeze %dma_start3A_321 : memref<1x64xf32, #tpu.memory_space<hbm>> -> memref<64xf32, #tpu.memory_space<hbm>>
          %dma_start3A_323 = arith.constant 0 : i32
          %dma_start3A_324 = tpu.memref_slice %arg6[%dma_start3A_316, %select_n3A_315, %dma_start3A_323] : memref<2x64x128xf32, #tpu.memory_space<vmem>> -> memref<1x1x64xf32, #tpu.memory_space<vmem>>
          %dma_start3A_325 = tpu.memref_squeeze %dma_start3A_324 : memref<1x1x64xf32, #tpu.memory_space<vmem>> -> memref<64xf32, #tpu.memory_space<vmem>>
          %dma_start3A_326 = arith.constant 0 : i32
          %dma_start3A_327 = tpu.memref_slice %arg3[%squeeze3A_291, %dma_start3A_326] : memref<2600000x64xf32, #tpu.memory_space<hbm>> -> memref<1x64xf32, #tpu.memory_space<hbm>>
          %dma_start3A_328 = tpu.memref_squeeze %dma_start3A_327 : memref<1x64xf32, #tpu.memory_space<hbm>> -> memref<64xf32, #tpu.memory_space<hbm>>
          tpu.enqueue_dma source(%dma_start3A_328 : memref<64xf32, #tpu.memory_space<hbm>>) target(%dma_start3A_325 : memref<64xf32, #tpu.memory_space<vmem>>) target_semaphore(%arg7 : memref<!tpu.dma_semaphore, #tpu.memory_space<semaphore_mem>>)
          %mul3A_329 = arith.constant 16 : i32
          %mul3A_330 = arith.muli %scan3A_116, %mul3A_329 : i32
          %add3A_331 = arith.constant 5 : i32
          %add3A_332 = arith.addi %mul3A_330, %add3A_331 : i32
          %slice3A_333 = vector.extract_strided_slice %get3A_123 {offsets = [5], sizes = [1], strides = [1]} : vector<16xi32> to vector<1xi32>
          %squeeze3A_334 = vector.extract %slice3A_333[0] : i32 from vector<1xi32>
          %jit3A_335 = arith.constant 2 : i32
          %div3A_336 = arith.divsi %add3A_332, %jit3A_335 : i32
          %sign3A_337 = arith.constant 0 : i32
          %sign3A_338 = arith.cmpi sgt, %add3A_332, %sign3A_337 : i32
          %sign3A_339 = arith.extui %sign3A_338 : i1 to i32
          %sign3A_340 = arith.constant 0 : i32
          %sign3A_341 = arith.cmpi slt, %add3A_332, %sign3A_340 : i32
          %sign3A_342 = arith.extui %sign3A_341 : i1 to i32
          %sign3A_343 = arith.subi %sign3A_339, %sign3A_342 : i32
          %sign3A_344 = arith.constant 0 : i32
          %sign3A_345 = arith.cmpi sgt, %jit3A_335, %sign3A_344 : i32
          %sign3A_346 = arith.extui %sign3A_345 : i1 to i32
          %sign3A_347 = arith.constant 0 : i32
          %sign3A_348 = arith.cmpi slt, %jit3A_335, %sign3A_347 : i32
          %sign3A_349 = arith.extui %sign3A_348 : i1 to i32
          %sign3A_350 = arith.subi %sign3A_346, %sign3A_349 : i32
          %ne3A_351 = arith.cmpi ne, %sign3A_343, %sign3A_350 : i32
          %rem3A_352 = arith.remsi %add3A_332, %jit3A_335 : i32
          %ne3A_353 = arith.constant 0 : i32
          %ne3A_354 = arith.cmpi ne, %rem3A_352, %ne3A_353 : i32
          %and3A_355 = arith.andi %ne3A_351, %ne3A_354 : i1
          %sub3A_356 = arith.constant 1 : i32
          %sub3A_357 = arith.subi %div3A_336, %sub3A_356 : i32
          %select_n3A_358 = arith.select %and3A_355, %sub3A_357, %div3A_336 : i32
          %dma_start3A_359 = arith.constant 1 : i32
          %dma_start3A_360 = arith.constant 64 : i32
          %dma_start3A_361 = tpu.memref_slice %arg6[%dma_start3A_359, %select_n3A_358, %dma_start3A_360] : memref<2x64x128xf32, #tpu.memory_space<vmem>> -> memref<1x1x64xf32, #tpu.memory_space<vmem>>
          %dma_start3A_362 = tpu.memref_squeeze %dma_start3A_361 : memref<1x1x64xf32, #tpu.memory_space<vmem>> -> memref<64xf32, #tpu.memory_space<vmem>>
          %dma_start3A_363 = arith.constant 0 : i32
          %dma_start3A_364 = tpu.memref_slice %arg3[%squeeze3A_334, %dma_start3A_363] : memref<2600000x64xf32, #tpu.memory_space<hbm>> -> memref<1x64xf32, #tpu.memory_space<hbm>>
          %dma_start3A_365 = tpu.memref_squeeze %dma_start3A_364 : memref<1x64xf32, #tpu.memory_space<hbm>> -> memref<64xf32, #tpu.memory_space<hbm>>
          %dma_start3A_366 = arith.constant 64 : i32
          %dma_start3A_367 = tpu.memref_slice %arg6[%dma_start3A_359, %select_n3A_358, %dma_start3A_366] : memref<2x64x128xf32, #tpu.memory_space<vmem>> -> memref<1x1x64xf32, #tpu.memory_space<vmem>>
          %dma_start3A_368 = tpu.memref_squeeze %dma_start3A_367 : memref<1x1x64xf32, #tpu.memory_space<vmem>> -> memref<64xf32, #tpu.memory_space<vmem>>
          %dma_start3A_369 = arith.constant 0 : i32
          %dma_start3A_370 = tpu.memref_slice %arg3[%squeeze3A_334, %dma_start3A_369] : memref<2600000x64xf32, #tpu.memory_space<hbm>> -> memref<1x64xf32, #tpu.memory_space<hbm>>
          %dma_start3A_371 = tpu.memref_squeeze %dma_start3A_370 : memref<1x64xf32, #tpu.memory_space<hbm>> -> memref<64xf32, #tpu.memory_space<hbm>>
          tpu.enqueue_dma source(%dma_start3A_371 : memref<64xf32, #tpu.memory_space<hbm>>) target(%dma_start3A_368 : memref<64xf32, #tpu.memory_space<vmem>>) target_semaphore(%arg7 : memref<!tpu.dma_semaphore, #tpu.memory_space<semaphore_mem>>)
          %mul3A_372 = arith.constant 16 : i32
          %mul3A_373 = arith.muli %scan3A_116, %mul3A_372 : i32
          %add3A_374 = arith.constant 6 : i32
          %add3A_375 = arith.addi %mul3A_373, %add3A_374 : i32
          %slice3A_376 = vector.extract_strided_slice %get3A_123 {offsets = [6], sizes = [1], strides = [1]} : vector<16xi32> to vector<1xi32>
          %squeeze3A_377 = vector.extract %slice3A_376[0] : i32 from vector<1xi32>
          %jit3A_378 = arith.constant 2 : i32
          %div3A_379 = arith.divsi %add3A_375, %jit3A_378 : i32
          %sign3A_380 = arith.constant 0 : i32
          %sign3A_381 = arith.cmpi sgt, %add3A_375, %sign3A_380 : i32
          %sign3A_382 = arith.extui %sign3A_381 : i1 to i32
          %sign3A_383 = arith.constant 0 : i32
          %sign3A_384 = arith.cmpi slt, %add3A_375, %sign3A_383 : i32
          %sign3A_385 = arith.extui %sign3A_384 : i1 to i32
          %sign3A_386 = arith.subi %sign3A_382, %sign3A_385 : i32
          %sign3A_387 = arith.constant 0 : i32
          %sign3A_388 = arith.cmpi sgt, %jit3A_378, %sign3A_387 : i32
          %sign3A_389 = arith.extui %sign3A_388 : i1 to i32
          %sign3A_390 = arith.constant 0 : i32
          %sign3A_391 = arith.cmpi slt, %jit3A_378, %sign3A_390 : i32
          %sign3A_392 = arith.extui %sign3A_391 : i1 to i32
          %sign3A_393 = arith.subi %sign3A_389, %sign3A_392 : i32
          %ne3A_394 = arith.cmpi ne, %sign3A_386, %sign3A_393 : i32
          %rem3A_395 = arith.remsi %add3A_375, %jit3A_378 : i32
          %ne3A_396 = arith.constant 0 : i32
          %ne3A_397 = arith.cmpi ne, %rem3A_395, %ne3A_396 : i32
          %and3A_398 = arith.andi %ne3A_394, %ne3A_397 : i1
          %sub3A_399 = arith.constant 1 : i32
          %sub3A_400 = arith.subi %div3A_379, %sub3A_399 : i32
          %select_n3A_401 = arith.select %and3A_398, %sub3A_400, %div3A_379 : i32
          %dma_start3A_402 = arith.constant 1 : i32
          %dma_start3A_403 = arith.constant 0 : i32
          %dma_start3A_404 = tpu.memref_slice %arg6[%dma_start3A_402, %select_n3A_401, %dma_start3A_403] : memref<2x64x128xf32, #tpu.memory_space<vmem>> -> memref<1x1x64xf32, #tpu.memory_space<vmem>>
          %dma_start3A_405 = tpu.memref_squeeze %dma_start3A_404 : memref<1x1x64xf32, #tpu.memory_space<vmem>> -> memref<64xf32, #tpu.memory_space<vmem>>
          %dma_start3A_406 = arith.constant 0 : i32
          %dma_start3A_407 = tpu.memref_slice %arg3[%squeeze3A_377, %dma_start3A_406] : memref<2600000x64xf32, #tpu.memory_space<hbm>> -> memref<1x64xf32, #tpu.memory_space<hbm>>
          %dma_start3A_408 = tpu.memref_squeeze %dma_start3A_407 : memref<1x64xf32, #tpu.memory_space<hbm>> -> memref<64xf32, #tpu.memory_space<hbm>>
          %dma_start3A_409 = arith.constant 0 : i32
          %dma_start3A_410 = tpu.memref_slice %arg6[%dma_start3A_402, %select_n3A_401, %dma_start3A_409] : memref<2x64x128xf32, #tpu.memory_space<vmem>> -> memref<1x1x64xf32, #tpu.memory_space<vmem>>
          %dma_start3A_411 = tpu.memref_squeeze %dma_start3A_410 : memref<1x1x64xf32, #tpu.memory_space<vmem>> -> memref<64xf32, #tpu.memory_space<vmem>>
          %dma_start3A_412 = arith.constant 0 : i32
          %dma_start3A_413 = tpu.memref_slice %arg3[%squeeze3A_377, %dma_start3A_412] : memref<2600000x64xf32, #tpu.memory_space<hbm>> -> memref<1x64xf32, #tpu.memory_space<hbm>>
          %dma_start3A_414 = tpu.memref_squeeze %dma_start3A_413 : memref<1x64xf32, #tpu.memory_space<hbm>> -> memref<64xf32, #tpu.memory_space<hbm>>
          tpu.enqueue_dma source(%dma_start3A_414 : memref<64xf32, #tpu.memory_space<hbm>>) target(%dma_start3A_411 : memref<64xf32, #tpu.memory_space<vmem>>) target_semaphore(%arg7 : memref<!tpu.dma_semaphore, #tpu.memory_space<semaphore_mem>>)
          %mul3A_415 = arith.constant 16 : i32
          %mul3A_416 = arith.muli %scan3A_116, %mul3A_415 : i32
          %add3A_417 = arith.constant 7 : i32
          %add3A_418 = arith.addi %mul3A_416, %add3A_417 : i32
          %slice3A_419 = vector.extract_strided_slice %get3A_123 {offsets = [7], sizes = [1], strides = [1]} : vector<16xi32> to vector<1xi32>
          %squeeze3A_420 = vector.extract %slice3A_419[0] : i32 from vector<1xi32>
          %jit3A_421 = arith.constant 2 : i32
          %div3A_422 = arith.divsi %add3A_418, %jit3A_421 : i32
          %sign3A_423 = arith.constant 0 : i32
          %sign3A_424 = arith.cmpi sgt, %add3A_418, %sign3A_423 : i32
          %sign3A_425 = arith.extui %sign3A_424 : i1 to i32
          %sign3A_426 = arith.constant 0 : i32
          %sign3A_427 = arith.cmpi slt, %add3A_418, %sign3A_426 : i32
          %sign3A_428 = arith.extui %sign3A_427 : i1 to i32
          %sign3A_429 = arith.subi %sign3A_425, %sign3A_428 : i32
          %sign3A_430 = arith.constant 0 : i32
          %sign3A_431 = arith.cmpi sgt, %jit3A_421, %sign3A_430 : i32
          %sign3A_432 = arith.extui %sign3A_431 : i1 to i32
          %sign3A_433 = arith.constant 0 : i32
          %sign3A_434 = arith.cmpi slt, %jit3A_421, %sign3A_433 : i32
          %sign3A_435 = arith.extui %sign3A_434 : i1 to i32
          %sign3A_436 = arith.subi %sign3A_432, %sign3A_435 : i32
          %ne3A_437 = arith.cmpi ne, %sign3A_429, %sign3A_436 : i32
          %rem3A_438 = arith.remsi %add3A_418, %jit3A_421 : i32
          %ne3A_439 = arith.constant 0 : i32
          %ne3A_440 = arith.cmpi ne, %rem3A_438, %ne3A_439 : i32
          %and3A_441 = arith.andi %ne3A_437, %ne3A_440 : i1
          %sub3A_442 = arith.constant 1 : i32
          %sub3A_443 = arith.subi %div3A_422, %sub3A_442 : i32
          %select_n3A_444 = arith.select %and3A_441, %sub3A_443, %div3A_422 : i32
          %dma_start3A_445 = arith.constant 1 : i32
          %dma_start3A_446 = arith.constant 64 : i32
          %dma_start3A_447 = tpu.memref_slice %arg6[%dma_start3A_445, %select_n3A_444, %dma_start3A_446] : memref<2x64x128xf32, #tpu.memory_space<vmem>> -> memref<1x1x64xf32, #tpu.memory_space<vmem>>
          %dma_start3A_448 = tpu.memref_squeeze %dma_start3A_447 : memref<1x1x64xf32, #tpu.memory_space<vmem>> -> memref<64xf32, #tpu.memory_space<vmem>>
          %dma_start3A_449 = arith.constant 0 : i32
          %dma_start3A_450 = tpu.memref_slice %arg3[%squeeze3A_420, %dma_start3A_449] : memref<2600000x64xf32, #tpu.memory_space<hbm>> -> memref<1x64xf32, #tpu.memory_space<hbm>>
          %dma_start3A_451 = tpu.memref_squeeze %dma_start3A_450 : memref<1x64xf32, #tpu.memory_space<hbm>> -> memref<64xf32, #tpu.memory_space<hbm>>
          %dma_start3A_452 = arith.constant 64 : i32
          %dma_start3A_453 = tpu.memref_slice %arg6[%dma_start3A_445, %select_n3A_444, %dma_start3A_452] : memref<2x64x128xf32, #tpu.memory_space<vmem>> -> memref<1x1x64xf32, #tpu.memory_space<vmem>>
          %dma_start3A_454 = tpu.memref_squeeze %dma_start3A_453 : memref<1x1x64xf32, #tpu.memory_space<vmem>> -> memref<64xf32, #tpu.memory_space<vmem>>
          %dma_start3A_455 = arith.constant 0 : i32
          %dma_start3A_456 = tpu.memref_slice %arg3[%squeeze3A_420, %dma_start3A_455] : memref<2600000x64xf32, #tpu.memory_space<hbm>> -> memref<1x64xf32, #tpu.memory_space<hbm>>
          %dma_start3A_457 = tpu.memref_squeeze %dma_start3A_456 : memref<1x64xf32, #tpu.memory_space<hbm>> -> memref<64xf32, #tpu.memory_space<hbm>>
          tpu.enqueue_dma source(%dma_start3A_457 : memref<64xf32, #tpu.memory_space<hbm>>) target(%dma_start3A_454 : memref<64xf32, #tpu.memory_space<vmem>>) target_semaphore(%arg7 : memref<!tpu.dma_semaphore, #tpu.memory_space<semaphore_mem>>)
          %mul3A_458 = arith.constant 16 : i32
          %mul3A_459 = arith.muli %scan3A_116, %mul3A_458 : i32
          %add3A_460 = arith.constant 8 : i32
          %add3A_461 = arith.addi %mul3A_459, %add3A_460 : i32
          %slice3A_462 = vector.extract_strided_slice %get3A_123 {offsets = [8], sizes = [1], strides = [1]} : vector<16xi32> to vector<1xi32>
          %squeeze3A_463 = vector.extract %slice3A_462[0] : i32 from vector<1xi32>
          %jit3A_464 = arith.constant 2 : i32
          %div3A_465 = arith.divsi %add3A_461, %jit3A_464 : i32
          %sign3A_466 = arith.constant 0 : i32
          %sign3A_467 = arith.cmpi sgt, %add3A_461, %sign3A_466 : i32
          %sign3A_468 = arith.extui %sign3A_467 : i1 to i32
          %sign3A_469 = arith.constant 0 : i32
          %sign3A_470 = arith.cmpi slt, %add3A_461, %sign3A_469 : i32
          %sign3A_471 = arith.extui %sign3A_470 : i1 to i32
          %sign3A_472 = arith.subi %sign3A_468, %sign3A_471 : i32
          %sign3A_473 = arith.constant 0 : i32
          %sign3A_474 = arith.cmpi sgt, %jit3A_464, %sign3A_473 : i32
          %sign3A_475 = arith.extui %sign3A_474 : i1 to i32
          %sign3A_476 = arith.constant 0 : i32
          %sign3A_477 = arith.cmpi slt, %jit3A_464, %sign3A_476 : i32
          %sign3A_478 = arith.extui %sign3A_477 : i1 to i32
          %sign3A_479 = arith.subi %sign3A_475, %sign3A_478 : i32
          %ne3A_480 = arith.cmpi ne, %sign3A_472, %sign3A_479 : i32
          %rem3A_481 = arith.remsi %add3A_461, %jit3A_464 : i32
          %ne3A_482 = arith.constant 0 : i32
          %ne3A_483 = arith.cmpi ne, %rem3A_481, %ne3A_482 : i32
          %and3A_484 = arith.andi %ne3A_480, %ne3A_483 : i1
          %sub3A_485 = arith.constant 1 : i32
          %sub3A_486 = arith.subi %div3A_465, %sub3A_485 : i32
          %select_n3A_487 = arith.select %and3A_484, %sub3A_486, %div3A_465 : i32
          %dma_start3A_488 = arith.constant 1 : i32
          %dma_start3A_489 = arith.constant 0 : i32
          %dma_start3A_490 = tpu.memref_slice %arg6[%dma_start3A_488, %select_n3A_487, %dma_start3A_489] : memref<2x64x128xf32, #tpu.memory_space<vmem>> -> memref<1x1x64xf32, #tpu.memory_space<vmem>>
          %dma_start3A_491 = tpu.memref_squeeze %dma_start3A_490 : memref<1x1x64xf32, #tpu.memory_space<vmem>> -> memref<64xf32, #tpu.memory_space<vmem>>
          %dma_start3A_492 = arith.constant 0 : i32
          %dma_start3A_493 = tpu.memref_slice %arg3[%squeeze3A_463, %dma_start3A_492] : memref<2600000x64xf32, #tpu.memory_space<hbm>> -> memref<1x64xf32, #tpu.memory_space<hbm>>
          %dma_start3A_494 = tpu.memref_squeeze %dma_start3A_493 : memref<1x64xf32, #tpu.memory_space<hbm>> -> memref<64xf32, #tpu.memory_space<hbm>>
          %dma_start3A_495 = arith.constant 0 : i32
          %dma_start3A_496 = tpu.memref_slice %arg6[%dma_start3A_488, %select_n3A_487, %dma_start3A_495] : memref<2x64x128xf32, #tpu.memory_space<vmem>> -> memref<1x1x64xf32, #tpu.memory_space<vmem>>
          %dma_start3A_497 = tpu.memref_squeeze %dma_start3A_496 : memref<1x1x64xf32, #tpu.memory_space<vmem>> -> memref<64xf32, #tpu.memory_space<vmem>>
          %dma_start3A_498 = arith.constant 0 : i32
          %dma_start3A_499 = tpu.memref_slice %arg3[%squeeze3A_463, %dma_start3A_498] : memref<2600000x64xf32, #tpu.memory_space<hbm>> -> memref<1x64xf32, #tpu.memory_space<hbm>>
          %dma_start3A_500 = tpu.memref_squeeze %dma_start3A_499 : memref<1x64xf32, #tpu.memory_space<hbm>> -> memref<64xf32, #tpu.memory_space<hbm>>
          tpu.enqueue_dma source(%dma_start3A_500 : memref<64xf32, #tpu.memory_space<hbm>>) target(%dma_start3A_497 : memref<64xf32, #tpu.memory_space<vmem>>) target_semaphore(%arg7 : memref<!tpu.dma_semaphore, #tpu.memory_space<semaphore_mem>>)
          %mul3A_501 = arith.constant 16 : i32
          %mul3A_502 = arith.muli %scan3A_116, %mul3A_501 : i32
          %add3A_503 = arith.constant 9 : i32
          %add3A_504 = arith.addi %mul3A_502, %add3A_503 : i32
          %slice3A_505 = vector.extract_strided_slice %get3A_123 {offsets = [9], sizes = [1], strides = [1]} : vector<16xi32> to vector<1xi32>
          %squeeze3A_506 = vector.extract %slice3A_505[0] : i32 from vector<1xi32>
          %jit3A_507 = arith.constant 2 : i32
          %div3A_508 = arith.divsi %add3A_504, %jit3A_507 : i32
          %sign3A_509 = arith.constant 0 : i32
          %sign3A_510 = arith.cmpi sgt, %add3A_504, %sign3A_509 : i32
          %sign3A_511 = arith.extui %sign3A_510 : i1 to i32
          %sign3A_512 = arith.constant 0 : i32
          %sign3A_513 = arith.cmpi slt, %add3A_504, %sign3A_512 : i32
          %sign3A_514 = arith.extui %sign3A_513 : i1 to i32
          %sign3A_515 = arith.subi %sign3A_511, %sign3A_514 : i32
          %sign3A_516 = arith.constant 0 : i32
          %sign3A_517 = arith.cmpi sgt, %jit3A_507, %sign3A_516 : i32
          %sign3A_518 = arith.extui %sign3A_517 : i1 to i32
          %sign3A_519 = arith.constant 0 : i32
          %sign3A_520 = arith.cmpi slt, %jit3A_507, %sign3A_519 : i32
          %sign3A_521 = arith.extui %sign3A_520 : i1 to i32
          %sign3A_522 = arith.subi %sign3A_518, %sign3A_521 : i32
          %ne3A_523 = arith.cmpi ne, %sign3A_515, %sign3A_522 : i32
          %rem3A_524 = arith.remsi %add3A_504, %jit3A_507 : i32
          %ne3A_525 = arith.constant 0 : i32
          %ne3A_526 = arith.cmpi ne, %rem3A_524, %ne3A_525 : i32
          %and3A_527 = arith.andi %ne3A_523, %ne3A_526 : i1
          %sub3A_528 = arith.constant 1 : i32
          %sub3A_529 = arith.subi %div3A_508, %sub3A_528 : i32
          %select_n3A_530 = arith.select %and3A_527, %sub3A_529, %div3A_508 : i32
          %dma_start3A_531 = arith.constant 1 : i32
          %dma_start3A_532 = arith.constant 64 : i32
          %dma_start3A_533 = tpu.memref_slice %arg6[%dma_start3A_531, %select_n3A_530, %dma_start3A_532] : memref<2x64x128xf32, #tpu.memory_space<vmem>> -> memref<1x1x64xf32, #tpu.memory_space<vmem>>
          %dma_start3A_534 = tpu.memref_squeeze %dma_start3A_533 : memref<1x1x64xf32, #tpu.memory_space<vmem>> -> memref<64xf32, #tpu.memory_space<vmem>>
          %dma_start3A_535 = arith.constant 0 : i32
          %dma_start3A_536 = tpu.memref_slice %arg3[%squeeze3A_506, %dma_start3A_535] : memref<2600000x64xf32, #tpu.memory_space<hbm>> -> memref<1x64xf32, #tpu.memory_space<hbm>>
          %dma_start3A_537 = tpu.memref_squeeze %dma_start3A_536 : memref<1x64xf32, #tpu.memory_space<hbm>> -> memref<64xf32, #tpu.memory_space<hbm>>
          %dma_start3A_538 = arith.constant 64 : i32
          %dma_start3A_539 = tpu.memref_slice %arg6[%dma_start3A_531, %select_n3A_530, %dma_start3A_538] : memref<2x64x128xf32, #tpu.memory_space<vmem>> -> memref<1x1x64xf32, #tpu.memory_space<vmem>>
          %dma_start3A_540 = tpu.memref_squeeze %dma_start3A_539 : memref<1x1x64xf32, #tpu.memory_space<vmem>> -> memref<64xf32, #tpu.memory_space<vmem>>
          %dma_start3A_541 = arith.constant 0 : i32
          %dma_start3A_542 = tpu.memref_slice %arg3[%squeeze3A_506, %dma_start3A_541] : memref<2600000x64xf32, #tpu.memory_space<hbm>> -> memref<1x64xf32, #tpu.memory_space<hbm>>
          %dma_start3A_543 = tpu.memref_squeeze %dma_start3A_542 : memref<1x64xf32, #tpu.memory_space<hbm>> -> memref<64xf32, #tpu.memory_space<hbm>>
          tpu.enqueue_dma source(%dma_start3A_543 : memref<64xf32, #tpu.memory_space<hbm>>) target(%dma_start3A_540 : memref<64xf32, #tpu.memory_space<vmem>>) target_semaphore(%arg7 : memref<!tpu.dma_semaphore, #tpu.memory_space<semaphore_mem>>)
          %mul3A_544 = arith.constant 16 : i32
          %mul3A_545 = arith.muli %scan3A_116, %mul3A_544 : i32
          %add3A_546 = arith.constant 10 : i32
          %add3A_547 = arith.addi %mul3A_545, %add3A_546 : i32
          %slice3A_548 = vector.extract_strided_slice %get3A_123 {offsets = [10], sizes = [1], strides = [1]} : vector<16xi32> to vector<1xi32>
          %squeeze3A_549 = vector.extract %slice3A_548[0] : i32 from vector<1xi32>
          %jit3A_550 = arith.constant 2 : i32
          %div3A_551 = arith.divsi %add3A_547, %jit3A_550 : i32
          %sign3A_552 = arith.constant 0 : i32
          %sign3A_553 = arith.cmpi sgt, %add3A_547, %sign3A_552 : i32
          %sign3A_554 = arith.extui %sign3A_553 : i1 to i32
          %sign3A_555 = arith.constant 0 : i32
          %sign3A_556 = arith.cmpi slt, %add3A_547, %sign3A_555 : i32
          %sign3A_557 = arith.extui %sign3A_556 : i1 to i32
          %sign3A_558 = arith.subi %sign3A_554, %sign3A_557 : i32
          %sign3A_559 = arith.constant 0 : i32
          %sign3A_560 = arith.cmpi sgt, %jit3A_550, %sign3A_559 : i32
          %sign3A_561 = arith.extui %sign3A_560 : i1 to i32
          %sign3A_562 = arith.constant 0 : i32
          %sign3A_563 = arith.cmpi slt, %jit3A_550, %sign3A_562 : i32
          %sign3A_564 = arith.extui %sign3A_563 : i1 to i32
          %sign3A_565 = arith.subi %sign3A_561, %sign3A_564 : i32
          %ne3A_566 = arith.cmpi ne, %sign3A_558, %sign3A_565 : i32
          %rem3A_567 = arith.remsi %add3A_547, %jit3A_550 : i32
          %ne3A_568 = arith.constant 0 : i32
          %ne3A_569 = arith.cmpi ne, %rem3A_567, %ne3A_568 : i32
          %and3A_570 = arith.andi %ne3A_566, %ne3A_569 : i1
          %sub3A_571 = arith.constant 1 : i32
          %sub3A_572 = arith.subi %div3A_551, %sub3A_571 : i32
          %select_n3A_573 = arith.select %and3A_570, %sub3A_572, %div3A_551 : i32
          %dma_start3A_574 = arith.constant 1 : i32
          %dma_start3A_575 = arith.constant 0 : i32
          %dma_start3A_576 = tpu.memref_slice %arg6[%dma_start3A_574, %select_n3A_573, %dma_start3A_575] : memref<2x64x128xf32, #tpu.memory_space<vmem>> -> memref<1x1x64xf32, #tpu.memory_space<vmem>>
          %dma_start3A_577 = tpu.memref_squeeze %dma_start3A_576 : memref<1x1x64xf32, #tpu.memory_space<vmem>> -> memref<64xf32, #tpu.memory_space<vmem>>
          %dma_start3A_578 = arith.constant 0 : i32
          %dma_start3A_579 = tpu.memref_slice %arg3[%squeeze3A_549, %dma_start3A_578] : memref<2600000x64xf32, #tpu.memory_space<hbm>> -> memref<1x64xf32, #tpu.memory_space<hbm>>
          %dma_start3A_580 = tpu.memref_squeeze %dma_start3A_579 : memref<1x64xf32, #tpu.memory_space<hbm>> -> memref<64xf32, #tpu.memory_space<hbm>>
          %dma_start3A_581 = arith.constant 0 : i32
          %dma_start3A_582 = tpu.memref_slice %arg6[%dma_start3A_574, %select_n3A_573, %dma_start3A_581] : memref<2x64x128xf32, #tpu.memory_space<vmem>> -> memref<1x1x64xf32, #tpu.memory_space<vmem>>
          %dma_start3A_583 = tpu.memref_squeeze %dma_start3A_582 : memref<1x1x64xf32, #tpu.memory_space<vmem>> -> memref<64xf32, #tpu.memory_space<vmem>>
          %dma_start3A_584 = arith.constant 0 : i32
          %dma_start3A_585 = tpu.memref_slice %arg3[%squeeze3A_549, %dma_start3A_584] : memref<2600000x64xf32, #tpu.memory_space<hbm>> -> memref<1x64xf32, #tpu.memory_space<hbm>>
          %dma_start3A_586 = tpu.memref_squeeze %dma_start3A_585 : memref<1x64xf32, #tpu.memory_space<hbm>> -> memref<64xf32, #tpu.memory_space<hbm>>
          tpu.enqueue_dma source(%dma_start3A_586 : memref<64xf32, #tpu.memory_space<hbm>>) target(%dma_start3A_583 : memref<64xf32, #tpu.memory_space<vmem>>) target_semaphore(%arg7 : memref<!tpu.dma_semaphore, #tpu.memory_space<semaphore_mem>>)
          %mul3A_587 = arith.constant 16 : i32
          %mul3A_588 = arith.muli %scan3A_116, %mul3A_587 : i32
          %add3A_589 = arith.constant 11 : i32
          %add3A_590 = arith.addi %mul3A_588, %add3A_589 : i32
          %slice3A_591 = vector.extract_strided_slice %get3A_123 {offsets = [11], sizes = [1], strides = [1]} : vector<16xi32> to vector<1xi32>
          %squeeze3A_592 = vector.extract %slice3A_591[0] : i32 from vector<1xi32>
          %jit3A_593 = arith.constant 2 : i32
          %div3A_594 = arith.divsi %add3A_590, %jit3A_593 : i32
          %sign3A_595 = arith.constant 0 : i32
          %sign3A_596 = arith.cmpi sgt, %add3A_590, %sign3A_595 : i32
          %sign3A_597 = arith.extui %sign3A_596 : i1 to i32
          %sign3A_598 = arith.constant 0 : i32
          %sign3A_599 = arith.cmpi slt, %add3A_590, %sign3A_598 : i32
          %sign3A_600 = arith.extui %sign3A_599 : i1 to i32
          %sign3A_601 = arith.subi %sign3A_597, %sign3A_600 : i32
          %sign3A_602 = arith.constant 0 : i32
          %sign3A_603 = arith.cmpi sgt, %jit3A_593, %sign3A_602 : i32
          %sign3A_604 = arith.extui %sign3A_603 : i1 to i32
          %sign3A_605 = arith.constant 0 : i32
          %sign3A_606 = arith.cmpi slt, %jit3A_593, %sign3A_605 : i32
          %sign3A_607 = arith.extui %sign3A_606 : i1 to i32
          %sign3A_608 = arith.subi %sign3A_604, %sign3A_607 : i32
          %ne3A_609 = arith.cmpi ne, %sign3A_601, %sign3A_608 : i32
          %rem3A_610 = arith.remsi %add3A_590, %jit3A_593 : i32
          %ne3A_611 = arith.constant 0 : i32
          %ne3A_612 = arith.cmpi ne, %rem3A_610, %ne3A_611 : i32
          %and3A_613 = arith.andi %ne3A_609, %ne3A_612 : i1
          %sub3A_614 = arith.constant 1 : i32
          %sub3A_615 = arith.subi %div3A_594, %sub3A_614 : i32
          %select_n3A_616 = arith.select %and3A_613, %sub3A_615, %div3A_594 : i32
          %dma_start3A_617 = arith.constant 1 : i32
          %dma_start3A_618 = arith.constant 64 : i32
          %dma_start3A_619 = tpu.memref_slice %arg6[%dma_start3A_617, %select_n3A_616, %dma_start3A_618] : memref<2x64x128xf32, #tpu.memory_space<vmem>> -> memref<1x1x64xf32, #tpu.memory_space<vmem>>
          %dma_start3A_620 = tpu.memref_squeeze %dma_start3A_619 : memref<1x1x64xf32, #tpu.memory_space<vmem>> -> memref<64xf32, #tpu.memory_space<vmem>>
          %dma_start3A_621 = arith.constant 0 : i32
          %dma_start3A_622 = tpu.memref_slice %arg3[%squeeze3A_592, %dma_start3A_621] : memref<2600000x64xf32, #tpu.memory_space<hbm>> -> memref<1x64xf32, #tpu.memory_space<hbm>>
          %dma_start3A_623 = tpu.memref_squeeze %dma_start3A_622 : memref<1x64xf32, #tpu.memory_space<hbm>> -> memref<64xf32, #tpu.memory_space<hbm>>
          %dma_start3A_624 = arith.constant 64 : i32
          %dma_start3A_625 = tpu.memref_slice %arg6[%dma_start3A_617, %select_n3A_616, %dma_start3A_624] : memref<2x64x128xf32, #tpu.memory_space<vmem>> -> memref<1x1x64xf32, #tpu.memory_space<vmem>>
          %dma_start3A_626 = tpu.memref_squeeze %dma_start3A_625 : memref<1x1x64xf32, #tpu.memory_space<vmem>> -> memref<64xf32, #tpu.memory_space<vmem>>
          %dma_start3A_627 = arith.constant 0 : i32
          %dma_start3A_628 = tpu.memref_slice %arg3[%squeeze3A_592, %dma_start3A_627] : memref<2600000x64xf32, #tpu.memory_space<hbm>> -> memref<1x64xf32, #tpu.memory_space<hbm>>
          %dma_start3A_629 = tpu.memref_squeeze %dma_start3A_628 : memref<1x64xf32, #tpu.memory_space<hbm>> -> memref<64xf32, #tpu.memory_space<hbm>>
          tpu.enqueue_dma source(%dma_start3A_629 : memref<64xf32, #tpu.memory_space<hbm>>) target(%dma_start3A_626 : memref<64xf32, #tpu.memory_space<vmem>>) target_semaphore(%arg7 : memref<!tpu.dma_semaphore, #tpu.memory_space<semaphore_mem>>)
          %mul3A_630 = arith.constant 16 : i32
          %mul3A_631 = arith.muli %scan3A_116, %mul3A_630 : i32
          %add3A_632 = arith.constant 12 : i32
          %add3A_633 = arith.addi %mul3A_631, %add3A_632 : i32
          %slice3A_634 = vector.extract_strided_slice %get3A_123 {offsets = [12], sizes = [1], strides = [1]} : vector<16xi32> to vector<1xi32>
          %squeeze3A_635 = vector.extract %slice3A_634[0] : i32 from vector<1xi32>
          %jit3A_636 = arith.constant 2 : i32
          %div3A_637 = arith.divsi %add3A_633, %jit3A_636 : i32
          %sign3A_638 = arith.constant 0 : i32
          %sign3A_639 = arith.cmpi sgt, %add3A_633, %sign3A_638 : i32
          %sign3A_640 = arith.extui %sign3A_639 : i1 to i32
          %sign3A_641 = arith.constant 0 : i32
          %sign3A_642 = arith.cmpi slt, %add3A_633, %sign3A_641 : i32
          %sign3A_643 = arith.extui %sign3A_642 : i1 to i32
          %sign3A_644 = arith.subi %sign3A_640, %sign3A_643 : i32
          %sign3A_645 = arith.constant 0 : i32
          %sign3A_646 = arith.cmpi sgt, %jit3A_636, %sign3A_645 : i32
          %sign3A_647 = arith.extui %sign3A_646 : i1 to i32
          %sign3A_648 = arith.constant 0 : i32
          %sign3A_649 = arith.cmpi slt, %jit3A_636, %sign3A_648 : i32
          %sign3A_650 = arith.extui %sign3A_649 : i1 to i32
          %sign3A_651 = arith.subi %sign3A_647, %sign3A_650 : i32
          %ne3A_652 = arith.cmpi ne, %sign3A_644, %sign3A_651 : i32
          %rem3A_653 = arith.remsi %add3A_633, %jit3A_636 : i32
          %ne3A_654 = arith.constant 0 : i32
          %ne3A_655 = arith.cmpi ne, %rem3A_653, %ne3A_654 : i32
          %and3A_656 = arith.andi %ne3A_652, %ne3A_655 : i1
          %sub3A_657 = arith.constant 1 : i32
          %sub3A_658 = arith.subi %div3A_637, %sub3A_657 : i32
          %select_n3A_659 = arith.select %and3A_656, %sub3A_658, %div3A_637 : i32
          %dma_start3A_660 = arith.constant 1 : i32
          %dma_start3A_661 = arith.constant 0 : i32
          %dma_start3A_662 = tpu.memref_slice %arg6[%dma_start3A_660, %select_n3A_659, %dma_start3A_661] : memref<2x64x128xf32, #tpu.memory_space<vmem>> -> memref<1x1x64xf32, #tpu.memory_space<vmem>>
          %dma_start3A_663 = tpu.memref_squeeze %dma_start3A_662 : memref<1x1x64xf32, #tpu.memory_space<vmem>> -> memref<64xf32, #tpu.memory_space<vmem>>
          %dma_start3A_664 = arith.constant 0 : i32
          %dma_start3A_665 = tpu.memref_slice %arg3[%squeeze3A_635, %dma_start3A_664] : memref<2600000x64xf32, #tpu.memory_space<hbm>> -> memref<1x64xf32, #tpu.memory_space<hbm>>
          %dma_start3A_666 = tpu.memref_squeeze %dma_start3A_665 : memref<1x64xf32, #tpu.memory_space<hbm>> -> memref<64xf32, #tpu.memory_space<hbm>>
          %dma_start3A_667 = arith.constant 0 : i32
          %dma_start3A_668 = tpu.memref_slice %arg6[%dma_start3A_660, %select_n3A_659, %dma_start3A_667] : memref<2x64x128xf32, #tpu.memory_space<vmem>> -> memref<1x1x64xf32, #tpu.memory_space<vmem>>
          %dma_start3A_669 = tpu.memref_squeeze %dma_start3A_668 : memref<1x1x64xf32, #tpu.memory_space<vmem>> -> memref<64xf32, #tpu.memory_space<vmem>>
          %dma_start3A_670 = arith.constant 0 : i32
          %dma_start3A_671 = tpu.memref_slice %arg3[%squeeze3A_635, %dma_start3A_670] : memref<2600000x64xf32, #tpu.memory_space<hbm>> -> memref<1x64xf32, #tpu.memory_space<hbm>>
          %dma_start3A_672 = tpu.memref_squeeze %dma_start3A_671 : memref<1x64xf32, #tpu.memory_space<hbm>> -> memref<64xf32, #tpu.memory_space<hbm>>
          tpu.enqueue_dma source(%dma_start3A_672 : memref<64xf32, #tpu.memory_space<hbm>>) target(%dma_start3A_669 : memref<64xf32, #tpu.memory_space<vmem>>) target_semaphore(%arg7 : memref<!tpu.dma_semaphore, #tpu.memory_space<semaphore_mem>>)
          %mul3A_673 = arith.constant 16 : i32
          %mul3A_674 = arith.muli %scan3A_116, %mul3A_673 : i32
          %add3A_675 = arith.constant 13 : i32
          %add3A_676 = arith.addi %mul3A_674, %add3A_675 : i32
          %slice3A_677 = vector.extract_strided_slice %get3A_123 {offsets = [13], sizes = [1], strides = [1]} : vector<16xi32> to vector<1xi32>
          %squeeze3A_678 = vector.extract %slice3A_677[0] : i32 from vector<1xi32>
          %jit3A_679 = arith.constant 2 : i32
          %div3A_680 = arith.divsi %add3A_676, %jit3A_679 : i32
          %sign3A_681 = arith.constant 0 : i32
          %sign3A_682 = arith.cmpi sgt, %add3A_676, %sign3A_681 : i32
          %sign3A_683 = arith.extui %sign3A_682 : i1 to i32
          %sign3A_684 = arith.constant 0 : i32
          %sign3A_685 = arith.cmpi slt, %add3A_676, %sign3A_684 : i32
          %sign3A_686 = arith.extui %sign3A_685 : i1 to i32
          %sign3A_687 = arith.subi %sign3A_683, %sign3A_686 : i32
          %sign3A_688 = arith.constant 0 : i32
          %sign3A_689 = arith.cmpi sgt, %jit3A_679, %sign3A_688 : i32
          %sign3A_690 = arith.extui %sign3A_689 : i1 to i32
          %sign3A_691 = arith.constant 0 : i32
          %sign3A_692 = arith.cmpi slt, %jit3A_679, %sign3A_691 : i32
          %sign3A_693 = arith.extui %sign3A_692 : i1 to i32
          %sign3A_694 = arith.subi %sign3A_690, %sign3A_693 : i32
          %ne3A_695 = arith.cmpi ne, %sign3A_687, %sign3A_694 : i32
          %rem3A_696 = arith.remsi %add3A_676, %jit3A_679 : i32
          %ne3A_697 = arith.constant 0 : i32
          %ne3A_698 = arith.cmpi ne, %rem3A_696, %ne3A_697 : i32
          %and3A_699 = arith.andi %ne3A_695, %ne3A_698 : i1
          %sub3A_700 = arith.constant 1 : i32
          %sub3A_701 = arith.subi %div3A_680, %sub3A_700 : i32
          %select_n3A_702 = arith.select %and3A_699, %sub3A_701, %div3A_680 : i32
          %dma_start3A_703 = arith.constant 1 : i32
          %dma_start3A_704 = arith.constant 64 : i32
          %dma_start3A_705 = tpu.memref_slice %arg6[%dma_start3A_703, %select_n3A_702, %dma_start3A_704] : memref<2x64x128xf32, #tpu.memory_space<vmem>> -> memref<1x1x64xf32, #tpu.memory_space<vmem>>
          %dma_start3A_706 = tpu.memref_squeeze %dma_start3A_705 : memref<1x1x64xf32, #tpu.memory_space<vmem>> -> memref<64xf32, #tpu.memory_space<vmem>>
          %dma_start3A_707 = arith.constant 0 : i32
          %dma_start3A_708 = tpu.memref_slice %arg3[%squeeze3A_678, %dma_start3A_707] : memref<2600000x64xf32, #tpu.memory_space<hbm>> -> memref<1x64xf32, #tpu.memory_space<hbm>>
          %dma_start3A_709 = tpu.memref_squeeze %dma_start3A_708 : memref<1x64xf32, #tpu.memory_space<hbm>> -> memref<64xf32, #tpu.memory_space<hbm>>
          %dma_start3A_710 = arith.constant 64 : i32
          %dma_start3A_711 = tpu.memref_slice %arg6[%dma_start3A_703, %select_n3A_702, %dma_start3A_710] : memref<2x64x128xf32, #tpu.memory_space<vmem>> -> memref<1x1x64xf32, #tpu.memory_space<vmem>>
          %dma_start3A_712 = tpu.memref_squeeze %dma_start3A_711 : memref<1x1x64xf32, #tpu.memory_space<vmem>> -> memref<64xf32, #tpu.memory_space<vmem>>
          %dma_start3A_713 = arith.constant 0 : i32
          %dma_start3A_714 = tpu.memref_slice %arg3[%squeeze3A_678, %dma_start3A_713] : memref<2600000x64xf32, #tpu.memory_space<hbm>> -> memref<1x64xf32, #tpu.memory_space<hbm>>
          %dma_start3A_715 = tpu.memref_squeeze %dma_start3A_714 : memref<1x64xf32, #tpu.memory_space<hbm>> -> memref<64xf32, #tpu.memory_space<hbm>>
          tpu.enqueue_dma source(%dma_start3A_715 : memref<64xf32, #tpu.memory_space<hbm>>) target(%dma_start3A_712 : memref<64xf32, #tpu.memory_space<vmem>>) target_semaphore(%arg7 : memref<!tpu.dma_semaphore, #tpu.memory_space<semaphore_mem>>)
          %mul3A_716 = arith.constant 16 : i32
          %mul3A_717 = arith.muli %scan3A_116, %mul3A_716 : i32
          %add3A_718 = arith.constant 14 : i32
          %add3A_719 = arith.addi %mul3A_717, %add3A_718 : i32
          %slice3A_720 = vector.extract_strided_slice %get3A_123 {offsets = [14], sizes = [1], strides = [1]} : vector<16xi32> to vector<1xi32>
          %squeeze3A_721 = vector.extract %slice3A_720[0] : i32 from vector<1xi32>
          %jit3A_722 = arith.constant 2 : i32
          %div3A_723 = arith.divsi %add3A_719, %jit3A_722 : i32
          %sign3A_724 = arith.constant 0 : i32
          %sign3A_725 = arith.cmpi sgt, %add3A_719, %sign3A_724 : i32
          %sign3A_726 = arith.extui %sign3A_725 : i1 to i32
          %sign3A_727 = arith.constant 0 : i32
          %sign3A_728 = arith.cmpi slt, %add3A_719, %sign3A_727 : i32
          %sign3A_729 = arith.extui %sign3A_728 : i1 to i32
          %sign3A_730 = arith.subi %sign3A_726, %sign3A_729 : i32
          %sign3A_731 = arith.constant 0 : i32
          %sign3A_732 = arith.cmpi sgt, %jit3A_722, %sign3A_731 : i32
          %sign3A_733 = arith.extui %sign3A_732 : i1 to i32
          %sign3A_734 = arith.constant 0 : i32
          %sign3A_735 = arith.cmpi slt, %jit3A_722, %sign3A_734 : i32
          %sign3A_736 = arith.extui %sign3A_735 : i1 to i32
          %sign3A_737 = arith.subi %sign3A_733, %sign3A_736 : i32
          %ne3A_738 = arith.cmpi ne, %sign3A_730, %sign3A_737 : i32
          %rem3A_739 = arith.remsi %add3A_719, %jit3A_722 : i32
          %ne3A_740 = arith.constant 0 : i32
          %ne3A_741 = arith.cmpi ne, %rem3A_739, %ne3A_740 : i32
          %and3A_742 = arith.andi %ne3A_738, %ne3A_741 : i1
          %sub3A_743 = arith.constant 1 : i32
          %sub3A_744 = arith.subi %div3A_723, %sub3A_743 : i32
          %select_n3A_745 = arith.select %and3A_742, %sub3A_744, %div3A_723 : i32
          %dma_start3A_746 = arith.constant 1 : i32
          %dma_start3A_747 = arith.constant 0 : i32
          %dma_start3A_748 = tpu.memref_slice %arg6[%dma_start3A_746, %select_n3A_745, %dma_start3A_747] : memref<2x64x128xf32, #tpu.memory_space<vmem>> -> memref<1x1x64xf32, #tpu.memory_space<vmem>>
          %dma_start3A_749 = tpu.memref_squeeze %dma_start3A_748 : memref<1x1x64xf32, #tpu.memory_space<vmem>> -> memref<64xf32, #tpu.memory_space<vmem>>
          %dma_start3A_750 = arith.constant 0 : i32
          %dma_start3A_751 = tpu.memref_slice %arg3[%squeeze3A_721, %dma_start3A_750] : memref<2600000x64xf32, #tpu.memory_space<hbm>> -> memref<1x64xf32, #tpu.memory_space<hbm>>
          %dma_start3A_752 = tpu.memref_squeeze %dma_start3A_751 : memref<1x64xf32, #tpu.memory_space<hbm>> -> memref<64xf32, #tpu.memory_space<hbm>>
          %dma_start3A_753 = arith.constant 0 : i32
          %dma_start3A_754 = tpu.memref_slice %arg6[%dma_start3A_746, %select_n3A_745, %dma_start3A_753] : memref<2x64x128xf32, #tpu.memory_space<vmem>> -> memref<1x1x64xf32, #tpu.memory_space<vmem>>
          %dma_start3A_755 = tpu.memref_squeeze %dma_start3A_754 : memref<1x1x64xf32, #tpu.memory_space<vmem>> -> memref<64xf32, #tpu.memory_space<vmem>>
          %dma_start3A_756 = arith.constant 0 : i32
          %dma_start3A_757 = tpu.memref_slice %arg3[%squeeze3A_721, %dma_start3A_756] : memref<2600000x64xf32, #tpu.memory_space<hbm>> -> memref<1x64xf32, #tpu.memory_space<hbm>>
          %dma_start3A_758 = tpu.memref_squeeze %dma_start3A_757 : memref<1x64xf32, #tpu.memory_space<hbm>> -> memref<64xf32, #tpu.memory_space<hbm>>
          tpu.enqueue_dma source(%dma_start3A_758 : memref<64xf32, #tpu.memory_space<hbm>>) target(%dma_start3A_755 : memref<64xf32, #tpu.memory_space<vmem>>) target_semaphore(%arg7 : memref<!tpu.dma_semaphore, #tpu.memory_space<semaphore_mem>>)
          %mul3A_759 = arith.constant 16 : i32
          %mul3A_760 = arith.muli %scan3A_116, %mul3A_759 : i32
          %add3A_761 = arith.constant 15 : i32
          %add3A_762 = arith.addi %mul3A_760, %add3A_761 : i32
          %slice3A_763 = vector.extract_strided_slice %get3A_123 {offsets = [15], sizes = [1], strides = [1]} : vector<16xi32> to vector<1xi32>
          %squeeze3A_764 = vector.extract %slice3A_763[0] : i32 from vector<1xi32>
          %jit3A_765 = arith.constant 2 : i32
          %div3A_766 = arith.divsi %add3A_762, %jit3A_765 : i32
          %sign3A_767 = arith.constant 0 : i32
          %sign3A_768 = arith.cmpi sgt, %add3A_762, %sign3A_767 : i32
          %sign3A_769 = arith.extui %sign3A_768 : i1 to i32
          %sign3A_770 = arith.constant 0 : i32
          %sign3A_771 = arith.cmpi slt, %add3A_762, %sign3A_770 : i32
          %sign3A_772 = arith.extui %sign3A_771 : i1 to i32
          %sign3A_773 = arith.subi %sign3A_769, %sign3A_772 : i32
          %sign3A_774 = arith.constant 0 : i32
          %sign3A_775 = arith.cmpi sgt, %jit3A_765, %sign3A_774 : i32
          %sign3A_776 = arith.extui %sign3A_775 : i1 to i32
          %sign3A_777 = arith.constant 0 : i32
          %sign3A_778 = arith.cmpi slt, %jit3A_765, %sign3A_777 : i32
          %sign3A_779 = arith.extui %sign3A_778 : i1 to i32
          %sign3A_780 = arith.subi %sign3A_776, %sign3A_779 : i32
          %ne3A_781 = arith.cmpi ne, %sign3A_773, %sign3A_780 : i32
          %rem3A_782 = arith.remsi %add3A_762, %jit3A_765 : i32
          %ne3A_783 = arith.constant 0 : i32
          %ne3A_784 = arith.cmpi ne, %rem3A_782, %ne3A_783 : i32
          %and3A_785 = arith.andi %ne3A_781, %ne3A_784 : i1
          %sub3A_786 = arith.constant 1 : i32
          %sub3A_787 = arith.subi %div3A_766, %sub3A_786 : i32
          %select_n3A_788 = arith.select %and3A_785, %sub3A_787, %div3A_766 : i32
          %dma_start3A_789 = arith.constant 1 : i32
          %dma_start3A_790 = arith.constant 64 : i32
          %dma_start3A_791 = tpu.memref_slice %arg6[%dma_start3A_789, %select_n3A_788, %dma_start3A_790] : memref<2x64x128xf32, #tpu.memory_space<vmem>> -> memref<1x1x64xf32, #tpu.memory_space<vmem>>
          %dma_start3A_792 = tpu.memref_squeeze %dma_start3A_791 : memref<1x1x64xf32, #tpu.memory_space<vmem>> -> memref<64xf32, #tpu.memory_space<vmem>>
          %dma_start3A_793 = arith.constant 0 : i32
          %dma_start3A_794 = tpu.memref_slice %arg3[%squeeze3A_764, %dma_start3A_793] : memref<2600000x64xf32, #tpu.memory_space<hbm>> -> memref<1x64xf32, #tpu.memory_space<hbm>>
          %dma_start3A_795 = tpu.memref_squeeze %dma_start3A_794 : memref<1x64xf32, #tpu.memory_space<hbm>> -> memref<64xf32, #tpu.memory_space<hbm>>
          %dma_start3A_796 = arith.constant 64 : i32
          %dma_start3A_797 = tpu.memref_slice %arg6[%dma_start3A_789, %select_n3A_788, %dma_start3A_796] : memref<2x64x128xf32, #tpu.memory_space<vmem>> -> memref<1x1x64xf32, #tpu.memory_space<vmem>>
          %dma_start3A_798 = tpu.memref_squeeze %dma_start3A_797 : memref<1x1x64xf32, #tpu.memory_space<vmem>> -> memref<64xf32, #tpu.memory_space<vmem>>
          %dma_start3A_799 = arith.constant 0 : i32
          %dma_start3A_800 = tpu.memref_slice %arg3[%squeeze3A_764, %dma_start3A_799] : memref<2600000x64xf32, #tpu.memory_space<hbm>> -> memref<1x64xf32, #tpu.memory_space<hbm>>
          %dma_start3A_801 = tpu.memref_squeeze %dma_start3A_800 : memref<1x64xf32, #tpu.memory_space<hbm>> -> memref<64xf32, #tpu.memory_space<hbm>>
          tpu.enqueue_dma source(%dma_start3A_801 : memref<64xf32, #tpu.memory_space<hbm>>) target(%dma_start3A_798 : memref<64xf32, #tpu.memory_space<vmem>>) target_semaphore(%arg7 : memref<!tpu.dma_semaphore, #tpu.memory_space<semaphore_mem>>)
        }
        %scan3A_115 = arith.constant 8 : i32
      } else {
      }
      %mul3A_65 = arith.constant 2 : i32
      %mul3A_66 = arith.muli %scan3A_26, %mul3A_65 : i32
      %add3A_67 = arith.constant 1 : i32
      %add3A_68 = arith.addi %mul3A_66, %add3A_67 : i32
      %dma_wait3A_69 = arith.constant 1 : i32
      %dma_wait3A_70 = arith.constant 0 : i32
      %dma_wait3A_71 = arith.constant 0 : i32
      %dma_wait3A_72 = tpu.memref_slice %arg6[%dma_wait3A_69, %dma_wait3A_70, %dma_wait3A_71] : memref<2x64x128xf32, #tpu.memory_space<vmem>> -> memref<1x64x128xf32, #tpu.memory_space<vmem>>
      %dma_wait3A_73 = tpu.memref_squeeze %dma_wait3A_72 : memref<1x64x128xf32, #tpu.memory_space<vmem>> -> memref<64x128xf32, #tpu.memory_space<vmem>>
      %dma_wait3A_74 = arith.constant 0 : i32
      %dma_wait3A_75 = tpu.memref_slice %arg4[%mul3A_2, %dma_wait3A_74] : memref<53248x128xf32, #tpu.memory_space<hbm>> -> memref<64x128xf32, #tpu.memory_space<hbm>>
      %dma_wait3A_76 = arith.constant 0 : i32
      %dma_wait3A_77 = arith.constant 0 : i32
      %dma_wait3A_78 = tpu.memref_slice %arg6[%dma_wait3A_69, %dma_wait3A_76, %dma_wait3A_77] : memref<2x64x128xf32, #tpu.memory_space<vmem>> -> memref<1x64x128xf32, #tpu.memory_space<vmem>>
      %dma_wait3A_79 = tpu.memref_squeeze %dma_wait3A_78 : memref<1x64x128xf32, #tpu.memory_space<vmem>> -> memref<64x128xf32, #tpu.memory_space<vmem>>
      %dma_wait3A_80 = arith.constant 0 : i32
      %dma_wait3A_81 = tpu.memref_slice %arg4[%mul3A_2, %dma_wait3A_80] : memref<53248x128xf32, #tpu.memory_space<hbm>> -> memref<64x128xf32, #tpu.memory_space<hbm>>
      tpu.wait_dma2 semaphore(%arg7 : memref<!tpu.dma_semaphore, #tpu.memory_space<semaphore_mem>>) src(%dma_wait3A_81 : memref<64x128xf32, #tpu.memory_space<hbm>>) dst(%dma_wait3A_79 : memref<64x128xf32, #tpu.memory_space<vmem>>)
      %mul3A_82 = arith.constant 64 : i32
      %mul3A_83 = arith.muli %add3A_68, %mul3A_82 : i32
      %add3A_84 = arith.addi %mul3A_2, %mul3A_83 : i32
      %dma_start3A_85 = arith.constant 1 : i32
      %dma_start3A_86 = arith.constant 0 : i32
      %dma_start3A_87 = arith.constant 0 : i32
      %dma_start3A_88 = tpu.memref_slice %arg6[%dma_start3A_85, %dma_start3A_86, %dma_start3A_87] : memref<2x64x128xf32, #tpu.memory_space<vmem>> -> memref<1x64x128xf32, #tpu.memory_space<vmem>>
      %dma_start3A_89 = tpu.memref_squeeze %dma_start3A_88 : memref<1x64x128xf32, #tpu.memory_space<vmem>> -> memref<64x128xf32, #tpu.memory_space<vmem>>
      %dma_start3A_90 = arith.constant 0 : i32
      %dma_start3A_91 = tpu.memref_slice %arg4[%add3A_84, %dma_start3A_90] : memref<53248x128xf32, #tpu.memory_space<hbm>> -> memref<64x128xf32, #tpu.memory_space<hbm>>
      %dma_start3A_92 = arith.constant 0 : i32
      %dma_start3A_93 = tpu.memref_slice %arg4[%add3A_84, %dma_start3A_92] : memref<53248x128xf32, #tpu.memory_space<hbm>> -> memref<64x128xf32, #tpu.memory_space<hbm>>
      %dma_start3A_94 = arith.constant 0 : i32
      %dma_start3A_95 = arith.constant 0 : i32
      %dma_start3A_96 = tpu.memref_slice %arg6[%dma_start3A_85, %dma_start3A_94, %dma_start3A_95] : memref<2x64x128xf32, #tpu.memory_space<vmem>> -> memref<1x64x128xf32, #tpu.memory_space<vmem>>
      %dma_start3A_97 = tpu.memref_squeeze %dma_start3A_96 : memref<1x64x128xf32, #tpu.memory_space<vmem>> -> memref<64x128xf32, #tpu.memory_space<vmem>>
      tpu.enqueue_dma source(%dma_start3A_97 : memref<64x128xf32, #tpu.memory_space<vmem>>) target(%dma_start3A_93 : memref<64x128xf32, #tpu.memory_space<hbm>>) target_semaphore(%arg8 : memref<!tpu.dma_semaphore, #tpu.memory_space<semaphore_mem>>)
      %ge3A_98 = arith.constant 1 : i32
      %ge3A_99 = arith.cmpi sge, %add3A_68, %ge3A_98 : i32
      %convert_element_type3A_100 = arith.extui %ge3A_99 : i1 to i32
      %cond3A_101 = arith.constant 0 : i32
      %cond3A_102 = arith.cmpi ne, %convert_element_type3A_100, %cond3A_101 : i32
      scf.if %cond3A_102 {
        %dma_wait3A_108 = arith.constant 0 : i32
        %dma_wait3A_109 = arith.constant 0 : i32
        %dma_wait3A_110 = arith.constant 0 : i32
        %dma_wait3A_111 = tpu.memref_slice %arg6[%dma_wait3A_108, %dma_wait3A_109, %dma_wait3A_110] : memref<2x64x128xf32, #tpu.memory_space<vmem>> -> memref<1x64x128xf32, #tpu.memory_space<vmem>>
        %dma_wait3A_112 = tpu.memref_squeeze %dma_wait3A_111 : memref<1x64x128xf32, #tpu.memory_space<vmem>> -> memref<64x128xf32, #tpu.memory_space<vmem>>
        %dma_wait3A_113 = arith.constant 0 : i32
        %dma_wait3A_114 = tpu.memref_slice %arg4[%mul3A_2, %dma_wait3A_113] : memref<53248x128xf32, #tpu.memory_space<hbm>> -> memref<64x128xf32, #tpu.memory_space<hbm>>
        %dma_wait3A_115 = arith.constant 0 : i32
        %dma_wait3A_116 = tpu.memref_slice %arg4[%mul3A_2, %dma_wait3A_115] : memref<53248x128xf32, #tpu.memory_space<hbm>> -> memref<64x128xf32, #tpu.memory_space<hbm>>
        %dma_wait3A_117 = arith.constant 0 : i32
        %dma_wait3A_118 = arith.constant 0 : i32
        %dma_wait3A_119 = tpu.memref_slice %arg6[%dma_wait3A_108, %dma_wait3A_117, %dma_wait3A_118] : memref<2x64x128xf32, #tpu.memory_space<vmem>> -> memref<1x64x128xf32, #tpu.memory_space<vmem>>
        %dma_wait3A_120 = tpu.memref_squeeze %dma_wait3A_119 : memref<1x64x128xf32, #tpu.memory_space<vmem>> -> memref<64x128xf32, #tpu.memory_space<vmem>>
        tpu.wait_dma2 semaphore(%arg8 : memref<!tpu.dma_semaphore, #tpu.memory_space<semaphore_mem>>) src(%dma_wait3A_120 : memref<64x128xf32, #tpu.memory_space<vmem>>) dst(%dma_wait3A_116 : memref<64x128xf32, #tpu.memory_space<hbm>>)
      } else {
      }
      %lt3A_103 = arith.constant 25 : i32
      %lt3A_104 = arith.cmpi slt, %add3A_68, %lt3A_103 : i32
      %convert_element_type3A_105 = arith.extui %lt3A_104 : i1 to i32
      %cond3A_106 = arith.constant 0 : i32
      %cond3A_107 = arith.cmpi ne, %convert_element_type3A_105, %cond3A_106 : i32
      scf.if %cond3A_107 {
        %add3A_108 = arith.constant 1 : i32
        %add3A_109 = arith.addi %add3A_68, %add3A_108 : i32
        %scan3A_110 = arith.constant 0 : i32
        %scan3A_111 = arith.constant 0 : i32
        %scan3A_112 = arith.constant 8 : i32
        %scan3A_113 = arith.addi %scan3A_111, %scan3A_112 : i32
        %scan3A_114 = arith.constant 1 : i32
        scf.for %scan3A_116 = %scan3A_111 to %scan3A_113 step %scan3A_114  : i32 {
          %mul3A_117 = arith.constant 128 : i32
          %mul3A_118 = arith.muli %add3A_109, %mul3A_117 : i32
          %mul3A_119 = arith.constant 16 : i32
          %mul3A_120 = arith.muli %scan3A_116, %mul3A_119 : i32
          %add3A_121 = arith.addi %mul3A_118, %mul3A_120 : i32
          %get3A = arith.index_cast %add3A_121 : i32 to index
          %get3A_122 = tpu.vector_load %arg5[%get3A] {strides = array<i32>} : memref<3328xi32, #tpu.memory_space<vmem>>, vector<16xi32>,
          %get3A_123 = vector.shape_cast %get3A_122 : vector<16xi32> to vector<16xi32>
          %mul3A_124 = arith.constant 16 : i32
          %mul3A_125 = arith.muli %scan3A_116, %mul3A_124 : i32
          %add3A_126 = arith.constant 0 : i32
          %add3A_127 = arith.addi %mul3A_125, %add3A_126 : i32
          %slice3A = vector.extract_strided_slice %get3A_123 {offsets = [0], sizes = [1], strides = [1]} : vector<16xi32> to vector<1xi32>
          %squeeze3A = vector.extract %slice3A[0] : i32 from vector<1xi32>
          %jit3A = arith.constant 2 : i32
          %div3A = arith.divsi %add3A_127, %jit3A : i32
          %sign3A = arith.constant 0 : i32
          %sign3A_128 = arith.cmpi sgt, %add3A_127, %sign3A : i32
          %sign3A_129 = arith.extui %sign3A_128 : i1 to i32
          %sign3A_130 = arith.constant 0 : i32
          %sign3A_131 = arith.cmpi slt, %add3A_127, %sign3A_130 : i32
          %sign3A_132 = arith.extui %sign3A_131 : i1 to i32
          %sign3A_133 = arith.subi %sign3A_129, %sign3A_132 : i32
          %sign3A_134 = arith.constant 0 : i32
          %sign3A_135 = arith.cmpi sgt, %jit3A, %sign3A_134 : i32
          %sign3A_136 = arith.extui %sign3A_135 : i1 to i32
          %sign3A_137 = arith.constant 0 : i32
          %sign3A_138 = arith.cmpi slt, %jit3A, %sign3A_137 : i32
          %sign3A_139 = arith.extui %sign3A_138 : i1 to i32
          %sign3A_140 = arith.subi %sign3A_136, %sign3A_139 : i32
          %ne3A = arith.cmpi ne, %sign3A_133, %sign3A_140 : i32
          %rem3A = arith.remsi %add3A_127, %jit3A : i32
          %ne3A_141 = arith.constant 0 : i32
          %ne3A_142 = arith.cmpi ne, %rem3A, %ne3A_141 : i32
          %and3A = arith.andi %ne3A, %ne3A_142 : i1
          %sub3A = arith.constant 1 : i32
          %sub3A_143 = arith.subi %div3A, %sub3A : i32
          %select_n3A = arith.select %and3A, %sub3A_143, %div3A : i32
          %dma_start3A_144 = arith.constant 0 : i32
          %dma_start3A_145 = arith.constant 0 : i32
          %dma_start3A_146 = tpu.memref_slice %arg6[%dma_start3A_144, %select_n3A, %dma_start3A_145] : memref<2x64x128xf32, #tpu.memory_space<vmem>> -> memref<1x1x64xf32, #tpu.memory_space<vmem>>
          %dma_start3A_147 = tpu.memref_squeeze %dma_start3A_146 : memref<1x1x64xf32, #tpu.memory_space<vmem>> -> memref<64xf32, #tpu.memory_space<vmem>>
          %dma_start3A_148 = arith.constant 0 : i32
          %dma_start3A_149 = tpu.memref_slice %arg3[%squeeze3A, %dma_start3A_148] : memref<2600000x64xf32, #tpu.memory_space<hbm>> -> memref<1x64xf32, #tpu.memory_space<hbm>>
          %dma_start3A_150 = tpu.memref_squeeze %dma_start3A_149 : memref<1x64xf32, #tpu.memory_space<hbm>> -> memref<64xf32, #tpu.memory_space<hbm>>
          %dma_start3A_151 = arith.constant 0 : i32
          %dma_start3A_152 = tpu.memref_slice %arg6[%dma_start3A_144, %select_n3A, %dma_start3A_151] : memref<2x64x128xf32, #tpu.memory_space<vmem>> -> memref<1x1x64xf32, #tpu.memory_space<vmem>>
          %dma_start3A_153 = tpu.memref_squeeze %dma_start3A_152 : memref<1x1x64xf32, #tpu.memory_space<vmem>> -> memref<64xf32, #tpu.memory_space<vmem>>
          %dma_start3A_154 = arith.constant 0 : i32
          %dma_start3A_155 = tpu.memref_slice %arg3[%squeeze3A, %dma_start3A_154] : memref<2600000x64xf32, #tpu.memory_space<hbm>> -> memref<1x64xf32, #tpu.memory_space<hbm>>
          %dma_start3A_156 = tpu.memref_squeeze %dma_start3A_155 : memref<1x64xf32, #tpu.memory_space<hbm>> -> memref<64xf32, #tpu.memory_space<hbm>>
          tpu.enqueue_dma source(%dma_start3A_156 : memref<64xf32, #tpu.memory_space<hbm>>) target(%dma_start3A_153 : memref<64xf32, #tpu.memory_space<vmem>>) target_semaphore(%arg7 : memref<!tpu.dma_semaphore, #tpu.memory_space<semaphore_mem>>)
          %mul3A_157 = arith.constant 16 : i32
          %mul3A_158 = arith.muli %scan3A_116, %mul3A_157 : i32
          %add3A_159 = arith.constant 1 : i32
          %add3A_160 = arith.addi %mul3A_158, %add3A_159 : i32
          %slice3A_161 = vector.extract_strided_slice %get3A_123 {offsets = [1], sizes = [1], strides = [1]} : vector<16xi32> to vector<1xi32>
          %squeeze3A_162 = vector.extract %slice3A_161[0] : i32 from vector<1xi32>
          %jit3A_163 = arith.constant 2 : i32
          %div3A_164 = arith.divsi %add3A_160, %jit3A_163 : i32
          %sign3A_165 = arith.constant 0 : i32
          %sign3A_166 = arith.cmpi sgt, %add3A_160, %sign3A_165 : i32
          %sign3A_167 = arith.extui %sign3A_166 : i1 to i32
          %sign3A_168 = arith.constant 0 : i32
          %sign3A_169 = arith.cmpi slt, %add3A_160, %sign3A_168 : i32
          %sign3A_170 = arith.extui %sign3A_169 : i1 to i32
          %sign3A_171 = arith.subi %sign3A_167, %sign3A_170 : i32
          %sign3A_172 = arith.constant 0 : i32
          %sign3A_173 = arith.cmpi sgt, %jit3A_163, %sign3A_172 : i32
          %sign3A_174 = arith.extui %sign3A_173 : i1 to i32
          %sign3A_175 = arith.constant 0 : i32
          %sign3A_176 = arith.cmpi slt, %jit3A_163, %sign3A_175 : i32
          %sign3A_177 = arith.extui %sign3A_176 : i1 to i32
          %sign3A_178 = arith.subi %sign3A_174, %sign3A_177 : i32
          %ne3A_179 = arith.cmpi ne, %sign3A_171, %sign3A_178 : i32
          %rem3A_180 = arith.remsi %add3A_160, %jit3A_163 : i32
          %ne3A_181 = arith.constant 0 : i32
          %ne3A_182 = arith.cmpi ne, %rem3A_180, %ne3A_181 : i32
          %and3A_183 = arith.andi %ne3A_179, %ne3A_182 : i1
          %sub3A_184 = arith.constant 1 : i32
          %sub3A_185 = arith.subi %div3A_164, %sub3A_184 : i32
          %select_n3A_186 = arith.select %and3A_183, %sub3A_185, %div3A_164 : i32
          %dma_start3A_187 = arith.constant 0 : i32
          %dma_start3A_188 = arith.constant 64 : i32
          %dma_start3A_189 = tpu.memref_slice %arg6[%dma_start3A_187, %select_n3A_186, %dma_start3A_188] : memref<2x64x128xf32, #tpu.memory_space<vmem>> -> memref<1x1x64xf32, #tpu.memory_space<vmem>>
          %dma_start3A_190 = tpu.memref_squeeze %dma_start3A_189 : memref<1x1x64xf32, #tpu.memory_space<vmem>> -> memref<64xf32, #tpu.memory_space<vmem>>
          %dma_start3A_191 = arith.constant 0 : i32
          %dma_start3A_192 = tpu.memref_slice %arg3[%squeeze3A_162, %dma_start3A_191] : memref<2600000x64xf32, #tpu.memory_space<hbm>> -> memref<1x64xf32, #tpu.memory_space<hbm>>
          %dma_start3A_193 = tpu.memref_squeeze %dma_start3A_192 : memref<1x64xf32, #tpu.memory_space<hbm>> -> memref<64xf32, #tpu.memory_space<hbm>>
          %dma_start3A_194 = arith.constant 64 : i32
          %dma_start3A_195 = tpu.memref_slice %arg6[%dma_start3A_187, %select_n3A_186, %dma_start3A_194] : memref<2x64x128xf32, #tpu.memory_space<vmem>> -> memref<1x1x64xf32, #tpu.memory_space<vmem>>
          %dma_start3A_196 = tpu.memref_squeeze %dma_start3A_195 : memref<1x1x64xf32, #tpu.memory_space<vmem>> -> memref<64xf32, #tpu.memory_space<vmem>>
          %dma_start3A_197 = arith.constant 0 : i32
          %dma_start3A_198 = tpu.memref_slice %arg3[%squeeze3A_162, %dma_start3A_197] : memref<2600000x64xf32, #tpu.memory_space<hbm>> -> memref<1x64xf32, #tpu.memory_space<hbm>>
          %dma_start3A_199 = tpu.memref_squeeze %dma_start3A_198 : memref<1x64xf32, #tpu.memory_space<hbm>> -> memref<64xf32, #tpu.memory_space<hbm>>
          tpu.enqueue_dma source(%dma_start3A_199 : memref<64xf32, #tpu.memory_space<hbm>>) target(%dma_start3A_196 : memref<64xf32, #tpu.memory_space<vmem>>) target_semaphore(%arg7 : memref<!tpu.dma_semaphore, #tpu.memory_space<semaphore_mem>>)
          %mul3A_200 = arith.constant 16 : i32
          %mul3A_201 = arith.muli %scan3A_116, %mul3A_200 : i32
          %add3A_202 = arith.constant 2 : i32
          %add3A_203 = arith.addi %mul3A_201, %add3A_202 : i32
          %slice3A_204 = vector.extract_strided_slice %get3A_123 {offsets = [2], sizes = [1], strides = [1]} : vector<16xi32> to vector<1xi32>
          %squeeze3A_205 = vector.extract %slice3A_204[0] : i32 from vector<1xi32>
          %jit3A_206 = arith.constant 2 : i32
          %div3A_207 = arith.divsi %add3A_203, %jit3A_206 : i32
          %sign3A_208 = arith.constant 0 : i32
          %sign3A_209 = arith.cmpi sgt, %add3A_203, %sign3A_208 : i32
          %sign3A_210 = arith.extui %sign3A_209 : i1 to i32
          %sign3A_211 = arith.constant 0 : i32
          %sign3A_212 = arith.cmpi slt, %add3A_203, %sign3A_211 : i32
          %sign3A_213 = arith.extui %sign3A_212 : i1 to i32
          %sign3A_214 = arith.subi %sign3A_210, %sign3A_213 : i32
          %sign3A_215 = arith.constant 0 : i32
          %sign3A_216 = arith.cmpi sgt, %jit3A_206, %sign3A_215 : i32
          %sign3A_217 = arith.extui %sign3A_216 : i1 to i32
          %sign3A_218 = arith.constant 0 : i32
          %sign3A_219 = arith.cmpi slt, %jit3A_206, %sign3A_218 : i32
          %sign3A_220 = arith.extui %sign3A_219 : i1 to i32
          %sign3A_221 = arith.subi %sign3A_217, %sign3A_220 : i32
          %ne3A_222 = arith.cmpi ne, %sign3A_214, %sign3A_221 : i32
          %rem3A_223 = arith.remsi %add3A_203, %jit3A_206 : i32
          %ne3A_224 = arith.constant 0 : i32
          %ne3A_225 = arith.cmpi ne, %rem3A_223, %ne3A_224 : i32
          %and3A_226 = arith.andi %ne3A_222, %ne3A_225 : i1
          %sub3A_227 = arith.constant 1 : i32
          %sub3A_228 = arith.subi %div3A_207, %sub3A_227 : i32
          %select_n3A_229 = arith.select %and3A_226, %sub3A_228, %div3A_207 : i32
          %dma_start3A_230 = arith.constant 0 : i32
          %dma_start3A_231 = arith.constant 0 : i32
          %dma_start3A_232 = tpu.memref_slice %arg6[%dma_start3A_230, %select_n3A_229, %dma_start3A_231] : memref<2x64x128xf32, #tpu.memory_space<vmem>> -> memref<1x1x64xf32, #tpu.memory_space<vmem>>
          %dma_start3A_233 = tpu.memref_squeeze %dma_start3A_232 : memref<1x1x64xf32, #tpu.memory_space<vmem>> -> memref<64xf32, #tpu.memory_space<vmem>>
          %dma_start3A_234 = arith.constant 0 : i32
          %dma_start3A_235 = tpu.memref_slice %arg3[%squeeze3A_205, %dma_start3A_234] : memref<2600000x64xf32, #tpu.memory_space<hbm>> -> memref<1x64xf32, #tpu.memory_space<hbm>>
          %dma_start3A_236 = tpu.memref_squeeze %dma_start3A_235 : memref<1x64xf32, #tpu.memory_space<hbm>> -> memref<64xf32, #tpu.memory_space<hbm>>
          %dma_start3A_237 = arith.constant 0 : i32
          %dma_start3A_238 = tpu.memref_slice %arg6[%dma_start3A_230, %select_n3A_229, %dma_start3A_237] : memref<2x64x128xf32, #tpu.memory_space<vmem>> -> memref<1x1x64xf32, #tpu.memory_space<vmem>>
          %dma_start3A_239 = tpu.memref_squeeze %dma_start3A_238 : memref<1x1x64xf32, #tpu.memory_space<vmem>> -> memref<64xf32, #tpu.memory_space<vmem>>
          %dma_start3A_240 = arith.constant 0 : i32
          %dma_start3A_241 = tpu.memref_slice %arg3[%squeeze3A_205, %dma_start3A_240] : memref<2600000x64xf32, #tpu.memory_space<hbm>> -> memref<1x64xf32, #tpu.memory_space<hbm>>
          %dma_start3A_242 = tpu.memref_squeeze %dma_start3A_241 : memref<1x64xf32, #tpu.memory_space<hbm>> -> memref<64xf32, #tpu.memory_space<hbm>>
          tpu.enqueue_dma source(%dma_start3A_242 : memref<64xf32, #tpu.memory_space<hbm>>) target(%dma_start3A_239 : memref<64xf32, #tpu.memory_space<vmem>>) target_semaphore(%arg7 : memref<!tpu.dma_semaphore, #tpu.memory_space<semaphore_mem>>)
          %mul3A_243 = arith.constant 16 : i32
          %mul3A_244 = arith.muli %scan3A_116, %mul3A_243 : i32
          %add3A_245 = arith.constant 3 : i32
          %add3A_246 = arith.addi %mul3A_244, %add3A_245 : i32
          %slice3A_247 = vector.extract_strided_slice %get3A_123 {offsets = [3], sizes = [1], strides = [1]} : vector<16xi32> to vector<1xi32>
          %squeeze3A_248 = vector.extract %slice3A_247[0] : i32 from vector<1xi32>
          %jit3A_249 = arith.constant 2 : i32
          %div3A_250 = arith.divsi %add3A_246, %jit3A_249 : i32
          %sign3A_251 = arith.constant 0 : i32
          %sign3A_252 = arith.cmpi sgt, %add3A_246, %sign3A_251 : i32
          %sign3A_253 = arith.extui %sign3A_252 : i1 to i32
          %sign3A_254 = arith.constant 0 : i32
          %sign3A_255 = arith.cmpi slt, %add3A_246, %sign3A_254 : i32
          %sign3A_256 = arith.extui %sign3A_255 : i1 to i32
          %sign3A_257 = arith.subi %sign3A_253, %sign3A_256 : i32
          %sign3A_258 = arith.constant 0 : i32
          %sign3A_259 = arith.cmpi sgt, %jit3A_249, %sign3A_258 : i32
          %sign3A_260 = arith.extui %sign3A_259 : i1 to i32
          %sign3A_261 = arith.constant 0 : i32
          %sign3A_262 = arith.cmpi slt, %jit3A_249, %sign3A_261 : i32
          %sign3A_263 = arith.extui %sign3A_262 : i1 to i32
          %sign3A_264 = arith.subi %sign3A_260, %sign3A_263 : i32
          %ne3A_265 = arith.cmpi ne, %sign3A_257, %sign3A_264 : i32
          %rem3A_266 = arith.remsi %add3A_246, %jit3A_249 : i32
          %ne3A_267 = arith.constant 0 : i32
          %ne3A_268 = arith.cmpi ne, %rem3A_266, %ne3A_267 : i32
          %and3A_269 = arith.andi %ne3A_265, %ne3A_268 : i1
          %sub3A_270 = arith.constant 1 : i32
          %sub3A_271 = arith.subi %div3A_250, %sub3A_270 : i32
          %select_n3A_272 = arith.select %and3A_269, %sub3A_271, %div3A_250 : i32
          %dma_start3A_273 = arith.constant 0 : i32
          %dma_start3A_274 = arith.constant 64 : i32
          %dma_start3A_275 = tpu.memref_slice %arg6[%dma_start3A_273, %select_n3A_272, %dma_start3A_274] : memref<2x64x128xf32, #tpu.memory_space<vmem>> -> memref<1x1x64xf32, #tpu.memory_space<vmem>>
          %dma_start3A_276 = tpu.memref_squeeze %dma_start3A_275 : memref<1x1x64xf32, #tpu.memory_space<vmem>> -> memref<64xf32, #tpu.memory_space<vmem>>
          %dma_start3A_277 = arith.constant 0 : i32
          %dma_start3A_278 = tpu.memref_slice %arg3[%squeeze3A_248, %dma_start3A_277] : memref<2600000x64xf32, #tpu.memory_space<hbm>> -> memref<1x64xf32, #tpu.memory_space<hbm>>
          %dma_start3A_279 = tpu.memref_squeeze %dma_start3A_278 : memref<1x64xf32, #tpu.memory_space<hbm>> -> memref<64xf32, #tpu.memory_space<hbm>>
          %dma_start3A_280 = arith.constant 64 : i32
          %dma_start3A_281 = tpu.memref_slice %arg6[%dma_start3A_273, %select_n3A_272, %dma_start3A_280] : memref<2x64x128xf32, #tpu.memory_space<vmem>> -> memref<1x1x64xf32, #tpu.memory_space<vmem>>
          %dma_start3A_282 = tpu.memref_squeeze %dma_start3A_281 : memref<1x1x64xf32, #tpu.memory_space<vmem>> -> memref<64xf32, #tpu.memory_space<vmem>>
          %dma_start3A_283 = arith.constant 0 : i32
          %dma_start3A_284 = tpu.memref_slice %arg3[%squeeze3A_248, %dma_start3A_283] : memref<2600000x64xf32, #tpu.memory_space<hbm>> -> memref<1x64xf32, #tpu.memory_space<hbm>>
          %dma_start3A_285 = tpu.memref_squeeze %dma_start3A_284 : memref<1x64xf32, #tpu.memory_space<hbm>> -> memref<64xf32, #tpu.memory_space<hbm>>
          tpu.enqueue_dma source(%dma_start3A_285 : memref<64xf32, #tpu.memory_space<hbm>>) target(%dma_start3A_282 : memref<64xf32, #tpu.memory_space<vmem>>) target_semaphore(%arg7 : memref<!tpu.dma_semaphore, #tpu.memory_space<semaphore_mem>>)
          %mul3A_286 = arith.constant 16 : i32
          %mul3A_287 = arith.muli %scan3A_116, %mul3A_286 : i32
          %add3A_288 = arith.constant 4 : i32
          %add3A_289 = arith.addi %mul3A_287, %add3A_288 : i32
          %slice3A_290 = vector.extract_strided_slice %get3A_123 {offsets = [4], sizes = [1], strides = [1]} : vector<16xi32> to vector<1xi32>
          %squeeze3A_291 = vector.extract %slice3A_290[0] : i32 from vector<1xi32>
          %jit3A_292 = arith.constant 2 : i32
          %div3A_293 = arith.divsi %add3A_289, %jit3A_292 : i32
          %sign3A_294 = arith.constant 0 : i32
          %sign3A_295 = arith.cmpi sgt, %add3A_289, %sign3A_294 : i32
          %sign3A_296 = arith.extui %sign3A_295 : i1 to i32
          %sign3A_297 = arith.constant 0 : i32
          %sign3A_298 = arith.cmpi slt, %add3A_289, %sign3A_297 : i32
          %sign3A_299 = arith.extui %sign3A_298 : i1 to i32
          %sign3A_300 = arith.subi %sign3A_296, %sign3A_299 : i32
          %sign3A_301 = arith.constant 0 : i32
          %sign3A_302 = arith.cmpi sgt, %jit3A_292, %sign3A_301 : i32
          %sign3A_303 = arith.extui %sign3A_302 : i1 to i32
          %sign3A_304 = arith.constant 0 : i32
          %sign3A_305 = arith.cmpi slt, %jit3A_292, %sign3A_304 : i32
          %sign3A_306 = arith.extui %sign3A_305 : i1 to i32
          %sign3A_307 = arith.subi %sign3A_303, %sign3A_306 : i32
          %ne3A_308 = arith.cmpi ne, %sign3A_300, %sign3A_307 : i32
          %rem3A_309 = arith.remsi %add3A_289, %jit3A_292 : i32
          %ne3A_310 = arith.constant 0 : i32
          %ne3A_311 = arith.cmpi ne, %rem3A_309, %ne3A_310 : i32
          %and3A_312 = arith.andi %ne3A_308, %ne3A_311 : i1
          %sub3A_313 = arith.constant 1 : i32
          %sub3A_314 = arith.subi %div3A_293, %sub3A_313 : i32
          %select_n3A_315 = arith.select %and3A_312, %sub3A_314, %div3A_293 : i32
          %dma_start3A_316 = arith.constant 0 : i32
          %dma_start3A_317 = arith.constant 0 : i32
          %dma_start3A_318 = tpu.memref_slice %arg6[%dma_start3A_316, %select_n3A_315, %dma_start3A_317] : memref<2x64x128xf32, #tpu.memory_space<vmem>> -> memref<1x1x64xf32, #tpu.memory_space<vmem>>
          %dma_start3A_319 = tpu.memref_squeeze %dma_start3A_318 : memref<1x1x64xf32, #tpu.memory_space<vmem>> -> memref<64xf32, #tpu.memory_space<vmem>>
          %dma_start3A_320 = arith.constant 0 : i32
          %dma_start3A_321 = tpu.memref_slice %arg3[%squeeze3A_291, %dma_start3A_320] : memref<2600000x64xf32, #tpu.memory_space<hbm>> -> memref<1x64xf32, #tpu.memory_space<hbm>>
          %dma_start3A_322 = tpu.memref_squeeze %dma_start3A_321 : memref<1x64xf32, #tpu.memory_space<hbm>> -> memref<64xf32, #tpu.memory_space<hbm>>
          %dma_start3A_323 = arith.constant 0 : i32
          %dma_start3A_324 = tpu.memref_slice %arg6[%dma_start3A_316, %select_n3A_315, %dma_start3A_323] : memref<2x64x128xf32, #tpu.memory_space<vmem>> -> memref<1x1x64xf32, #tpu.memory_space<vmem>>
          %dma_start3A_325 = tpu.memref_squeeze %dma_start3A_324 : memref<1x1x64xf32, #tpu.memory_space<vmem>> -> memref<64xf32, #tpu.memory_space<vmem>>
          %dma_start3A_326 = arith.constant 0 : i32
          %dma_start3A_327 = tpu.memref_slice %arg3[%squeeze3A_291, %dma_start3A_326] : memref<2600000x64xf32, #tpu.memory_space<hbm>> -> memref<1x64xf32, #tpu.memory_space<hbm>>
          %dma_start3A_328 = tpu.memref_squeeze %dma_start3A_327 : memref<1x64xf32, #tpu.memory_space<hbm>> -> memref<64xf32, #tpu.memory_space<hbm>>
          tpu.enqueue_dma source(%dma_start3A_328 : memref<64xf32, #tpu.memory_space<hbm>>) target(%dma_start3A_325 : memref<64xf32, #tpu.memory_space<vmem>>) target_semaphore(%arg7 : memref<!tpu.dma_semaphore, #tpu.memory_space<semaphore_mem>>)
          %mul3A_329 = arith.constant 16 : i32
          %mul3A_330 = arith.muli %scan3A_116, %mul3A_329 : i32
          %add3A_331 = arith.constant 5 : i32
          %add3A_332 = arith.addi %mul3A_330, %add3A_331 : i32
          %slice3A_333 = vector.extract_strided_slice %get3A_123 {offsets = [5], sizes = [1], strides = [1]} : vector<16xi32> to vector<1xi32>
          %squeeze3A_334 = vector.extract %slice3A_333[0] : i32 from vector<1xi32>
          %jit3A_335 = arith.constant 2 : i32
          %div3A_336 = arith.divsi %add3A_332, %jit3A_335 : i32
          %sign3A_337 = arith.constant 0 : i32
          %sign3A_338 = arith.cmpi sgt, %add3A_332, %sign3A_337 : i32
          %sign3A_339 = arith.extui %sign3A_338 : i1 to i32
          %sign3A_340 = arith.constant 0 : i32
          %sign3A_341 = arith.cmpi slt, %add3A_332, %sign3A_340 : i32
          %sign3A_342 = arith.extui %sign3A_341 : i1 to i32
          %sign3A_343 = arith.subi %sign3A_339, %sign3A_342 : i32
          %sign3A_344 = arith.constant 0 : i32
          %sign3A_345 = arith.cmpi sgt, %jit3A_335, %sign3A_344 : i32
          %sign3A_346 = arith.extui %sign3A_345 : i1 to i32
          %sign3A_347 = arith.constant 0 : i32
          %sign3A_348 = arith.cmpi slt, %jit3A_335, %sign3A_347 : i32
          %sign3A_349 = arith.extui %sign3A_348 : i1 to i32
          %sign3A_350 = arith.subi %sign3A_346, %sign3A_349 : i32
          %ne3A_351 = arith.cmpi ne, %sign3A_343, %sign3A_350 : i32
          %rem3A_352 = arith.remsi %add3A_332, %jit3A_335 : i32
          %ne3A_353 = arith.constant 0 : i32
          %ne3A_354 = arith.cmpi ne, %rem3A_352, %ne3A_353 : i32
          %and3A_355 = arith.andi %ne3A_351, %ne3A_354 : i1
          %sub3A_356 = arith.constant 1 : i32
          %sub3A_357 = arith.subi %div3A_336, %sub3A_356 : i32
          %select_n3A_358 = arith.select %and3A_355, %sub3A_357, %div3A_336 : i32
          %dma_start3A_359 = arith.constant 0 : i32
          %dma_start3A_360 = arith.constant 64 : i32
          %dma_start3A_361 = tpu.memref_slice %arg6[%dma_start3A_359, %select_n3A_358, %dma_start3A_360] : memref<2x64x128xf32, #tpu.memory_space<vmem>> -> memref<1x1x64xf32, #tpu.memory_space<vmem>>
          %dma_start3A_362 = tpu.memref_squeeze %dma_start3A_361 : memref<1x1x64xf32, #tpu.memory_space<vmem>> -> memref<64xf32, #tpu.memory_space<vmem>>
          %dma_start3A_363 = arith.constant 0 : i32
          %dma_start3A_364 = tpu.memref_slice %arg3[%squeeze3A_334, %dma_start3A_363] : memref<2600000x64xf32, #tpu.memory_space<hbm>> -> memref<1x64xf32, #tpu.memory_space<hbm>>
          %dma_start3A_365 = tpu.memref_squeeze %dma_start3A_364 : memref<1x64xf32, #tpu.memory_space<hbm>> -> memref<64xf32, #tpu.memory_space<hbm>>
          %dma_start3A_366 = arith.constant 64 : i32
          %dma_start3A_367 = tpu.memref_slice %arg6[%dma_start3A_359, %select_n3A_358, %dma_start3A_366] : memref<2x64x128xf32, #tpu.memory_space<vmem>> -> memref<1x1x64xf32, #tpu.memory_space<vmem>>
          %dma_start3A_368 = tpu.memref_squeeze %dma_start3A_367 : memref<1x1x64xf32, #tpu.memory_space<vmem>> -> memref<64xf32, #tpu.memory_space<vmem>>
          %dma_start3A_369 = arith.constant 0 : i32
          %dma_start3A_370 = tpu.memref_slice %arg3[%squeeze3A_334, %dma_start3A_369] : memref<2600000x64xf32, #tpu.memory_space<hbm>> -> memref<1x64xf32, #tpu.memory_space<hbm>>
          %dma_start3A_371 = tpu.memref_squeeze %dma_start3A_370 : memref<1x64xf32, #tpu.memory_space<hbm>> -> memref<64xf32, #tpu.memory_space<hbm>>
          tpu.enqueue_dma source(%dma_start3A_371 : memref<64xf32, #tpu.memory_space<hbm>>) target(%dma_start3A_368 : memref<64xf32, #tpu.memory_space<vmem>>) target_semaphore(%arg7 : memref<!tpu.dma_semaphore, #tpu.memory_space<semaphore_mem>>)
          %mul3A_372 = arith.constant 16 : i32
          %mul3A_373 = arith.muli %scan3A_116, %mul3A_372 : i32
          %add3A_374 = arith.constant 6 : i32
          %add3A_375 = arith.addi %mul3A_373, %add3A_374 : i32
          %slice3A_376 = vector.extract_strided_slice %get3A_123 {offsets = [6], sizes = [1], strides = [1]} : vector<16xi32> to vector<1xi32>
          %squeeze3A_377 = vector.extract %slice3A_376[0] : i32 from vector<1xi32>
          %jit3A_378 = arith.constant 2 : i32
          %div3A_379 = arith.divsi %add3A_375, %jit3A_378 : i32
          %sign3A_380 = arith.constant 0 : i32
          %sign3A_381 = arith.cmpi sgt, %add3A_375, %sign3A_380 : i32
          %sign3A_382 = arith.extui %sign3A_381 : i1 to i32
          %sign3A_383 = arith.constant 0 : i32
          %sign3A_384 = arith.cmpi slt, %add3A_375, %sign3A_383 : i32
          %sign3A_385 = arith.extui %sign3A_384 : i1 to i32
          %sign3A_386 = arith.subi %sign3A_382, %sign3A_385 : i32
          %sign3A_387 = arith.constant 0 : i32
          %sign3A_388 = arith.cmpi sgt, %jit3A_378, %sign3A_387 : i32
          %sign3A_389 = arith.extui %sign3A_388 : i1 to i32
          %sign3A_390 = arith.constant 0 : i32
          %sign3A_391 = arith.cmpi slt, %jit3A_378, %sign3A_390 : i32
          %sign3A_392 = arith.extui %sign3A_391 : i1 to i32
          %sign3A_393 = arith.subi %sign3A_389, %sign3A_392 : i32
          %ne3A_394 = arith.cmpi ne, %sign3A_386, %sign3A_393 : i32
          %rem3A_395 = arith.remsi %add3A_375, %jit3A_378 : i32
          %ne3A_396 = arith.constant 0 : i32
          %ne3A_397 = arith.cmpi ne, %rem3A_395, %ne3A_396 : i32
          %and3A_398 = arith.andi %ne3A_394, %ne3A_397 : i1
          %sub3A_399 = arith.constant 1 : i32
          %sub3A_400 = arith.subi %div3A_379, %sub3A_399 : i32
          %select_n3A_401 = arith.select %and3A_398, %sub3A_400, %div3A_379 : i32
          %dma_start3A_402 = arith.constant 0 : i32
          %dma_start3A_403 = arith.constant 0 : i32
          %dma_start3A_404 = tpu.memref_slice %arg6[%dma_start3A_402, %select_n3A_401, %dma_start3A_403] : memref<2x64x128xf32, #tpu.memory_space<vmem>> -> memref<1x1x64xf32, #tpu.memory_space<vmem>>
          %dma_start3A_405 = tpu.memref_squeeze %dma_start3A_404 : memref<1x1x64xf32, #tpu.memory_space<vmem>> -> memref<64xf32, #tpu.memory_space<vmem>>
          %dma_start3A_406 = arith.constant 0 : i32
          %dma_start3A_407 = tpu.memref_slice %arg3[%squeeze3A_377, %dma_start3A_406] : memref<2600000x64xf32, #tpu.memory_space<hbm>> -> memref<1x64xf32, #tpu.memory_space<hbm>>
          %dma_start3A_408 = tpu.memref_squeeze %dma_start3A_407 : memref<1x64xf32, #tpu.memory_space<hbm>> -> memref<64xf32, #tpu.memory_space<hbm>>
          %dma_start3A_409 = arith.constant 0 : i32
          %dma_start3A_410 = tpu.memref_slice %arg6[%dma_start3A_402, %select_n3A_401, %dma_start3A_409] : memref<2x64x128xf32, #tpu.memory_space<vmem>> -> memref<1x1x64xf32, #tpu.memory_space<vmem>>
          %dma_start3A_411 = tpu.memref_squeeze %dma_start3A_410 : memref<1x1x64xf32, #tpu.memory_space<vmem>> -> memref<64xf32, #tpu.memory_space<vmem>>
          %dma_start3A_412 = arith.constant 0 : i32
          %dma_start3A_413 = tpu.memref_slice %arg3[%squeeze3A_377, %dma_start3A_412] : memref<2600000x64xf32, #tpu.memory_space<hbm>> -> memref<1x64xf32, #tpu.memory_space<hbm>>
          %dma_start3A_414 = tpu.memref_squeeze %dma_start3A_413 : memref<1x64xf32, #tpu.memory_space<hbm>> -> memref<64xf32, #tpu.memory_space<hbm>>
          tpu.enqueue_dma source(%dma_start3A_414 : memref<64xf32, #tpu.memory_space<hbm>>) target(%dma_start3A_411 : memref<64xf32, #tpu.memory_space<vmem>>) target_semaphore(%arg7 : memref<!tpu.dma_semaphore, #tpu.memory_space<semaphore_mem>>)
          %mul3A_415 = arith.constant 16 : i32
          %mul3A_416 = arith.muli %scan3A_116, %mul3A_415 : i32
          %add3A_417 = arith.constant 7 : i32
          %add3A_418 = arith.addi %mul3A_416, %add3A_417 : i32
          %slice3A_419 = vector.extract_strided_slice %get3A_123 {offsets = [7], sizes = [1], strides = [1]} : vector<16xi32> to vector<1xi32>
          %squeeze3A_420 = vector.extract %slice3A_419[0] : i32 from vector<1xi32>
          %jit3A_421 = arith.constant 2 : i32
          %div3A_422 = arith.divsi %add3A_418, %jit3A_421 : i32
          %sign3A_423 = arith.constant 0 : i32
          %sign3A_424 = arith.cmpi sgt, %add3A_418, %sign3A_423 : i32
          %sign3A_425 = arith.extui %sign3A_424 : i1 to i32
          %sign3A_426 = arith.constant 0 : i32
          %sign3A_427 = arith.cmpi slt, %add3A_418, %sign3A_426 : i32
          %sign3A_428 = arith.extui %sign3A_427 : i1 to i32
          %sign3A_429 = arith.subi %sign3A_425, %sign3A_428 : i32
          %sign3A_430 = arith.constant 0 : i32
          %sign3A_431 = arith.cmpi sgt, %jit3A_421, %sign3A_430 : i32
          %sign3A_432 = arith.extui %sign3A_431 : i1 to i32
          %sign3A_433 = arith.constant 0 : i32
          %sign3A_434 = arith.cmpi slt, %jit3A_421, %sign3A_433 : i32
          %sign3A_435 = arith.extui %sign3A_434 : i1 to i32
          %sign3A_436 = arith.subi %sign3A_432, %sign3A_435 : i32
          %ne3A_437 = arith.cmpi ne, %sign3A_429, %sign3A_436 : i32
          %rem3A_438 = arith.remsi %add3A_418, %jit3A_421 : i32
          %ne3A_439 = arith.constant 0 : i32
          %ne3A_440 = arith.cmpi ne, %rem3A_438, %ne3A_439 : i32
          %and3A_441 = arith.andi %ne3A_437, %ne3A_440 : i1
          %sub3A_442 = arith.constant 1 : i32
          %sub3A_443 = arith.subi %div3A_422, %sub3A_442 : i32
          %select_n3A_444 = arith.select %and3A_441, %sub3A_443, %div3A_422 : i32
          %dma_start3A_445 = arith.constant 0 : i32
          %dma_start3A_446 = arith.constant 64 : i32
          %dma_start3A_447 = tpu.memref_slice %arg6[%dma_start3A_445, %select_n3A_444, %dma_start3A_446] : memref<2x64x128xf32, #tpu.memory_space<vmem>> -> memref<1x1x64xf32, #tpu.memory_space<vmem>>
          %dma_start3A_448 = tpu.memref_squeeze %dma_start3A_447 : memref<1x1x64xf32, #tpu.memory_space<vmem>> -> memref<64xf32, #tpu.memory_space<vmem>>
          %dma_start3A_449 = arith.constant 0 : i32
          %dma_start3A_450 = tpu.memref_slice %arg3[%squeeze3A_420, %dma_start3A_449] : memref<2600000x64xf32, #tpu.memory_space<hbm>> -> memref<1x64xf32, #tpu.memory_space<hbm>>
          %dma_start3A_451 = tpu.memref_squeeze %dma_start3A_450 : memref<1x64xf32, #tpu.memory_space<hbm>> -> memref<64xf32, #tpu.memory_space<hbm>>
          %dma_start3A_452 = arith.constant 64 : i32
          %dma_start3A_453 = tpu.memref_slice %arg6[%dma_start3A_445, %select_n3A_444, %dma_start3A_452] : memref<2x64x128xf32, #tpu.memory_space<vmem>> -> memref<1x1x64xf32, #tpu.memory_space<vmem>>
          %dma_start3A_454 = tpu.memref_squeeze %dma_start3A_453 : memref<1x1x64xf32, #tpu.memory_space<vmem>> -> memref<64xf32, #tpu.memory_space<vmem>>
          %dma_start3A_455 = arith.constant 0 : i32
          %dma_start3A_456 = tpu.memref_slice %arg3[%squeeze3A_420, %dma_start3A_455] : memref<2600000x64xf32, #tpu.memory_space<hbm>> -> memref<1x64xf32, #tpu.memory_space<hbm>>
          %dma_start3A_457 = tpu.memref_squeeze %dma_start3A_456 : memref<1x64xf32, #tpu.memory_space<hbm>> -> memref<64xf32, #tpu.memory_space<hbm>>
          tpu.enqueue_dma source(%dma_start3A_457 : memref<64xf32, #tpu.memory_space<hbm>>) target(%dma_start3A_454 : memref<64xf32, #tpu.memory_space<vmem>>) target_semaphore(%arg7 : memref<!tpu.dma_semaphore, #tpu.memory_space<semaphore_mem>>)
          %mul3A_458 = arith.constant 16 : i32
          %mul3A_459 = arith.muli %scan3A_116, %mul3A_458 : i32
          %add3A_460 = arith.constant 8 : i32
          %add3A_461 = arith.addi %mul3A_459, %add3A_460 : i32
          %slice3A_462 = vector.extract_strided_slice %get3A_123 {offsets = [8], sizes = [1], strides = [1]} : vector<16xi32> to vector<1xi32>
          %squeeze3A_463 = vector.extract %slice3A_462[0] : i32 from vector<1xi32>
          %jit3A_464 = arith.constant 2 : i32
          %div3A_465 = arith.divsi %add3A_461, %jit3A_464 : i32
          %sign3A_466 = arith.constant 0 : i32
          %sign3A_467 = arith.cmpi sgt, %add3A_461, %sign3A_466 : i32
          %sign3A_468 = arith.extui %sign3A_467 : i1 to i32
          %sign3A_469 = arith.constant 0 : i32
          %sign3A_470 = arith.cmpi slt, %add3A_461, %sign3A_469 : i32
          %sign3A_471 = arith.extui %sign3A_470 : i1 to i32
          %sign3A_472 = arith.subi %sign3A_468, %sign3A_471 : i32
          %sign3A_473 = arith.constant 0 : i32
          %sign3A_474 = arith.cmpi sgt, %jit3A_464, %sign3A_473 : i32
          %sign3A_475 = arith.extui %sign3A_474 : i1 to i32
          %sign3A_476 = arith.constant 0 : i32
          %sign3A_477 = arith.cmpi slt, %jit3A_464, %sign3A_476 : i32
          %sign3A_478 = arith.extui %sign3A_477 : i1 to i32
          %sign3A_479 = arith.subi %sign3A_475, %sign3A_478 : i32
          %ne3A_480 = arith.cmpi ne, %sign3A_472, %sign3A_479 : i32
          %rem3A_481 = arith.remsi %add3A_461, %jit3A_464 : i32
          %ne3A_482 = arith.constant 0 : i32
          %ne3A_483 = arith.cmpi ne, %rem3A_481, %ne3A_482 : i32
          %and3A_484 = arith.andi %ne3A_480, %ne3A_483 : i1
          %sub3A_485 = arith.constant 1 : i32
          %sub3A_486 = arith.subi %div3A_465, %sub3A_485 : i32
          %select_n3A_487 = arith.select %and3A_484, %sub3A_486, %div3A_465 : i32
          %dma_start3A_488 = arith.constant 0 : i32
          %dma_start3A_489 = arith.constant 0 : i32
          %dma_start3A_490 = tpu.memref_slice %arg6[%dma_start3A_488, %select_n3A_487, %dma_start3A_489] : memref<2x64x128xf32, #tpu.memory_space<vmem>> -> memref<1x1x64xf32, #tpu.memory_space<vmem>>
          %dma_start3A_491 = tpu.memref_squeeze %dma_start3A_490 : memref<1x1x64xf32, #tpu.memory_space<vmem>> -> memref<64xf32, #tpu.memory_space<vmem>>
          %dma_start3A_492 = arith.constant 0 : i32
          %dma_start3A_493 = tpu.memref_slice %arg3[%squeeze3A_463, %dma_start3A_492] : memref<2600000x64xf32, #tpu.memory_space<hbm>> -> memref<1x64xf32, #tpu.memory_space<hbm>>
          %dma_start3A_494 = tpu.memref_squeeze %dma_start3A_493 : memref<1x64xf32, #tpu.memory_space<hbm>> -> memref<64xf32, #tpu.memory_space<hbm>>
          %dma_start3A_495 = arith.constant 0 : i32
          %dma_start3A_496 = tpu.memref_slice %arg6[%dma_start3A_488, %select_n3A_487, %dma_start3A_495] : memref<2x64x128xf32, #tpu.memory_space<vmem>> -> memref<1x1x64xf32, #tpu.memory_space<vmem>>
          %dma_start3A_497 = tpu.memref_squeeze %dma_start3A_496 : memref<1x1x64xf32, #tpu.memory_space<vmem>> -> memref<64xf32, #tpu.memory_space<vmem>>
          %dma_start3A_498 = arith.constant 0 : i32
          %dma_start3A_499 = tpu.memref_slice %arg3[%squeeze3A_463, %dma_start3A_498] : memref<2600000x64xf32, #tpu.memory_space<hbm>> -> memref<1x64xf32, #tpu.memory_space<hbm>>
          %dma_start3A_500 = tpu.memref_squeeze %dma_start3A_499 : memref<1x64xf32, #tpu.memory_space<hbm>> -> memref<64xf32, #tpu.memory_space<hbm>>
          tpu.enqueue_dma source(%dma_start3A_500 : memref<64xf32, #tpu.memory_space<hbm>>) target(%dma_start3A_497 : memref<64xf32, #tpu.memory_space<vmem>>) target_semaphore(%arg7 : memref<!tpu.dma_semaphore, #tpu.memory_space<semaphore_mem>>)
          %mul3A_501 = arith.constant 16 : i32
          %mul3A_502 = arith.muli %scan3A_116, %mul3A_501 : i32
          %add3A_503 = arith.constant 9 : i32
          %add3A_504 = arith.addi %mul3A_502, %add3A_503 : i32
          %slice3A_505 = vector.extract_strided_slice %get3A_123 {offsets = [9], sizes = [1], strides = [1]} : vector<16xi32> to vector<1xi32>
          %squeeze3A_506 = vector.extract %slice3A_505[0] : i32 from vector<1xi32>
          %jit3A_507 = arith.constant 2 : i32
          %div3A_508 = arith.divsi %add3A_504, %jit3A_507 : i32
          %sign3A_509 = arith.constant 0 : i32
          %sign3A_510 = arith.cmpi sgt, %add3A_504, %sign3A_509 : i32
          %sign3A_511 = arith.extui %sign3A_510 : i1 to i32
          %sign3A_512 = arith.constant 0 : i32
          %sign3A_513 = arith.cmpi slt, %add3A_504, %sign3A_512 : i32
          %sign3A_514 = arith.extui %sign3A_513 : i1 to i32
          %sign3A_515 = arith.subi %sign3A_511, %sign3A_514 : i32
          %sign3A_516 = arith.constant 0 : i32
          %sign3A_517 = arith.cmpi sgt, %jit3A_507, %sign3A_516 : i32
          %sign3A_518 = arith.extui %sign3A_517 : i1 to i32
          %sign3A_519 = arith.constant 0 : i32
          %sign3A_520 = arith.cmpi slt, %jit3A_507, %sign3A_519 : i32
          %sign3A_521 = arith.extui %sign3A_520 : i1 to i32
          %sign3A_522 = arith.subi %sign3A_518, %sign3A_521 : i32
          %ne3A_523 = arith.cmpi ne, %sign3A_515, %sign3A_522 : i32
          %rem3A_524 = arith.remsi %add3A_504, %jit3A_507 : i32
          %ne3A_525 = arith.constant 0 : i32
          %ne3A_526 = arith.cmpi ne, %rem3A_524, %ne3A_525 : i32
          %and3A_527 = arith.andi %ne3A_523, %ne3A_526 : i1
          %sub3A_528 = arith.constant 1 : i32
          %sub3A_529 = arith.subi %div3A_508, %sub3A_528 : i32
          %select_n3A_530 = arith.select %and3A_527, %sub3A_529, %div3A_508 : i32
          %dma_start3A_531 = arith.constant 0 : i32
          %dma_start3A_532 = arith.constant 64 : i32
          %dma_start3A_533 = tpu.memref_slice %arg6[%dma_start3A_531, %select_n3A_530, %dma_start3A_532] : memref<2x64x128xf32, #tpu.memory_space<vmem>> -> memref<1x1x64xf32, #tpu.memory_space<vmem>>
          %dma_start3A_534 = tpu.memref_squeeze %dma_start3A_533 : memref<1x1x64xf32, #tpu.memory_space<vmem>> -> memref<64xf32, #tpu.memory_space<vmem>>
          %dma_start3A_535 = arith.constant 0 : i32
          %dma_start3A_536 = tpu.memref_slice %arg3[%squeeze3A_506, %dma_start3A_535] : memref<2600000x64xf32, #tpu.memory_space<hbm>> -> memref<1x64xf32, #tpu.memory_space<hbm>>
          %dma_start3A_537 = tpu.memref_squeeze %dma_start3A_536 : memref<1x64xf32, #tpu.memory_space<hbm>> -> memref<64xf32, #tpu.memory_space<hbm>>
          %dma_start3A_538 = arith.constant 64 : i32
          %dma_start3A_539 = tpu.memref_slice %arg6[%dma_start3A_531, %select_n3A_530, %dma_start3A_538] : memref<2x64x128xf32, #tpu.memory_space<vmem>> -> memref<1x1x64xf32, #tpu.memory_space<vmem>>
          %dma_start3A_540 = tpu.memref_squeeze %dma_start3A_539 : memref<1x1x64xf32, #tpu.memory_space<vmem>> -> memref<64xf32, #tpu.memory_space<vmem>>
          %dma_start3A_541 = arith.constant 0 : i32
          %dma_start3A_542 = tpu.memref_slice %arg3[%squeeze3A_506, %dma_start3A_541] : memref<2600000x64xf32, #tpu.memory_space<hbm>> -> memref<1x64xf32, #tpu.memory_space<hbm>>
          %dma_start3A_543 = tpu.memref_squeeze %dma_start3A_542 : memref<1x64xf32, #tpu.memory_space<hbm>> -> memref<64xf32, #tpu.memory_space<hbm>>
          tpu.enqueue_dma source(%dma_start3A_543 : memref<64xf32, #tpu.memory_space<hbm>>) target(%dma_start3A_540 : memref<64xf32, #tpu.memory_space<vmem>>) target_semaphore(%arg7 : memref<!tpu.dma_semaphore, #tpu.memory_space<semaphore_mem>>)
          %mul3A_544 = arith.constant 16 : i32
          %mul3A_545 = arith.muli %scan3A_116, %mul3A_544 : i32
          %add3A_546 = arith.constant 10 : i32
          %add3A_547 = arith.addi %mul3A_545, %add3A_546 : i32
          %slice3A_548 = vector.extract_strided_slice %get3A_123 {offsets = [10], sizes = [1], strides = [1]} : vector<16xi32> to vector<1xi32>
          %squeeze3A_549 = vector.extract %slice3A_548[0] : i32 from vector<1xi32>
          %jit3A_550 = arith.constant 2 : i32
          %div3A_551 = arith.divsi %add3A_547, %jit3A_550 : i32
          %sign3A_552 = arith.constant 0 : i32
          %sign3A_553 = arith.cmpi sgt, %add3A_547, %sign3A_552 : i32
          %sign3A_554 = arith.extui %sign3A_553 : i1 to i32
          %sign3A_555 = arith.constant 0 : i32
          %sign3A_556 = arith.cmpi slt, %add3A_547, %sign3A_555 : i32
          %sign3A_557 = arith.extui %sign3A_556 : i1 to i32
          %sign3A_558 = arith.subi %sign3A_554, %sign3A_557 : i32
          %sign3A_559 = arith.constant 0 : i32
          %sign3A_560 = arith.cmpi sgt, %jit3A_550, %sign3A_559 : i32
          %sign3A_561 = arith.extui %sign3A_560 : i1 to i32
          %sign3A_562 = arith.constant 0 : i32
          %sign3A_563 = arith.cmpi slt, %jit3A_550, %sign3A_562 : i32
          %sign3A_564 = arith.extui %sign3A_563 : i1 to i32
          %sign3A_565 = arith.subi %sign3A_561, %sign3A_564 : i32
          %ne3A_566 = arith.cmpi ne, %sign3A_558, %sign3A_565 : i32
          %rem3A_567 = arith.remsi %add3A_547, %jit3A_550 : i32
          %ne3A_568 = arith.constant 0 : i32
          %ne3A_569 = arith.cmpi ne, %rem3A_567, %ne3A_568 : i32
          %and3A_570 = arith.andi %ne3A_566, %ne3A_569 : i1
          %sub3A_571 = arith.constant 1 : i32
          %sub3A_572 = arith.subi %div3A_551, %sub3A_571 : i32
          %select_n3A_573 = arith.select %and3A_570, %sub3A_572, %div3A_551 : i32
          %dma_start3A_574 = arith.constant 0 : i32
          %dma_start3A_575 = arith.constant 0 : i32
          %dma_start3A_576 = tpu.memref_slice %arg6[%dma_start3A_574, %select_n3A_573, %dma_start3A_575] : memref<2x64x128xf32, #tpu.memory_space<vmem>> -> memref<1x1x64xf32, #tpu.memory_space<vmem>>
          %dma_start3A_577 = tpu.memref_squeeze %dma_start3A_576 : memref<1x1x64xf32, #tpu.memory_space<vmem>> -> memref<64xf32, #tpu.memory_space<vmem>>
          %dma_start3A_578 = arith.constant 0 : i32
          %dma_start3A_579 = tpu.memref_slice %arg3[%squeeze3A_549, %dma_start3A_578] : memref<2600000x64xf32, #tpu.memory_space<hbm>> -> memref<1x64xf32, #tpu.memory_space<hbm>>
          %dma_start3A_580 = tpu.memref_squeeze %dma_start3A_579 : memref<1x64xf32, #tpu.memory_space<hbm>> -> memref<64xf32, #tpu.memory_space<hbm>>
          %dma_start3A_581 = arith.constant 0 : i32
          %dma_start3A_582 = tpu.memref_slice %arg6[%dma_start3A_574, %select_n3A_573, %dma_start3A_581] : memref<2x64x128xf32, #tpu.memory_space<vmem>> -> memref<1x1x64xf32, #tpu.memory_space<vmem>>
          %dma_start3A_583 = tpu.memref_squeeze %dma_start3A_582 : memref<1x1x64xf32, #tpu.memory_space<vmem>> -> memref<64xf32, #tpu.memory_space<vmem>>
          %dma_start3A_584 = arith.constant 0 : i32
          %dma_start3A_585 = tpu.memref_slice %arg3[%squeeze3A_549, %dma_start3A_584] : memref<2600000x64xf32, #tpu.memory_space<hbm>> -> memref<1x64xf32, #tpu.memory_space<hbm>>
          %dma_start3A_586 = tpu.memref_squeeze %dma_start3A_585 : memref<1x64xf32, #tpu.memory_space<hbm>> -> memref<64xf32, #tpu.memory_space<hbm>>
          tpu.enqueue_dma source(%dma_start3A_586 : memref<64xf32, #tpu.memory_space<hbm>>) target(%dma_start3A_583 : memref<64xf32, #tpu.memory_space<vmem>>) target_semaphore(%arg7 : memref<!tpu.dma_semaphore, #tpu.memory_space<semaphore_mem>>)
          %mul3A_587 = arith.constant 16 : i32
          %mul3A_588 = arith.muli %scan3A_116, %mul3A_587 : i32
          %add3A_589 = arith.constant 11 : i32
          %add3A_590 = arith.addi %mul3A_588, %add3A_589 : i32
          %slice3A_591 = vector.extract_strided_slice %get3A_123 {offsets = [11], sizes = [1], strides = [1]} : vector<16xi32> to vector<1xi32>
          %squeeze3A_592 = vector.extract %slice3A_591[0] : i32 from vector<1xi32>
          %jit3A_593 = arith.constant 2 : i32
          %div3A_594 = arith.divsi %add3A_590, %jit3A_593 : i32
          %sign3A_595 = arith.constant 0 : i32
          %sign3A_596 = arith.cmpi sgt, %add3A_590, %sign3A_595 : i32
          %sign3A_597 = arith.extui %sign3A_596 : i1 to i32
          %sign3A_598 = arith.constant 0 : i32
          %sign3A_599 = arith.cmpi slt, %add3A_590, %sign3A_598 : i32
          %sign3A_600 = arith.extui %sign3A_599 : i1 to i32
          %sign3A_601 = arith.subi %sign3A_597, %sign3A_600 : i32
          %sign3A_602 = arith.constant 0 : i32
          %sign3A_603 = arith.cmpi sgt, %jit3A_593, %sign3A_602 : i32
          %sign3A_604 = arith.extui %sign3A_603 : i1 to i32
          %sign3A_605 = arith.constant 0 : i32
          %sign3A_606 = arith.cmpi slt, %jit3A_593, %sign3A_605 : i32
          %sign3A_607 = arith.extui %sign3A_606 : i1 to i32
          %sign3A_608 = arith.subi %sign3A_604, %sign3A_607 : i32
          %ne3A_609 = arith.cmpi ne, %sign3A_601, %sign3A_608 : i32
          %rem3A_610 = arith.remsi %add3A_590, %jit3A_593 : i32
          %ne3A_611 = arith.constant 0 : i32
          %ne3A_612 = arith.cmpi ne, %rem3A_610, %ne3A_611 : i32
          %and3A_613 = arith.andi %ne3A_609, %ne3A_612 : i1
          %sub3A_614 = arith.constant 1 : i32
          %sub3A_615 = arith.subi %div3A_594, %sub3A_614 : i32
          %select_n3A_616 = arith.select %and3A_613, %sub3A_615, %div3A_594 : i32
          %dma_start3A_617 = arith.constant 0 : i32
          %dma_start3A_618 = arith.constant 64 : i32
          %dma_start3A_619 = tpu.memref_slice %arg6[%dma_start3A_617, %select_n3A_616, %dma_start3A_618] : memref<2x64x128xf32, #tpu.memory_space<vmem>> -> memref<1x1x64xf32, #tpu.memory_space<vmem>>
          %dma_start3A_620 = tpu.memref_squeeze %dma_start3A_619 : memref<1x1x64xf32, #tpu.memory_space<vmem>> -> memref<64xf32, #tpu.memory_space<vmem>>
          %dma_start3A_621 = arith.constant 0 : i32
          %dma_start3A_622 = tpu.memref_slice %arg3[%squeeze3A_592, %dma_start3A_621] : memref<2600000x64xf32, #tpu.memory_space<hbm>> -> memref<1x64xf32, #tpu.memory_space<hbm>>
          %dma_start3A_623 = tpu.memref_squeeze %dma_start3A_622 : memref<1x64xf32, #tpu.memory_space<hbm>> -> memref<64xf32, #tpu.memory_space<hbm>>
          %dma_start3A_624 = arith.constant 64 : i32
          %dma_start3A_625 = tpu.memref_slice %arg6[%dma_start3A_617, %select_n3A_616, %dma_start3A_624] : memref<2x64x128xf32, #tpu.memory_space<vmem>> -> memref<1x1x64xf32, #tpu.memory_space<vmem>>
          %dma_start3A_626 = tpu.memref_squeeze %dma_start3A_625 : memref<1x1x64xf32, #tpu.memory_space<vmem>> -> memref<64xf32, #tpu.memory_space<vmem>>
          %dma_start3A_627 = arith.constant 0 : i32
          %dma_start3A_628 = tpu.memref_slice %arg3[%squeeze3A_592, %dma_start3A_627] : memref<2600000x64xf32, #tpu.memory_space<hbm>> -> memref<1x64xf32, #tpu.memory_space<hbm>>
          %dma_start3A_629 = tpu.memref_squeeze %dma_start3A_628 : memref<1x64xf32, #tpu.memory_space<hbm>> -> memref<64xf32, #tpu.memory_space<hbm>>
          tpu.enqueue_dma source(%dma_start3A_629 : memref<64xf32, #tpu.memory_space<hbm>>) target(%dma_start3A_626 : memref<64xf32, #tpu.memory_space<vmem>>) target_semaphore(%arg7 : memref<!tpu.dma_semaphore, #tpu.memory_space<semaphore_mem>>)
          %mul3A_630 = arith.constant 16 : i32
          %mul3A_631 = arith.muli %scan3A_116, %mul3A_630 : i32
          %add3A_632 = arith.constant 12 : i32
          %add3A_633 = arith.addi %mul3A_631, %add3A_632 : i32
          %slice3A_634 = vector.extract_strided_slice %get3A_123 {offsets = [12], sizes = [1], strides = [1]} : vector<16xi32> to vector<1xi32>
          %squeeze3A_635 = vector.extract %slice3A_634[0] : i32 from vector<1xi32>
          %jit3A_636 = arith.constant 2 : i32
          %div3A_637 = arith.divsi %add3A_633, %jit3A_636 : i32
          %sign3A_638 = arith.constant 0 : i32
          %sign3A_639 = arith.cmpi sgt, %add3A_633, %sign3A_638 : i32
          %sign3A_640 = arith.extui %sign3A_639 : i1 to i32
          %sign3A_641 = arith.constant 0 : i32
          %sign3A_642 = arith.cmpi slt, %add3A_633, %sign3A_641 : i32
          %sign3A_643 = arith.extui %sign3A_642 : i1 to i32
          %sign3A_644 = arith.subi %sign3A_640, %sign3A_643 : i32
          %sign3A_645 = arith.constant 0 : i32
          %sign3A_646 = arith.cmpi sgt, %jit3A_636, %sign3A_645 : i32
          %sign3A_647 = arith.extui %sign3A_646 : i1 to i32
          %sign3A_648 = arith.constant 0 : i32
          %sign3A_649 = arith.cmpi slt, %jit3A_636, %sign3A_648 : i32
          %sign3A_650 = arith.extui %sign3A_649 : i1 to i32
          %sign3A_651 = arith.subi %sign3A_647, %sign3A_650 : i32
          %ne3A_652 = arith.cmpi ne, %sign3A_644, %sign3A_651 : i32
          %rem3A_653 = arith.remsi %add3A_633, %jit3A_636 : i32
          %ne3A_654 = arith.constant 0 : i32
          %ne3A_655 = arith.cmpi ne, %rem3A_653, %ne3A_654 : i32
          %and3A_656 = arith.andi %ne3A_652, %ne3A_655 : i1
          %sub3A_657 = arith.constant 1 : i32
          %sub3A_658 = arith.subi %div3A_637, %sub3A_657 : i32
          %select_n3A_659 = arith.select %and3A_656, %sub3A_658, %div3A_637 : i32
          %dma_start3A_660 = arith.constant 0 : i32
          %dma_start3A_661 = arith.constant 0 : i32
          %dma_start3A_662 = tpu.memref_slice %arg6[%dma_start3A_660, %select_n3A_659, %dma_start3A_661] : memref<2x64x128xf32, #tpu.memory_space<vmem>> -> memref<1x1x64xf32, #tpu.memory_space<vmem>>
          %dma_start3A_663 = tpu.memref_squeeze %dma_start3A_662 : memref<1x1x64xf32, #tpu.memory_space<vmem>> -> memref<64xf32, #tpu.memory_space<vmem>>
          %dma_start3A_664 = arith.constant 0 : i32
          %dma_start3A_665 = tpu.memref_slice %arg3[%squeeze3A_635, %dma_start3A_664] : memref<2600000x64xf32, #tpu.memory_space<hbm>> -> memref<1x64xf32, #tpu.memory_space<hbm>>
          %dma_start3A_666 = tpu.memref_squeeze %dma_start3A_665 : memref<1x64xf32, #tpu.memory_space<hbm>> -> memref<64xf32, #tpu.memory_space<hbm>>
          %dma_start3A_667 = arith.constant 0 : i32
          %dma_start3A_668 = tpu.memref_slice %arg6[%dma_start3A_660, %select_n3A_659, %dma_start3A_667] : memref<2x64x128xf32, #tpu.memory_space<vmem>> -> memref<1x1x64xf32, #tpu.memory_space<vmem>>
          %dma_start3A_669 = tpu.memref_squeeze %dma_start3A_668 : memref<1x1x64xf32, #tpu.memory_space<vmem>> -> memref<64xf32, #tpu.memory_space<vmem>>
          %dma_start3A_670 = arith.constant 0 : i32
          %dma_start3A_671 = tpu.memref_slice %arg3[%squeeze3A_635, %dma_start3A_670] : memref<2600000x64xf32, #tpu.memory_space<hbm>> -> memref<1x64xf32, #tpu.memory_space<hbm>>
          %dma_start3A_672 = tpu.memref_squeeze %dma_start3A_671 : memref<1x64xf32, #tpu.memory_space<hbm>> -> memref<64xf32, #tpu.memory_space<hbm>>
          tpu.enqueue_dma source(%dma_start3A_672 : memref<64xf32, #tpu.memory_space<hbm>>) target(%dma_start3A_669 : memref<64xf32, #tpu.memory_space<vmem>>) target_semaphore(%arg7 : memref<!tpu.dma_semaphore, #tpu.memory_space<semaphore_mem>>)
          %mul3A_673 = arith.constant 16 : i32
          %mul3A_674 = arith.muli %scan3A_116, %mul3A_673 : i32
          %add3A_675 = arith.constant 13 : i32
          %add3A_676 = arith.addi %mul3A_674, %add3A_675 : i32
          %slice3A_677 = vector.extract_strided_slice %get3A_123 {offsets = [13], sizes = [1], strides = [1]} : vector<16xi32> to vector<1xi32>
          %squeeze3A_678 = vector.extract %slice3A_677[0] : i32 from vector<1xi32>
          %jit3A_679 = arith.constant 2 : i32
          %div3A_680 = arith.divsi %add3A_676, %jit3A_679 : i32
          %sign3A_681 = arith.constant 0 : i32
          %sign3A_682 = arith.cmpi sgt, %add3A_676, %sign3A_681 : i32
          %sign3A_683 = arith.extui %sign3A_682 : i1 to i32
          %sign3A_684 = arith.constant 0 : i32
          %sign3A_685 = arith.cmpi slt, %add3A_676, %sign3A_684 : i32
          %sign3A_686 = arith.extui %sign3A_685 : i1 to i32
          %sign3A_687 = arith.subi %sign3A_683, %sign3A_686 : i32
          %sign3A_688 = arith.constant 0 : i32
          %sign3A_689 = arith.cmpi sgt, %jit3A_679, %sign3A_688 : i32
          %sign3A_690 = arith.extui %sign3A_689 : i1 to i32
          %sign3A_691 = arith.constant 0 : i32
          %sign3A_692 = arith.cmpi slt, %jit3A_679, %sign3A_691 : i32
          %sign3A_693 = arith.extui %sign3A_692 : i1 to i32
          %sign3A_694 = arith.subi %sign3A_690, %sign3A_693 : i32
          %ne3A_695 = arith.cmpi ne, %sign3A_687, %sign3A_694 : i32
          %rem3A_696 = arith.remsi %add3A_676, %jit3A_679 : i32
          %ne3A_697 = arith.constant 0 : i32
          %ne3A_698 = arith.cmpi ne, %rem3A_696, %ne3A_697 : i32
          %and3A_699 = arith.andi %ne3A_695, %ne3A_698 : i1
          %sub3A_700 = arith.constant 1 : i32
          %sub3A_701 = arith.subi %div3A_680, %sub3A_700 : i32
          %select_n3A_702 = arith.select %and3A_699, %sub3A_701, %div3A_680 : i32
          %dma_start3A_703 = arith.constant 0 : i32
          %dma_start3A_704 = arith.constant 64 : i32
          %dma_start3A_705 = tpu.memref_slice %arg6[%dma_start3A_703, %select_n3A_702, %dma_start3A_704] : memref<2x64x128xf32, #tpu.memory_space<vmem>> -> memref<1x1x64xf32, #tpu.memory_space<vmem>>
          %dma_start3A_706 = tpu.memref_squeeze %dma_start3A_705 : memref<1x1x64xf32, #tpu.memory_space<vmem>> -> memref<64xf32, #tpu.memory_space<vmem>>
          %dma_start3A_707 = arith.constant 0 : i32
          %dma_start3A_708 = tpu.memref_slice %arg3[%squeeze3A_678, %dma_start3A_707] : memref<2600000x64xf32, #tpu.memory_space<hbm>> -> memref<1x64xf32, #tpu.memory_space<hbm>>
          %dma_start3A_709 = tpu.memref_squeeze %dma_start3A_708 : memref<1x64xf32, #tpu.memory_space<hbm>> -> memref<64xf32, #tpu.memory_space<hbm>>
          %dma_start3A_710 = arith.constant 64 : i32
          %dma_start3A_711 = tpu.memref_slice %arg6[%dma_start3A_703, %select_n3A_702, %dma_start3A_710] : memref<2x64x128xf32, #tpu.memory_space<vmem>> -> memref<1x1x64xf32, #tpu.memory_space<vmem>>
          %dma_start3A_712 = tpu.memref_squeeze %dma_start3A_711 : memref<1x1x64xf32, #tpu.memory_space<vmem>> -> memref<64xf32, #tpu.memory_space<vmem>>
          %dma_start3A_713 = arith.constant 0 : i32
          %dma_start3A_714 = tpu.memref_slice %arg3[%squeeze3A_678, %dma_start3A_713] : memref<2600000x64xf32, #tpu.memory_space<hbm>> -> memref<1x64xf32, #tpu.memory_space<hbm>>
          %dma_start3A_715 = tpu.memref_squeeze %dma_start3A_714 : memref<1x64xf32, #tpu.memory_space<hbm>> -> memref<64xf32, #tpu.memory_space<hbm>>
          tpu.enqueue_dma source(%dma_start3A_715 : memref<64xf32, #tpu.memory_space<hbm>>) target(%dma_start3A_712 : memref<64xf32, #tpu.memory_space<vmem>>) target_semaphore(%arg7 : memref<!tpu.dma_semaphore, #tpu.memory_space<semaphore_mem>>)
          %mul3A_716 = arith.constant 16 : i32
          %mul3A_717 = arith.muli %scan3A_116, %mul3A_716 : i32
          %add3A_718 = arith.constant 14 : i32
          %add3A_719 = arith.addi %mul3A_717, %add3A_718 : i32
          %slice3A_720 = vector.extract_strided_slice %get3A_123 {offsets = [14], sizes = [1], strides = [1]} : vector<16xi32> to vector<1xi32>
          %squeeze3A_721 = vector.extract %slice3A_720[0] : i32 from vector<1xi32>
          %jit3A_722 = arith.constant 2 : i32
          %div3A_723 = arith.divsi %add3A_719, %jit3A_722 : i32
          %sign3A_724 = arith.constant 0 : i32
          %sign3A_725 = arith.cmpi sgt, %add3A_719, %sign3A_724 : i32
          %sign3A_726 = arith.extui %sign3A_725 : i1 to i32
          %sign3A_727 = arith.constant 0 : i32
          %sign3A_728 = arith.cmpi slt, %add3A_719, %sign3A_727 : i32
          %sign3A_729 = arith.extui %sign3A_728 : i1 to i32
          %sign3A_730 = arith.subi %sign3A_726, %sign3A_729 : i32
          %sign3A_731 = arith.constant 0 : i32
          %sign3A_732 = arith.cmpi sgt, %jit3A_722, %sign3A_731 : i32
          %sign3A_733 = arith.extui %sign3A_732 : i1 to i32
          %sign3A_734 = arith.constant 0 : i32
          %sign3A_735 = arith.cmpi slt, %jit3A_722, %sign3A_734 : i32
          %sign3A_736 = arith.extui %sign3A_735 : i1 to i32
          %sign3A_737 = arith.subi %sign3A_733, %sign3A_736 : i32
          %ne3A_738 = arith.cmpi ne, %sign3A_730, %sign3A_737 : i32
          %rem3A_739 = arith.remsi %add3A_719, %jit3A_722 : i32
          %ne3A_740 = arith.constant 0 : i32
          %ne3A_741 = arith.cmpi ne, %rem3A_739, %ne3A_740 : i32
          %and3A_742 = arith.andi %ne3A_738, %ne3A_741 : i1
          %sub3A_743 = arith.constant 1 : i32
          %sub3A_744 = arith.subi %div3A_723, %sub3A_743 : i32
          %select_n3A_745 = arith.select %and3A_742, %sub3A_744, %div3A_723 : i32
          %dma_start3A_746 = arith.constant 0 : i32
          %dma_start3A_747 = arith.constant 0 : i32
          %dma_start3A_748 = tpu.memref_slice %arg6[%dma_start3A_746, %select_n3A_745, %dma_start3A_747] : memref<2x64x128xf32, #tpu.memory_space<vmem>> -> memref<1x1x64xf32, #tpu.memory_space<vmem>>
          %dma_start3A_749 = tpu.memref_squeeze %dma_start3A_748 : memref<1x1x64xf32, #tpu.memory_space<vmem>> -> memref<64xf32, #tpu.memory_space<vmem>>
          %dma_start3A_750 = arith.constant 0 : i32
          %dma_start3A_751 = tpu.memref_slice %arg3[%squeeze3A_721, %dma_start3A_750] : memref<2600000x64xf32, #tpu.memory_space<hbm>> -> memref<1x64xf32, #tpu.memory_space<hbm>>
          %dma_start3A_752 = tpu.memref_squeeze %dma_start3A_751 : memref<1x64xf32, #tpu.memory_space<hbm>> -> memref<64xf32, #tpu.memory_space<hbm>>
          %dma_start3A_753 = arith.constant 0 : i32
          %dma_start3A_754 = tpu.memref_slice %arg6[%dma_start3A_746, %select_n3A_745, %dma_start3A_753] : memref<2x64x128xf32, #tpu.memory_space<vmem>> -> memref<1x1x64xf32, #tpu.memory_space<vmem>>
          %dma_start3A_755 = tpu.memref_squeeze %dma_start3A_754 : memref<1x1x64xf32, #tpu.memory_space<vmem>> -> memref<64xf32, #tpu.memory_space<vmem>>
          %dma_start3A_756 = arith.constant 0 : i32
          %dma_start3A_757 = tpu.memref_slice %arg3[%squeeze3A_721, %dma_start3A_756] : memref<2600000x64xf32, #tpu.memory_space<hbm>> -> memref<1x64xf32, #tpu.memory_space<hbm>>
          %dma_start3A_758 = tpu.memref_squeeze %dma_start3A_757 : memref<1x64xf32, #tpu.memory_space<hbm>> -> memref<64xf32, #tpu.memory_space<hbm>>
          tpu.enqueue_dma source(%dma_start3A_758 : memref<64xf32, #tpu.memory_space<hbm>>) target(%dma_start3A_755 : memref<64xf32, #tpu.memory_space<vmem>>) target_semaphore(%arg7 : memref<!tpu.dma_semaphore, #tpu.memory_space<semaphore_mem>>)
          %mul3A_759 = arith.constant 16 : i32
          %mul3A_760 = arith.muli %scan3A_116, %mul3A_759 : i32
          %add3A_761 = arith.constant 15 : i32
          %add3A_762 = arith.addi %mul3A_760, %add3A_761 : i32
          %slice3A_763 = vector.extract_strided_slice %get3A_123 {offsets = [15], sizes = [1], strides = [1]} : vector<16xi32> to vector<1xi32>
          %squeeze3A_764 = vector.extract %slice3A_763[0] : i32 from vector<1xi32>
          %jit3A_765 = arith.constant 2 : i32
          %div3A_766 = arith.divsi %add3A_762, %jit3A_765 : i32
          %sign3A_767 = arith.constant 0 : i32
          %sign3A_768 = arith.cmpi sgt, %add3A_762, %sign3A_767 : i32
          %sign3A_769 = arith.extui %sign3A_768 : i1 to i32
          %sign3A_770 = arith.constant 0 : i32
          %sign3A_771 = arith.cmpi slt, %add3A_762, %sign3A_770 : i32
          %sign3A_772 = arith.extui %sign3A_771 : i1 to i32
          %sign3A_773 = arith.subi %sign3A_769, %sign3A_772 : i32
          %sign3A_774 = arith.constant 0 : i32
          %sign3A_775 = arith.cmpi sgt, %jit3A_765, %sign3A_774 : i32
          %sign3A_776 = arith.extui %sign3A_775 : i1 to i32
          %sign3A_777 = arith.constant 0 : i32
          %sign3A_778 = arith.cmpi slt, %jit3A_765, %sign3A_777 : i32
          %sign3A_779 = arith.extui %sign3A_778 : i1 to i32
          %sign3A_780 = arith.subi %sign3A_776, %sign3A_779 : i32
          %ne3A_781 = arith.cmpi ne, %sign3A_773, %sign3A_780 : i32
          %rem3A_782 = arith.remsi %add3A_762, %jit3A_765 : i32
          %ne3A_783 = arith.constant 0 : i32
          %ne3A_784 = arith.cmpi ne, %rem3A_782, %ne3A_783 : i32
          %and3A_785 = arith.andi %ne3A_781, %ne3A_784 : i1
          %sub3A_786 = arith.constant 1 : i32
          %sub3A_787 = arith.subi %div3A_766, %sub3A_786 : i32
          %select_n3A_788 = arith.select %and3A_785, %sub3A_787, %div3A_766 : i32
          %dma_start3A_789 = arith.constant 0 : i32
          %dma_start3A_790 = arith.constant 64 : i32
          %dma_start3A_791 = tpu.memref_slice %arg6[%dma_start3A_789, %select_n3A_788, %dma_start3A_790] : memref<2x64x128xf32, #tpu.memory_space<vmem>> -> memref<1x1x64xf32, #tpu.memory_space<vmem>>
          %dma_start3A_792 = tpu.memref_squeeze %dma_start3A_791 : memref<1x1x64xf32, #tpu.memory_space<vmem>> -> memref<64xf32, #tpu.memory_space<vmem>>
          %dma_start3A_793 = arith.constant 0 : i32
          %dma_start3A_794 = tpu.memref_slice %arg3[%squeeze3A_764, %dma_start3A_793] : memref<2600000x64xf32, #tpu.memory_space<hbm>> -> memref<1x64xf32, #tpu.memory_space<hbm>>
          %dma_start3A_795 = tpu.memref_squeeze %dma_start3A_794 : memref<1x64xf32, #tpu.memory_space<hbm>> -> memref<64xf32, #tpu.memory_space<hbm>>
          %dma_start3A_796 = arith.constant 64 : i32
          %dma_start3A_797 = tpu.memref_slice %arg6[%dma_start3A_789, %select_n3A_788, %dma_start3A_796] : memref<2x64x128xf32, #tpu.memory_space<vmem>> -> memref<1x1x64xf32, #tpu.memory_space<vmem>>
          %dma_start3A_798 = tpu.memref_squeeze %dma_start3A_797 : memref<1x1x64xf32, #tpu.memory_space<vmem>> -> memref<64xf32, #tpu.memory_space<vmem>>
          %dma_start3A_799 = arith.constant 0 : i32
          %dma_start3A_800 = tpu.memref_slice %arg3[%squeeze3A_764, %dma_start3A_799] : memref<2600000x64xf32, #tpu.memory_space<hbm>> -> memref<1x64xf32, #tpu.memory_space<hbm>>
          %dma_start3A_801 = tpu.memref_squeeze %dma_start3A_800 : memref<1x64xf32, #tpu.memory_space<hbm>> -> memref<64xf32, #tpu.memory_space<hbm>>
          tpu.enqueue_dma source(%dma_start3A_801 : memref<64xf32, #tpu.memory_space<hbm>>) target(%dma_start3A_798 : memref<64xf32, #tpu.memory_space<vmem>>) target_semaphore(%arg7 : memref<!tpu.dma_semaphore, #tpu.memory_space<semaphore_mem>>)
        }
        %scan3A_115 = arith.constant 8 : i32
      } else {
      }
    }
    %scan3A_13 = arith.constant 13 : i32
    %dma_wait3A = arith.constant 1 : i32
    %dma_wait3A_14 = arith.constant 0 : i32
    %dma_wait3A_15 = arith.constant 0 : i32
    %dma_wait3A_16 = tpu.memref_slice %arg6[%dma_wait3A, %dma_wait3A_14, %dma_wait3A_15] : memref<2x64x128xf32, #tpu.memory_space<vmem>> -> memref<1x64x128xf32, #tpu.memory_space<vmem>>
    %dma_wait3A_17 = tpu.memref_squeeze %dma_wait3A_16 : memref<1x64x128xf32, #tpu.memory_space<vmem>> -> memref<64x128xf32, #tpu.memory_space<vmem>>
    %dma_wait3A_18 = arith.constant 0 : i32
    %dma_wait3A_19 = tpu.memref_slice %arg4[%mul3A_2, %dma_wait3A_18] : memref<53248x128xf32, #tpu.memory_space<hbm>> -> memref<64x128xf32, #tpu.memory_space<hbm>>
    %dma_wait3A_20 = arith.constant 0 : i32
    %dma_wait3A_21 = tpu.memref_slice %arg4[%mul3A_2, %dma_wait3A_20] : memref<53248x128xf32, #tpu.memory_space<hbm>> -> memref<64x128xf32, #tpu.memory_space<hbm>>
    %dma_wait3A_22 = arith.constant 0 : i32
    %dma_wait3A_23 = arith.constant 0 : i32
    %dma_wait3A_24 = tpu.memref_slice %arg6[%dma_wait3A, %dma_wait3A_22, %dma_wait3A_23] : memref<2x64x128xf32, #tpu.memory_space<vmem>> -> memref<1x64x128xf32, #tpu.memory_space<vmem>>
    %dma_wait3A_25 = tpu.memref_squeeze %dma_wait3A_24 : memref<1x64x128xf32, #tpu.memory_space<vmem>> -> memref<64x128xf32, #tpu.memory_space<vmem>>
    tpu.wait_dma2 semaphore(%arg8 : memref<!tpu.dma_semaphore, #tpu.memory_space<semaphore_mem>>) src(%dma_wait3A_25 : memref<64x128xf32, #tpu.memory_space<vmem>>) dst(%dma_wait3A_21 : memref<64x128xf32, #tpu.memory_space<hbm>>)
    return
  }
}

</mosaic_0001>

<sc_bundles>
// kernel: kernel.3.cloned.1.call-start
scs
__scs_entry_jumppad:
0x0: {  	(pc) =	sbr.rel $0x88, $3  }
0x1: {  	(tag) =	ssettag $0x0;
	lr =	simm.s32 $0x1  }
0x2: {  	[smem:$0x3F9F] =	sst lr;
	_ =	strace $0xD0000000  }
0x3: {  	_ = 	snop  }
0x4: {  	_ = 	snop  }
0x5: {  	_ = 	snop  }
0x6: {  	_ = 	snop  }
0x7: {  	_ = 	snop  }
__scs_overlays_trampoline_lowered:
0x8: {  	[smem:$0x3FAE] =	sst s0  }
0x9: {  	[smem:$0x3FAF] =	sst s1  }
0xa: {  	[smem:$0x3FB0] =	sst s2  }
0xb: {  	[smem:$0x3FB1] =	sst s3  }
0xc: {  	[smem:$0x3FB2] =	sst s4  }
0xd: {  	[smem:$0x3FB3] =	sst s5  }
0xe: {  	[smem:$0x3FB4] =	sst s6  }
0xf: {  	[smem:$0x3FB5] =	sst s7  }
0x10: {  	[smem:$0x3FB6] =	sst s8  }
0x11: {  	[smem:$0x3FB7] =	sst s9;
	s0 =	simm.s32 @!p0 $0x0  }
0x12: {  	s1 =	sld [smem:$0x3F9D];
	s0 =	simm.s32 @p0 $0x1  }
0x13: {  	[smem:$0x3FB8] =	sst s0;
	s0 =	simm.s32 @!p1 $0x0  }
0x14: {  	s2 =	sld [smem:$0x3F9C];
	s0 =	simm.s32 @p1 $0x1  }
0x15: {  	[smem:$0x3FB9] =	sst s0;
	s0 =	simm.s32 @!p2 $0x0  }
0x16: {  	s3 =	sld [smem:$0x3FDB];
	s0 =	simm.s32 @p2 $0x1  }
0x17: {  	s4 =	simm.s32 $0x1BF5;
	[smem:$0x3FBB] =	sst s0  }
0x18: {  	s0 =	sld [smem:$0x3F9E];
	_ =	swait.ge [sflag:s4], $0x0  }
0x19: {  	s7 =	sld [smem:$0x3F9F]  }
0x1a: {  	s8 =	sadd.s32 $0xFFFFE003, lr  }
0x1b: {  	s9 =	sadd.s32 $0xFFFFFEF7, lr;
	s5 =	simm.s32 $0xFFFFFFFF;
	p2 =	slt.u32 s8, $0xFFFFF086  }
0x1c: {  	p1 =	slt.u32 s9, $0xF7A;
	s5 =	simm.s32 @!p2 $0x0  }
0x1d: {  	s5 =	simm.s32 @p1 $0x1;
	p0 =	seq.s32 s7, s2  }
0x1e: {  	s7 =	smul.u32 @!p0 $0xF7A, s2;
	p2 =	seq.s32 @!p0 s5, $0x0  }
0x1f: {  	s9 =	smul.u32 $0xF7A, s1;
	s8 =	simm.s32 @!p0 $0x1BF5;
	p2 =	por !p2, p0  }
0x20: {  	[sflag:s8] =	ssyncset.s32 @!p0 $0xFFFFF086;
	s6 =	sadd.s32 @!p0 s3, s7;
	s7 =	simm.s32 @!p0 $0x108  }
0x21: {  	s3 =	sadd.s32 s3, s9;
	s6 =	sadd.s32 @!p0 $0x88, s6;
	s7 =	simm.s32 @p2 $0x1082  }
0x22: {  	[simem:s7], [sflag:s8] =	dma.local @!p0 [hbm:s6], $0xF7A  }
0x23: {  	s9 =	sor.u32 $0xD0000000, s2;
	s6 =	simm.s32 $0x108;
	_ =	swait.ge @!p0 [sflag:s8], $0x0  }
0x24: {  	s3 =	sadd.s32 $0x88, s3;
	s6 =	simm.s32 @!p1 $0x1082;
	[sflag:s4] =	ssyncset.s32 $0xFFFFF086  }
0x25: {  	[simem:s6], [sflag:s4] =	dma.local [hbm:s3], $0xF7A  }
0x26: {  	[smem:$0x3F9F] =	sst s1;
	(tag) =	ssettag s2;
	_ =	strace s9  }
0x27: {  	s1 =	sld [smem:$0x3FAF]  }
0x28: {  	s2 =	sld [smem:$0x3FB0]  }
0x29: {  	s4 =	sld [smem:$0x3FB2]  }
0x2a: {  	p0 =	seq.s32 s5, $0x0;
	s5 =	sld [smem:$0x3FB3]  }
0x2b: {  	s6 =	sld [smem:$0x3FB4]  }
0x2c: {  	s7 =	sld [smem:$0x3FB5]  }
0x2d: {  	s3 =	simm.s32 $0x108;
	s8 =	sld [smem:$0x3FB6]  }
0x2e: {  	s3 =	simm.s32 @!p0 $0x1082;
	s9 =	sld [smem:$0x3FB7]  }
0x2f: {  	lr =	sadd.s32 s0, s3;
	s0 =	sld [smem:$0x3FAE]  }
0x30: {  	s3 =	sld [smem:$0x3FB1]  }
0x31: {  	[smem:$0x3FBA] =	sst s10  }
0x32: {  	s10 =	sld [smem:$0x3FB8];
	_ =	sdelay $0x3  }
0x33: {  	p0 =	seq.s32 s10, $0x1;
	s10 =	sld [smem:$0x3FBA];
	_ =	sdelay $0x3  }
0x34: {  	[smem:$0x3FBA] =	sst s10  }
0x35: {  	s10 =	sld [smem:$0x3FB9];
	_ =	sdelay $0x3  }
0x36: {  	p1 =	seq.s32 s10, $0x1;
	s10 =	sld [smem:$0x3FBA];
	_ =	sdelay $0x3  }
0x37: {  	[smem:$0x3FBA] =	sst s10  }
0x38: {  	s10 =	sld [smem:$0x3FBB]  }
0x39: {  	_ = 	snop;
	(pc) =	sbr.ind lr, $3  }
0x3a: {  	_ = 	snop  }
0x3b: {  	_ = 	snop  }
0x3c: {  	p2 =	seq.s32 s10, $0x1;
	s10 =	sld [smem:$0x3FBA]  }
0x3d: {  	_ =	shalt  }
0x3e: {  	_ =	shalt  }
0x3f: {  	_ =	shalt  }
0x40: {  	_ =	shalt  }
0x41: {  	_ =	shalt  }
0x42: {  	_ =	shalt  }
0x43: {  	_ =	shalt  }
0x44: {  	_ =	shalt  }
0x45: {  	_ =	shalt  }
0x46: {  	_ =	shalt  }
0x47: {  	_ =	shalt  }
0x48: {  	_ =	shalt  }
0x49: {  	_ =	shalt  }
0x4a: {  	_ =	shalt  }
0x4b: {  	_ =	shalt  }
0x4c: {  	_ =	shalt  }
0x4d: {  	_ =	shalt  }
0x4e: {  	_ =	shalt  }
0x4f: {  	_ =	shalt  }
0x50: {  	_ =	shalt  }
0x51: {  	_ =	shalt  }
0x52: {  	_ =	shalt  }
0x53: {  	_ =	shalt  }
0x54: {  	_ =	shalt  }
0x55: {  	_ =	shalt  }
0x56: {  	_ =	shalt  }
0x57: {  	_ =	shalt  }
0x58: {  	_ =	shalt  }
0x59: {  	_ =	shalt  }
0x5a: {  	_ =	shalt  }
0x5b: {  	_ =	shalt  }
0x5c: {  	_ =	shalt  }
0x5d: {  	_ =	shalt  }
0x5e: {  	_ =	shalt  }
0x5f: {  	_ =	shalt  }
0x60: {  	_ =	shalt  }
0x61: {  	_ =	shalt  }
0x62: {  	_ =	shalt  }
0x63: {  	_ =	shalt  }
0x64: {  	_ =	shalt  }
0x65: {  	_ =	shalt  }
0x66: {  	_ =	shalt  }
0x67: {  	_ =	shalt  }
0x68: {  	_ =	shalt  }
0x69: {  	_ =	shalt  }
0x6a: {  	_ =	shalt  }
0x6b: {  	_ =	shalt  }
0x6c: {  	_ =	shalt  }
0x6d: {  	_ =	shalt  }
0x6e: {  	_ =	shalt  }
0x6f: {  	_ =	shalt  }
0x70: {  	_ =	shalt  }
0x71: {  	_ =	shalt  }
0x72: {  	_ =	shalt  }
0x73: {  	_ =	shalt  }
0x74: {  	_ =	shalt  }
0x75: {  	_ =	shalt  }
0x76: {  	_ =	shalt  }
0x77: {  	_ =	shalt  }
0x78: {  	_ =	shalt  }
0x79: {  	_ =	shalt  }
0x7a: {  	_ =	shalt  }
0x7b: {  	_ =	shalt  }
0x7c: {  	_ =	shalt  }
0x7d: {  	_ =	shalt  }
0x7e: {  	_ =	shalt  }
0x7f: {  	_ =	shalt  }
0x80: {  	_ =	shalt  }
0x81: {  	_ =	shalt  }
0x82: {  	_ =	shalt  }
0x83: {  	_ =	shalt  }
0x84: {  	_ =	shalt  }
0x85: {  	_ =	shalt  }
0x86: {  	_ =	shalt  }
0x87: {  	_ =	shalt  }
.Lfunc_end0:
.L_simem_size_0:
called_computation_lowered:
.L_overlay_start_0:
0x88: {  	s2 =	sld [smem:$0x3FD9]  }
0x89: {  	s3 =	sld [smem:$0x3FFE];
	_ =	sdelay $0x1  }
0x8a: {  	s1 =	srdreg.scid  }
0x8b: {  	s0 =	sand.u32 $0x1, s1  }
0x8c: {  	s17 =	sshll.u32 s0, $0xA;
	s2 =	sadd.s32 s3, s2  }
0x8d: {  	s2 =	sadd.s32 s2, s17  }
0x8e: {  	[smem:$0x3FC6] =	sst s2  }
0x8f: {  	_ = 	snop  }
0x90: {  	s2 =	sld [smem:$0x3FD0];
	(tm) =	ssettm $0x1  }
0x91: {  	s18 =	sld [smem:$0x3FFB];
	_ =	sdelay $0x3  }
0x92: {  	_ =	strace s18  }
0x93: {  	s3 =	sld [smem:$0x3FFC];
	_ =	sdelay $0x3  }
0x94: {  	_ =	strace s3  }
0x95: {  	s3 =	sld [smem:$0x3FFD];
	_ =	sdelay $0x3  }
0x96: {  	_ =	strace s3  }
0x97: {  	_ =	strace $0x8FFFFFFF  }
0x98: {  	s19 =	sld [smem:$0x3FDB];
	_ =	sdelay $0x1  }
0x99: {  	s4 =	simm.s32 $_scs_section_size  }
0x9a: {  	s5 =	simm.s32 $_size__tile_overlayer_lowered;
	s6 =	simm.s32 $_tile_overlayer_lowered  }
0x9b: {  	s22 =	simm.s32 $0x1BFF;
	s21 =	sshll.u32 s6, $0x1;
	s3 =	sadd.s32 s4, s19  }
0x9c: {  	s7 =	simm.s32 $0x0;
	s20 =	sshll.u32 s5, $0x1;
	s5 =	sadd.s32 s21, s3  }
0x9d: {  	[timem:s7], [sflag:s22] =	dma.local [hbm:s5], s20  }
0x9e: {  	_ =	swait.ge [sflag:s22], s20  }
0x9f: {  	s4 =	ssub.s32 $0x0, s20;
	[sflag:s22] =	ssyncset.done $0x0  }
0xa0: {  	[sflag:s22] =	ssyncadd.s32 s4;
	_ =	sdelay $0x1  }
0xa1: {  	s23 =	simm.s32 $0x1B8B  }
0xa2: {  	_ =	swait.ge [sflag:s23], $0x1  }
0xa3: {  	[sflag:s23] =	ssyncset.done $0x0  }
0xa4: {  	s25 =	simm.s32 $0x1B8E;
	s24 =	sld [smem:$0x3FFE];
	[sflag:s23] =	ssyncadd.s32 $0xFFFFFFFF  }
0xa5: {  	s26 =	simm.s32 $execute0_lowered;
	[smem:$0x3FD2] =	sst s25  }
0xa6: {  	s5 =	sshll.u32 s26, $0x1;
	_ =	strace $0x80000046;
	[dreg:$0x1] =	wrdreg $0xFFFFFFFF  }
0xa7: {  	s28 =	simm.s32 $_size_execute0_lowered;
	s3 =	sadd.s32 s3, s5;
	[dreg:$0x0] =	wrdreg $0x0  }
0xa8: {  	s5 =	sshll.u32 s28, $0x1;
	[dreg:$0x2] =	wrdreg s3  }
0xa9: {  	[dreg:$0x3] =	wrdreg s5  }
0xaa: {  	[dreg:$0x4] =	wrdreg $0xC0  }
0xab: {  	_ =	task [dreg:s7], $0x5FFFF  }
0xac: {  	[dreg:$0x1] =	wrdreg $0xFFFFFFFF  }
0xad: {  	[dreg:$0x0] =	wrdreg $0x60  }
0xae: {  	[dreg:$0x2] =	wrdreg s24  }
0xaf: {  	[dreg:$0x3] =	wrdreg s2  }
0xb0: {  	[dreg:$0x4] =	wrdreg $0x9  }
0xb1: {  	_ =	task.clear_ibuf [dreg:s7], $0x5FFFF;
	_ =	strace $0x90000046  }
0xb2: {  	s29 =	simm.s32 $0x9;
	_ =	strace $0x80000048  }
0xb3: {  	_ =	swait.ge [sflag:s29], $0x1  }
0xb4: {  	[sflag:s29] =	ssyncadd.s32 $0xFFFFFFFF  }
0xb5: {  	_ =	strace $0x90000048  }
0xb6: {  	_ =	sfence  }
0xb7: {  	s30 =	sld [smem:$0x0];
	_ =	sdelay $0x2  }
0xb8: {  	s31 =	sshll.u32 s1, $0xD;
	s1 =	sshrl.u32 s1, $0x2  }
0xb9: {  	s3 =	sand.u32 $0x4000, s31;
	s1 =	sadd.s32 s1, s30  }
0xba: {  	s0 =	sor.u32 s3, s0;
	s1 =	sshll.u32 s1, $0x11  }
0xbb: {  	s0 =	sor.u32 s1, s0  }
0xbc: {  	s0 =	sadd.s32 $0x8F2B, s0  }
0xbd: {  	[sflag:s0] =	ssyncadd.remote.s32 $0x1  }
0xbe: {  	_ =	sfence.sel $0xFFFF  }
0xbf: {  	[dreg:$0x0] =	wrdreg $0xFFFFFFFF;
	(pc) =	sbr.abs _section_cstart, $3  }
0xc0: {  	[dreg:$0x1] =	wrdreg $0xFFFFFFFF  }
0xc1: {  	_ =	task.clear_ibuf [dreg:s7], $0x2FFFF;
	_ =	strace $0x9FFFFFFF  }
0xc2: {  	(tm) =	ssettm $0x7FFFFFFF  }
0xc3: {  	_ =	shalt  }
tec
execute0_lowered:
.L_overlay_start_1:
0x0: {  	(tag) =	ssettag $0x1  }
0x1: {  	s1 =	srdreg.scid  }
0x2: {  	s0 =	stileid.u32;
	s5 =	rddreg [dreg:$0x0]  }
0x3: {  	s2 =	rddreg [dreg:$0x1];
	s3 =	simm.s32 $0x0;
	s9 =	simm.s32 $0x400  }
0x4: {  	s10 =	simm.s32 $0x3;
	s11 =	simm.s32 $0x1;
	s12 =	simm.s32 $0xD00  }
0x5: {  	s13 =	simm.s32 $0x2D00;
	s4 =	sand.u32 $0x1, s1;
	s28 =	sshll.u32 s0, $0x1  }
0x6: {  	s14 =	simm.s32 $0x2;
	s29 =	sshrl.u32 s0, $0x2;
	s6 =	sor.u32 s4, s28  }
0x7: {  	s15 =	simm.s32 $0x0;
	s7 =	smul.u32 $0x6800, s29;
	s8 =	sshll.u32 s6, $0x7  }
.Ltmp0:
0x8: {  	[smem:$0x7FF] =	sst s3;
	s8 =	sand.u32 $0x380, s8;
	(pc) =	sbr.rel .LBB2_1-.Ltmp0, $4  }
0x9: {  	_ =	strace $0x80000047;
	s30 =	ssub.s32 $0x2, s4;
	s7 =	sor.u32 s7, s8  }
0xa: {  	s4 =	sadd.s32 $0x3800, s5;
	s31 =	sshrl.u32 s30, $0x1;
	s7 =	sshrl.u32 s7, $0x3  }
0xb: {  	s6 =	smul.u32 $0x34000, s6;
	s8 =	ssub.s32 s30, s31;
	s7 =	sadd.s32 s7, s5  }
0xc: {  	s5 =	sadd.s32 $0x400, s7;
	s7 =	smax.u32 s8, $0x1;
	s8 =	simm.s32 $0x80  }
.LBB2_11:
0xd: {  	s15 =	sadd.s32 $0x1, s15  }
0xe: {  	p0 =	sne.s32 s15, s7  }
.Ltmp1:
0xf: {  	_ = 	snop;
	(pc) =	sbr.rel @!p0 .LBB2_12-.Ltmp1, $4  }
0x10: {  	_ = 	snop  }
0x11: {  	_ =	swait.ge [sflag:s14], $0x2000  }
0x12: {  	[sflag:s14] =	ssyncset.done $0x0  }
0x13: {  	[sflag:s14] =	ssyncadd.s32 $0xFFFFE000  }
.LBB2_1:
0x14: {  	[tilespmem:s3], [sflag:$0x3] =	stream.strided.gather [hbm4b:s5+s8], $0xD00, s9, s8, $0x38;
	[tilespmem:$0x4D00] =	vst v63  }
0x15: {  	_ =	swait.ge [sflag:s10], $0xD00  }
0x16: {  	[sflag:s10] =	ssyncset.done $0x0  }
0x17: {  	[sflag:s10] =	ssyncadd.s32 $0xFFFFF300  }
0x18: {  	v0 =	vld [tilespmem:s3+$0x0];
	_ =	sdelay $0x4  }
0x19: {  	v0 =	vshll.u32 v0, $0x4  }
0x1a: {  	(v2sf) =	vpush v0, $0x0;
	_ =	sdelay $0x1  }
0x1b: {  	(v2sf) =	vpush v0, $0x1;
	_ =	sdelay $0x3  }
0x1c: {  	(v2sf) =	vpush v0, $0x2;
	_ =	sdelay $0x3  }
0x1d: {  	(v2sf) =	vpush v0, $0x3;
	_ =	sdelay $0x3  }
0x1e: {  	(v2sf) =	vpush v0, $0x4  }
0x1f: {  	s16 =	spop (v2sf)  }
0x20: {  	s16 =	sand.u32 $0x1FFFFFF0, s16  }
0x21: {  	s18 =	simm.s32 $0xD00;
	s17 =	spop (v2sf);
	s16 =	sadd.s32 s4, s16  }
0x22: {  	(v2sf) =	vpush v0, $0x5;
	[tilespmem:s18], [sflag:$0x1] =	stream.strided.gather [hbm4b:s16+s8], $0x0, s9, s8, $0x38;
	[tilespmem:$0x4D00] =	vst v63  }
0x23: {  	s17 =	sand.u32 $0x1FFFFFF0, s17  }
0x24: {  	[tilespmem:s18], [sflag:$0x1] =	stream.linear.gather [hbm4b:s16+s3], $0x40, $0x38;
	[tilespmem:$0x4D00] =	vst v63  }
0x25: {  	s0 =	simm.s32 $0xD40;
	s1 =	spop (v2sf);
	s17 =	sadd.s32 s4, s17  }
0x26: {  	(v2sf) =	vpush v0, $0x6;
	[tilespmem:s0], [sflag:$0x1] =	stream.strided.gather [hbm4b:s17+s8], $0x0, s9, s8, $0x38;
	[tilespmem:$0x4D00] =	vst v63  }
0x27: {  	s18 =	sand.u32 $0x1FFFFFF0, s1  }
0x28: {  	[tilespmem:s0], [sflag:$0x1] =	stream.linear.gather [hbm4b:s17+s3], $0x40, $0x38;
	[tilespmem:$0x4D00] =	vst v63  }
0x29: {  	s20 =	simm.s32 $0xD80;
	s19 =	spop (v2sf);
	s18 =	sadd.s32 s4, s18  }
0x2a: {  	(v2sf) =	vpush v0, $0x7;
	[tilespmem:s20], [sflag:$0x1] =	stream.strided.gather [hbm4b:s18+s8], $0x0, s9, s8, $0x38;
	[tilespmem:$0x4D00] =	vst v63  }
0x2b: {  	s16 =	sand.u32 $0x1FFFFFF0, s19  }
0x2c: {  	[tilespmem:s20], [sflag:$0x1] =	stream.linear.gather [hbm4b:s18+s3], $0x40, $0x38;
	[tilespmem:$0x4D00] =	vst v63  }
0x2d: {  	s22 =	simm.s32 $0xDC0;
	s21 =	spop (v2sf);
	s16 =	sadd.s32 s4, s16  }
0x2e: {  	(v2sf) =	vpush v0, $0x8;
	[tilespmem:s22], [sflag:$0x1] =	stream.strided.gather [hbm4b:s16+s8], $0x0, s9, s8, $0x38;
	[tilespmem:$0x4D00] =	vst v63  }
0x2f: {  	s17 =	sand.u32 $0x1FFFFFF0, s21  }
0x30: {  	[tilespmem:s22], [sflag:$0x1] =	stream.linear.gather [hbm4b:s16+s3], $0x40, $0x38;
	[tilespmem:$0x4D00] =	vst v63  }
0x31: {  	s24 =	simm.s32 $0xE00;
	s17 =	sadd.s32 s4, s17;
	s23 =	spop (v2sf)  }
0x32: {  	(v2sf) =	vpush v0, $0x9;
	[tilespmem:s24], [sflag:$0x1] =	stream.strided.gather [hbm4b:s17+s8], $0x0, s9, s8, $0x38;
	[tilespmem:$0x4D00] =	vst v63  }
0x33: {  	s16 =	sand.u32 $0x1FFFFFF0, s23  }
0x34: {  	[tilespmem:s24], [sflag:$0x1] =	stream.linear.gather [hbm4b:s17+s3], $0x40, $0x38;
	[tilespmem:$0x4D00] =	vst v63  }
0x35: {  	s26 =	simm.s32 $0xE40;
	s25 =	spop (v2sf);
	s16 =	sadd.s32 s4, s16  }
0x36: {  	(v2sf) =	vpush v0, $0xA;
	[tilespmem:s26], [sflag:$0x1] =	stream.strided.gather [hbm4b:s16+s8], $0x0, s9, s8, $0x38;
	[tilespmem:$0x4D00] =	vst v63  }
0x37: {  	s17 =	sand.u32 $0x1FFFFFF0, s25  }
0x38: {  	[tilespmem:s26], [sflag:$0x1] =	stream.linear.gather [hbm4b:s16+s3], $0x40, $0x38;
	[tilespmem:$0x4D00] =	vst v63  }
0x39: {  	s29 =	simm.s32 $0xE80;
	s28 =	spop (v2sf);
	s17 =	sadd.s32 s4, s17  }
0x3a: {  	(v2sf) =	vpush v0, $0xB;
	[tilespmem:s29], [sflag:$0x1] =	stream.strided.gather [hbm4b:s17+s8], $0x0, s9, s8, $0x38;
	[tilespmem:$0x4D00] =	vst v63  }
0x3b: {  	s16 =	sand.u32 $0x1FFFFFF0, s28  }
0x3c: {  	[tilespmem:s29], [sflag:$0x1] =	stream.linear.gather [hbm4b:s17+s3], $0x40, $0x38;
	[tilespmem:$0x4D00] =	vst v63  }
0x3d: {  	s31 =	simm.s32 $0xEC0;
	s30 =	spop (v2sf);
	s16 =	sadd.s32 s4, s16  }
0x3e: {  	(v2sf) =	vpush v0, $0xC;
	[tilespmem:s31], [sflag:$0x1] =	stream.strided.gather [hbm4b:s16+s8], $0x0, s9, s8, $0x38;
	[tilespmem:$0x4D00] =	vst v63  }
0x3f: {  	s17 =	sand.u32 $0x1FFFFFF0, s30  }
0x40: {  	[tilespmem:s31], [sflag:$0x1] =	stream.linear.gather [hbm4b:s16+s3], $0x40, $0x38;
	[tilespmem:$0x4D00] =	vst v63  }
0x41: {  	s1 =	simm.s32 $0xF00;
	s0 =	spop (v2sf);
	s17 =	sadd.s32 s4, s17  }
0x42: {  	(v2sf) =	vpush v0, $0xD;
	[tilespmem:s1], [sflag:$0x1] =	stream.strided.gather [hbm4b:s17+s8], $0x0, s9, s8, $0x38;
	[tilespmem:$0x4D00] =	vst v63  }
0x43: {  	s16 =	sand.u32 $0x1FFFFFF0, s0  }
0x44: {  	[tilespmem:s1], [sflag:$0x1] =	stream.linear.gather [hbm4b:s17+s3], $0x40, $0x38;
	[tilespmem:$0x4D00] =	vst v63  }
0x45: {  	s20 =	simm.s32 $0xF40;
	s19 =	spop (v2sf);
	s16 =	sadd.s32 s4, s16  }
0x46: {  	(v2sf) =	vpush v0, $0xE;
	[tilespmem:s20], [sflag:$0x1] =	stream.strided.gather [hbm4b:s16+s8], $0x0, s9, s8, $0x38;
	[tilespmem:$0x4D00] =	vst v63  }
0x47: {  	s17 =	sand.u32 $0x1FFFFFF0, s19  }
0x48: {  	[tilespmem:s20], [sflag:$0x1] =	stream.linear.gather [hbm4b:s16+s3], $0x40, $0x38;
	[tilespmem:$0x4D00] =	vst v63  }
0x49: {  	s22 =	simm.s32 $0xF80;
	s21 =	spop (v2sf);
	s17 =	sadd.s32 s4, s17  }
0x4a: {  	(v2sf) =	vpush v0, $0xF;
	[tilespmem:s22], [sflag:$0x1] =	stream.strided.gather [hbm4b:s17+s8], $0x0, s9, s8, $0x38;
	[tilespmem:$0x4D00] =	vst v63  }
0x4b: {  	s16 =	sand.u32 $0x1FFFFFF0, s21  }
0x4c: {  	[tilespmem:s22], [sflag:$0x1] =	stream.linear.gather [hbm4b:s17+s3], $0x40, $0x38;
	[tilespmem:$0x4D00] =	vst v63  }
0x4d: {  	s24 =	simm.s32 $0xFC0;
	s23 =	spop (v2sf);
	s16 =	sadd.s32 s4, s16  }
0x4e: {  	[tilespmem:s24], [sflag:$0x1] =	stream.strided.gather [hbm4b:s16+s8], $0x0, s9, s8, $0x38;
	[tilespmem:$0x4D00] =	vst v63  }
0x4f: {  	s17 =	sand.u32 $0x1FFFFFF0, s23  }
0x50: {  	[tilespmem:s24], [sflag:$0x1] =	stream.linear.gather [hbm4b:s16+s3], $0x40, $0x38;
	[tilespmem:$0x4D00] =	vst v63  }
0x51: {  	s26 =	simm.s32 $0x1000;
	s25 =	spop (v2sf);
	s17 =	sadd.s32 s4, s17  }
0x52: {  	[tilespmem:s26], [sflag:$0x1] =	stream.strided.gather [hbm4b:s17+s8], $0x0, s9, s8, $0x38;
	[tilespmem:$0x4D00] =	vst v63  }
0x53: {  	s16 =	sand.u32 $0x1FFFFFF0, s25  }
0x54: {  	[tilespmem:s26], [sflag:$0x1] =	stream.linear.gather [hbm4b:s17+s3], $0x40, $0x38;
	[tilespmem:$0x4D00] =	vst v63  }
0x55: {  	s29 =	simm.s32 $0x1040;
	s28 =	spop (v2sf);
	s16 =	sadd.s32 s4, s16  }
0x56: {  	[tilespmem:s29], [sflag:$0x1] =	stream.strided.gather [hbm4b:s16+s8], $0x0, s9, s8, $0x38;
	[tilespmem:$0x4D00] =	vst v63  }
0x57: {  	s17 =	sand.u32 $0x1FFFFFF0, s28  }
0x58: {  	[tilespmem:s29], [sflag:$0x1] =	stream.linear.gather [hbm4b:s16+s3], $0x40, $0x38;
	[tilespmem:$0x4D00] =	vst v63  }
0x59: {  	s31 =	simm.s32 $0x1080;
	s30 =	spop (v2sf);
	s17 =	sadd.s32 s4, s17  }
0x5a: {  	[tilespmem:s31], [sflag:$0x1] =	stream.strided.gather [hbm4b:s17+s8], $0x0, s9, s8, $0x38;
	[tilespmem:$0x4D00] =	vst v63  }
0x5b: {  	s18 =	simm.s32 $0x1000;
	s19 =	simm.s32 $0x0;
	s16 =	sand.u32 $0x1FFFFFF0, s30  }
0x5c: {  	[tilespmem:s31], [sflag:$0x1] =	stream.linear.gather [hbm4b:s17+s3], $0x40, $0x38;
	[tilespmem:$0x4D00] =	vst v63  }
0x5d: {  	s20 =	simm.s32 $0x10C0;
	s21 =	sadd.s32 s4, s16;
	s16 =	simm.s32 $0x0  }
0x5e: {  	[tilespmem:s20], [sflag:$0x1] =	stream.strided.gather [hbm4b:s21+s8], $0x0, s9, s8, $0x38;
	[tilespmem:$0x4D00] =	vst v63  }
.LBB2_2:
0x5f: {  	p0 =	sne.s32 s18, $0x7000  }
0x60: {  	s19 =	sadd.s32 $0x10, s19;
	s22 =	smov.u32 s18;
	s18 =	sadd.s32 $0x1000, s18  }
0x61: {  	[tilespmem:s20], [sflag:$0x1] =	stream.linear.gather [hbm4b:s21+s16], $0x40, $0x38;
	[tilespmem:$0x4D00] =	vst v63  }
0x62: {  	v0 =	vld [tilespmem:s19+$0x0];
	_ =	sdelay $0x4  }
0x63: {  	v0 =	vshll.u32 v0, $0x4  }
0x64: {  	(v2sf) =	vpush v0, $0x0  }
0x65: {  	(v2sf) =	vpush v0, $0x1  }
0x66: {  	(v2sf) =	vpush v0, $0x2;
	_ =	sdelay $0x2  }
0x67: {  	(v2sf) =	vpush v0, $0x3;
	_ =	sdelay $0x1  }
0x68: {  	(v2sf) =	vpush v0, $0x4;
	_ =	sdelay $0x1  }
0x69: {  	(v2sf) =	vpush v0, $0x5;
	_ =	sdelay $0x1  }
0x6a: {  	(v2sf) =	vpush v0, $0x6;
	_ =	sdelay $0x1  }
0x6b: {  	(v2sf) =	vpush v0, $0x7;
	_ =	sdelay $0x1  }
0x6c: {  	s17 =	simm.s32 $0x80;
	s16 =	simm.s32 $0x0;
	s21 =	spop (v2sf);
	(v2sf) =	vpush v0, $0x8  }
0x6d: {  	s20 =	sshra.s32 s22, $0x2;
	s21 =	sand.u32 $0x1FFFFFF0, s21;
	s22 =	spop (v2sf)  }
0x6e: {  	s23 =	sadd.s32 $0xD40, s20;
	s21 =	sadd.s32 s4, s21;
	s24 =	spop (v2sf);
	(v2sf) =	vpush v0, $0x9  }
0x6f: {  	s25 =	sadd.s32 $0xD00, s20;
	s22 =	sand.u32 $0x1FFFFFF0, s22;
	s24 =	sand.u32 $0x1FFFFFF0, s24  }
0x70: {  	[tilespmem:s25], [sflag:$0x1] =	stream.strided.gather [hbm4b:s21+s17], $0x0, s9, s17, $0x38;
	(v2sf) =	vpush v0, $0xA;
	[tilespmem:$0x4D00] =	vst v63  }
0x71: {  	s26 =	spop (v2sf)  }
0x72: {  	[tilespmem:s25], [sflag:$0x1] =	stream.linear.gather [hbm4b:s21+s16], $0x40, $0x38;
	(v2sf) =	vpush v0, $0xB;
	[tilespmem:$0x4D00] =	vst v63  }
0x73: {  	s21 =	sadd.s32 s4, s22;
	s22 =	sand.u32 $0x1FFFFFF0, s26;
	s25 =	spop (v2sf)  }
0x74: {  	[tilespmem:s23], [sflag:$0x1] =	stream.strided.gather [hbm4b:s21+s17], $0x0, s9, s17, $0x38;
	(v2sf) =	vpush v0, $0xC;
	[tilespmem:$0x4D00] =	vst v63  }
0x75: {  	s26 =	sadd.s32 $0xD80, s20;
	s25 =	sand.u32 $0x1FFFFFF0, s25;
	s28 =	spop (v2sf)  }
0x76: {  	[tilespmem:s23], [sflag:$0x1] =	stream.linear.gather [hbm4b:s21+s16], $0x40, $0x38;
	[tilespmem:$0x4D00] =	vst v63  }
0x77: {  	s21 =	sadd.s32 s4, s24;
	s23 =	sand.u32 $0x1FFFFFF0, s28;
	s24 =	spop (v2sf)  }
0x78: {  	[tilespmem:s26], [sflag:$0x1] =	stream.strided.gather [hbm4b:s21+s17], $0x0, s9, s17, $0x38;
	(v2sf) =	vpush v0, $0xD;
	[tilespmem:$0x4D00] =	vst v63  }
0x79: {  	s28 =	sadd.s32 $0xDC0, s20;
	s24 =	sand.u32 $0x1FFFFFF0, s24;
	s29 =	spop (v2sf)  }
0x7a: {  	[tilespmem:s26], [sflag:$0x1] =	stream.linear.gather [hbm4b:s21+s16], $0x40, $0x38;
	[tilespmem:$0x4D00] =	vst v63  }
0x7b: {  	s21 =	sadd.s32 s4, s22;
	s22 =	sand.u32 $0x1FFFFFF0, s29;
	s26 =	spop (v2sf)  }
0x7c: {  	[tilespmem:s28], [sflag:$0x1] =	stream.strided.gather [hbm4b:s21+s17], $0x0, s9, s17, $0x38;
	(v2sf) =	vpush v0, $0xE;
	[tilespmem:$0x4D00] =	vst v63  }
0x7d: {  	s29 =	sadd.s32 $0xE00, s20;
	s26 =	sand.u32 $0x1FFFFFF0, s26;
	s30 =	spop (v2sf)  }
0x7e: {  	[tilespmem:s28], [sflag:$0x1] =	stream.linear.gather [hbm4b:s21+s16], $0x40, $0x38;
	[tilespmem:$0x4D00] =	vst v63  }
0x7f: {  	s21 =	sadd.s32 s4, s25;
	s25 =	sand.u32 $0x1FFFFFF0, s30;
	s28 =	spop (v2sf)  }
0x80: {  	[tilespmem:s29], [sflag:$0x1] =	stream.strided.gather [hbm4b:s21+s17], $0x0, s9, s17, $0x38;
	(v2sf) =	vpush v0, $0xF;
	[tilespmem:$0x4D00] =	vst v63  }
0x81: {  	s30 =	sadd.s32 $0xE40, s20;
	s28 =	sand.u32 $0x1FFFFFF0, s28;
	s31 =	spop (v2sf)  }
0x82: {  	[tilespmem:s29], [sflag:$0x1] =	stream.linear.gather [hbm4b:s21+s16], $0x40, $0x38;
	[tilespmem:$0x4D00] =	vst v63  }
0x83: {  	s21 =	sadd.s32 s4, s23;
	s23 =	sand.u32 $0x1FFFFFF0, s31;
	s29 =	spop (v2sf)  }
0x84: {  	[tilespmem:s30], [sflag:$0x1] =	stream.strided.gather [hbm4b:s21+s17], $0x0, s9, s17, $0x38;
	[tilespmem:$0x4D00] =	vst v63  }
0x85: {  	s24 =	sadd.s32 s4, s24;
	s31 =	sadd.s32 $0xE80, s20;
	s29 =	sand.u32 $0x1FFFFFF0, s29  }
0x86: {  	[tilespmem:s30], [sflag:$0x1] =	stream.linear.gather [hbm4b:s21+s16], $0x40, $0x38;
	[tilespmem:$0x4D00] =	vst v63  }
0x87: {  	s21 =	spop (v2sf)  }
0x88: {  	[tilespmem:s31], [sflag:$0x1] =	stream.strided.gather [hbm4b:s24+s17], $0x0, s9, s17, $0x38;
	[tilespmem:$0x4D00] =	vst v63  }
0x89: {  	s22 =	sadd.s32 s4, s22;
	s30 =	sadd.s32 $0xEC0, s20;
	s21 =	sand.u32 $0x1FFFFFF0, s21  }
0x8a: {  	[tilespmem:s31], [sflag:$0x1] =	stream.linear.gather [hbm4b:s24+s16], $0x40, $0x38;
	[tilespmem:$0x4D00] =	vst v63  }
0x8b: {  	s24 =	spop (v2sf)  }
0x8c: {  	[tilespmem:s30], [sflag:$0x1] =	stream.strided.gather [hbm4b:s22+s17], $0x0, s9, s17, $0x38;
	[tilespmem:$0x4D00] =	vst v63  }
0x8d: {  	s26 =	sadd.s32 s4, s26;
	s31 =	sadd.s32 $0xF00, s20;
	s24 =	sand.u32 $0x1FFFFFF0, s24  }
0x8e: {  	[tilespmem:s30], [sflag:$0x1] =	stream.linear.gather [hbm4b:s22+s16], $0x40, $0x38;
	[tilespmem:$0x4D00] =	vst v63  }
0x8f: {  	s22 =	spop (v2sf)  }
0x90: {  	[tilespmem:s31], [sflag:$0x1] =	stream.strided.gather [hbm4b:s26+s17], $0x0, s9, s17, $0x38;
	[tilespmem:$0x4D00] =	vst v63  }
0x91: {  	s25 =	sadd.s32 s4, s25;
	s30 =	sadd.s32 $0xF40, s20;
	s22 =	sand.u32 $0x1FFFFFF0, s22  }
0x92: {  	[tilespmem:s31], [sflag:$0x1] =	stream.linear.gather [hbm4b:s26+s16], $0x40, $0x38;
	[tilespmem:$0x4D00] =	vst v63  }
0x93: {  	_ = 	snop  }
0x94: {  	[tilespmem:s30], [sflag:$0x1] =	stream.strided.gather [hbm4b:s25+s17], $0x0, s9, s17, $0x38;
	[tilespmem:$0x4D00] =	vst v63  }
0x95: {  	s28 =	sadd.s32 s4, s28;
	s26 =	sadd.s32 $0xF80, s20  }
0x96: {  	[tilespmem:s30], [sflag:$0x1] =	stream.linear.gather [hbm4b:s25+s16], $0x40, $0x38;
	[tilespmem:$0x4D00] =	vst v63  }
0x97: {  	_ = 	snop  }
0x98: {  	[tilespmem:s26], [sflag:$0x1] =	stream.strided.gather [hbm4b:s28+s17], $0x0, s9, s17, $0x38;
	[tilespmem:$0x4D00] =	vst v63  }
0x99: {  	s23 =	sadd.s32 s4, s23;
	s25 =	sadd.s32 $0xFC0, s20  }
0x9a: {  	[tilespmem:s26], [sflag:$0x1] =	stream.linear.gather [hbm4b:s28+s16], $0x40, $0x38;
	[tilespmem:$0x4D00] =	vst v63  }
0x9b: {  	_ = 	snop  }
0x9c: {  	[tilespmem:s25], [sflag:$0x1] =	stream.strided.gather [hbm4b:s23+s17], $0x0, s9, s17, $0x38;
	[tilespmem:$0x4D00] =	vst v63  }
0x9d: {  	s26 =	sadd.s32 $0x1000, s20;
	s28 =	sadd.s32 s4, s29  }
0x9e: {  	[tilespmem:s25], [sflag:$0x1] =	stream.linear.gather [hbm4b:s23+s16], $0x40, $0x38;
	[tilespmem:$0x4D00] =	vst v63  }
0x9f: {  	_ = 	snop  }
0xa0: {  	[tilespmem:s26], [sflag:$0x1] =	stream.strided.gather [hbm4b:s28+s17], $0x0, s9, s17, $0x38;
	[tilespmem:$0x4D00] =	vst v63  }
0xa1: {  	s21 =	sadd.s32 s4, s21;
	s23 =	sadd.s32 $0x1040, s20  }
0xa2: {  	[tilespmem:s26], [sflag:$0x1] =	stream.linear.gather [hbm4b:s28+s16], $0x40, $0x38;
	[tilespmem:$0x4D00] =	vst v63  }
0xa3: {  	_ = 	snop  }
0xa4: {  	[tilespmem:s23], [sflag:$0x1] =	stream.strided.gather [hbm4b:s21+s17], $0x0, s9, s17, $0x38;
	[tilespmem:$0x4D00] =	vst v63  }
0xa5: {  	s24 =	sadd.s32 s4, s24;
	s25 =	sadd.s32 $0x1080, s20  }
0xa6: {  	[tilespmem:s23], [sflag:$0x1] =	stream.linear.gather [hbm4b:s21+s16], $0x40, $0x38;
	[tilespmem:$0x4D00] =	vst v63  }
0xa7: {  	_ = 	snop  }
0xa8: {  	[tilespmem:s25], [sflag:$0x1] =	stream.strided.gather [hbm4b:s24+s17], $0x0, s9, s17, $0x38;
	[tilespmem:$0x4D00] =	vst v63  }
.Ltmp2:
0xa9: {  	_ = 	snop;
	(pc) =	sbr.rel @p0 .LBB2_2-.Ltmp2, $4  }
0xaa: {  	s20 =	sadd.s32 $0x10C0, s20;
	s21 =	sadd.s32 s4, s22  }
0xab: {  	[tilespmem:s25], [sflag:$0x1] =	stream.linear.gather [hbm4b:s24+s16], $0x40, $0x38;
	[tilespmem:$0x4D00] =	vst v63  }
0xac: {  	_ = 	snop  }
0xad: {  	[tilespmem:s20], [sflag:$0x1] =	stream.strided.gather [hbm4b:s21+s17], $0x0, s9, s17, $0x38;
	[tilespmem:$0x4D00] =	vst v63  }
.Ltmp3:
0xae: {  	(pc) =	sbr.rel .LBB2_4-.Ltmp3, $3  }
0xaf: {  	_ =	sdelay $0x1  }
0xb0: {  	[tilespmem:s20], [sflag:$0x1] =	stream.linear.gather [hbm4b:s21+s16], $0x40, $0x38;
	[tilespmem:$0x4D00] =	vst v63  }
0xb1: {  	s18 =	simm.s32 $0x100  }
.LBB2_10:
0xb2: {  	s16 =	sadd.s32 $0x1, s16  }
0xb3: {  	p0 =	sne.s32 s16, $0xD  }
.Ltmp4:
0xb4: {  	_ = 	snop;
	(pc) =	sbr.rel @!p0 .LBB2_11-.Ltmp4, $2  }
0xb5: {  	_ =	sdelay $0x2  }
0xb6: {  	s17 =	sadd.s32 $0x100, s17;
	s18 =	sadd.s32 $0x100, s18  }
.LBB2_4:
0xb7: {  	s19 =	sshll.u32 s16, $0xE  }
0xb8: {  	_ =	swait.ge [sflag:s11], $0x2000;
	s19 =	sadd.s32 s6, s19  }
0xb9: {  	[sflag:s11] =	ssyncset.done $0x0;
	s19 =	sshrl.u32 s19, $0x3  }
0xba: {  	p0 =	seq.s32 s16, $0x0;
	[sflag:s11] =	ssyncadd.s32 $0xFFFFE000;
	s19 =	sadd.s32 s2, s19  }
0xbb: {  	[hbm4b:s19+s3] =	stream.linear.scatter [tilespmem:s12], [sflag:$0x2], $0x2000, $0x38;
	[tilespmem:$0x4D00] =	vst v63  }
0xbc: {  	s19 =	simm.s32 @!p0 $0x2  }
0xbd: {  	_ =	swait.ge @!p0 [sflag:s19], $0x2000  }
0xbe: {  	[sflag:s19] =	ssyncset.done @!p0 $0x0  }
0xbf: {  	[sflag:s19] =	ssyncadd.s32 @!p0 $0xFFFFE000  }
0xc0: {  	v0 =	vld [tilespmem:s17+$0x0];
	_ =	sdelay $0x4  }
0xc1: {  	v0 =	vshll.u32 v0, $0x4  }
0xc2: {  	(v2sf) =	vpush v0, $0x0;
	_ =	sdelay $0x1  }
0xc3: {  	(v2sf) =	vpush v0, $0x1;
	_ =	sdelay $0x3  }
0xc4: {  	(v2sf) =	vpush v0, $0x2;
	_ =	sdelay $0x3  }
0xc5: {  	(v2sf) =	vpush v0, $0x3;
	_ =	sdelay $0x3  }
0xc6: {  	(v2sf) =	vpush v0, $0x4  }
0xc7: {  	s26 =	spop (v2sf)  }
0xc8: {  	s19 =	sand.u32 $0x1FFFFFF0, s26  }
0xc9: {  	s21 =	simm.s32 $0x2D00;
	s20 =	spop (v2sf);
	s19 =	sadd.s32 s4, s19  }
0xca: {  	(v2sf) =	vpush v0, $0x5;
	[tilespmem:s21], [sflag:$0x1] =	stream.strided.gather [hbm4b:s19+s8], $0x0, s9, s8, $0x38;
	[tilespmem:$0x4D00] =	vst v63  }
0xcb: {  	s20 =	sand.u32 $0x1FFFFFF0, s20  }
0xcc: {  	[tilespmem:s21], [sflag:$0x1] =	stream.linear.gather [hbm4b:s19+s3], $0x40, $0x38;
	[tilespmem:$0x4D00] =	vst v63  }
0xcd: {  	s28 =	simm.s32 $0x2D40;
	s29 =	spop (v2sf);
	s20 =	sadd.s32 s4, s20  }
0xce: {  	(v2sf) =	vpush v0, $0x6;
	[tilespmem:s28], [sflag:$0x1] =	stream.strided.gather [hbm4b:s20+s8], $0x0, s9, s8, $0x38;
	[tilespmem:$0x4D00] =	vst v63  }
0xcf: {  	s21 =	sand.u32 $0x1FFFFFF0, s29  }
0xd0: {  	[tilespmem:s28], [sflag:$0x1] =	stream.linear.gather [hbm4b:s20+s3], $0x40, $0x38;
	[tilespmem:$0x4D00] =	vst v63  }
0xd1: {  	s31 =	simm.s32 $0x2D80;
	s30 =	spop (v2sf);
	s21 =	sadd.s32 s4, s21  }
0xd2: {  	(v2sf) =	vpush v0, $0x7;
	[tilespmem:s31], [sflag:$0x1] =	stream.strided.gather [hbm4b:s21+s8], $0x0, s9, s8, $0x38;
	[tilespmem:$0x4D00] =	vst v63  }
0xd3: {  	s19 =	sand.u32 $0x1FFFFFF0, s30  }
0xd4: {  	[tilespmem:s31], [sflag:$0x1] =	stream.linear.gather [hbm4b:s21+s3], $0x40, $0x38;
	[tilespmem:$0x4D00] =	vst v63  }
0xd5: {  	s1 =	simm.s32 $0x2DC0;
	s0 =	spop (v2sf);
	s19 =	sadd.s32 s4, s19  }
0xd6: {  	(v2sf) =	vpush v0, $0x8;
	[tilespmem:s1], [sflag:$0x1] =	stream.strided.gather [hbm4b:s19+s8], $0x0, s9, s8, $0x38;
	[tilespmem:$0x4D00] =	vst v63  }
0xd7: {  	s20 =	sand.u32 $0x1FFFFFF0, s0  }
0xd8: {  	[tilespmem:s1], [sflag:$0x1] =	stream.linear.gather [hbm4b:s19+s3], $0x40, $0x38;
	[tilespmem:$0x4D00] =	vst v63  }
0xd9: {  	s22 =	simm.s32 $0x2E00;
	s20 =	sadd.s32 s4, s20;
	s21 =	spop (v2sf)  }
0xda: {  	(v2sf) =	vpush v0, $0x9;
	[tilespmem:s22], [sflag:$0x1] =	stream.strided.gather [hbm4b:s20+s8], $0x0, s9, s8, $0x38;
	[tilespmem:$0x4D00] =	vst v63  }
0xdb: {  	s19 =	sand.u32 $0x1FFFFFF0, s21  }
0xdc: {  	[tilespmem:s22], [sflag:$0x1] =	stream.linear.gather [hbm4b:s20+s3], $0x40, $0x38;
	[tilespmem:$0x4D00] =	vst v63  }
0xdd: {  	s24 =	simm.s32 $0x2E40;
	s23 =	spop (v2sf);
	s19 =	sadd.s32 s4, s19  }
0xde: {  	(v2sf) =	vpush v0, $0xA;
	[tilespmem:s24], [sflag:$0x1] =	stream.strided.gather [hbm4b:s19+s8], $0x0, s9, s8, $0x38;
	[tilespmem:$0x4D00] =	vst v63  }
0xdf: {  	s20 =	sand.u32 $0x1FFFFFF0, s23  }
0xe0: {  	[tilespmem:s24], [sflag:$0x1] =	stream.linear.gather [hbm4b:s19+s3], $0x40, $0x38;
	[tilespmem:$0x4D00] =	vst v63  }
0xe1: {  	s26 =	simm.s32 $0x2E80;
	s25 =	spop (v2sf);
	s20 =	sadd.s32 s4, s20  }
0xe2: {  	(v2sf) =	vpush v0, $0xB;
	[tilespmem:s26], [sflag:$0x1] =	stream.strided.gather [hbm4b:s20+s8], $0x0, s9, s8, $0x38;
	[tilespmem:$0x4D00] =	vst v63  }
0xe3: {  	s19 =	sand.u32 $0x1FFFFFF0, s25  }
0xe4: {  	[tilespmem:s26], [sflag:$0x1] =	stream.linear.gather [hbm4b:s20+s3], $0x40, $0x38;
	[tilespmem:$0x4D00] =	vst v63  }
0xe5: {  	s29 =	simm.s32 $0x2EC0;
	s28 =	spop (v2sf);
	s19 =	sadd.s32 s4, s19  }
0xe6: {  	(v2sf) =	vpush v0, $0xC;
	[tilespmem:s29], [sflag:$0x1] =	stream.strided.gather [hbm4b:s19+s8], $0x0, s9, s8, $0x38;
	[tilespmem:$0x4D00] =	vst v63  }
0xe7: {  	s20 =	sand.u32 $0x1FFFFFF0, s28  }
0xe8: {  	[tilespmem:s29], [sflag:$0x1] =	stream.linear.gather [hbm4b:s19+s3], $0x40, $0x38;
	[tilespmem:$0x4D00] =	vst v63  }
0xe9: {  	s31 =	simm.s32 $0x2F00;
	s30 =	spop (v2sf);
	s20 =	sadd.s32 s4, s20  }
0xea: {  	(v2sf) =	vpush v0, $0xD;
	[tilespmem:s31], [sflag:$0x1] =	stream.strided.gather [hbm4b:s20+s8], $0x0, s9, s8, $0x38;
	[tilespmem:$0x4D00] =	vst v63  }
0xeb: {  	s19 =	sand.u32 $0x1FFFFFF0, s30  }
0xec: {  	[tilespmem:s31], [sflag:$0x1] =	stream.linear.gather [hbm4b:s20+s3], $0x40, $0x38;
	[tilespmem:$0x4D00] =	vst v63  }
0xed: {  	s1 =	simm.s32 $0x2F40;
	s0 =	spop (v2sf);
	s19 =	sadd.s32 s4, s19  }
0xee: {  	(v2sf) =	vpush v0, $0xE;
	[tilespmem:s1], [sflag:$0x1] =	stream.strided.gather [hbm4b:s19+s8], $0x0, s9, s8, $0x38;
	[tilespmem:$0x4D00] =	vst v63  }
0xef: {  	s20 =	sand.u32 $0x1FFFFFF0, s0  }
0xf0: {  	[tilespmem:s1], [sflag:$0x1] =	stream.linear.gather [hbm4b:s19+s3], $0x40, $0x38;
	[tilespmem:$0x4D00] =	vst v63  }
0xf1: {  	s22 =	simm.s32 $0x2F80;
	s21 =	spop (v2sf);
	s20 =	sadd.s32 s4, s20  }
0xf2: {  	(v2sf) =	vpush v0, $0xF;
	[tilespmem:s22], [sflag:$0x1] =	stream.strided.gather [hbm4b:s20+s8], $0x0, s9, s8, $0x38;
	[tilespmem:$0x4D00] =	vst v63  }
0xf3: {  	s19 =	sand.u32 $0x1FFFFFF0, s21  }
0xf4: {  	[tilespmem:s22], [sflag:$0x1] =	stream.linear.gather [hbm4b:s20+s3], $0x40, $0x38;
	[tilespmem:$0x4D00] =	vst v63  }
0xf5: {  	s24 =	simm.s32 $0x2FC0;
	s23 =	spop (v2sf);
	s19 =	sadd.s32 s4, s19  }
0xf6: {  	[tilespmem:s24], [sflag:$0x1] =	stream.strided.gather [hbm4b:s19+s8], $0x0, s9, s8, $0x38;
	[tilespmem:$0x4D00] =	vst v63  }
0xf7: {  	s20 =	sand.u32 $0x1FFFFFF0, s23  }
0xf8: {  	[tilespmem:s24], [sflag:$0x1] =	stream.linear.gather [hbm4b:s19+s3], $0x40, $0x38;
	[tilespmem:$0x4D00] =	vst v63  }
0xf9: {  	s26 =	simm.s32 $0x3000;
	s25 =	spop (v2sf);
	s20 =	sadd.s32 s4, s20  }
0xfa: {  	[tilespmem:s26], [sflag:$0x1] =	stream.strided.gather [hbm4b:s20+s8], $0x0, s9, s8, $0x38;
	[tilespmem:$0x4D00] =	vst v63  }
0xfb: {  	s19 =	sand.u32 $0x1FFFFFF0, s25  }
0xfc: {  	[tilespmem:s26], [sflag:$0x1] =	stream.linear.gather [hbm4b:s20+s3], $0x40, $0x38;
	[tilespmem:$0x4D00] =	vst v63  }
0xfd: {  	s29 =	simm.s32 $0x3040;
	s28 =	spop (v2sf);
	s19 =	sadd.s32 s4, s19  }
0xfe: {  	[tilespmem:s29], [sflag:$0x1] =	stream.strided.gather [hbm4b:s19+s8], $0x0, s9, s8, $0x38;
	[tilespmem:$0x4D00] =	vst v63  }
0xff: {  	s20 =	sand.u32 $0x1FFFFFF0, s28  }
0x100: {  	[tilespmem:s29], [sflag:$0x1] =	stream.linear.gather [hbm4b:s19+s3], $0x40, $0x38;
	[tilespmem:$0x4D00] =	vst v63  }
0x101: {  	s31 =	simm.s32 $0x3080;
	s30 =	spop (v2sf);
	s20 =	sadd.s32 s4, s20  }
0x102: {  	[tilespmem:s31], [sflag:$0x1] =	stream.strided.gather [hbm4b:s20+s8], $0x0, s9, s8, $0x38;
	[tilespmem:$0x4D00] =	vst v63  }
0x103: {  	s21 =	smov.u32 s17;
	s22 =	simm.s32 $0x30C0;
	s19 =	sand.u32 $0x1FFFFFF0, s30  }
0x104: {  	[tilespmem:s31], [sflag:$0x1] =	stream.linear.gather [hbm4b:s20+s3], $0x40, $0x38;
	[tilespmem:$0x4D00] =	vst v63  }
0x105: {  	s23 =	sadd.s32 s4, s19;
	s19 =	sshll.u32 s16, $0x1;
	s20 =	simm.s32 $0x1000  }
0x106: {  	[tilespmem:s22], [sflag:$0x1] =	stream.strided.gather [hbm4b:s23+s8], $0x0, s9, s8, $0x38;
	[tilespmem:$0x4D00] =	vst v63  }
.LBB2_5:
0x107: {  	p0 =	sne.s32 s20, $0x7000  }
0x108: {  	s21 =	sadd.s32 $0x10, s21;
	s24 =	smov.u32 s20;
	s20 =	sadd.s32 $0x1000, s20  }
0x109: {  	[tilespmem:s22], [sflag:$0x1] =	stream.linear.gather [hbm4b:s23+s3], $0x40, $0x38;
	[tilespmem:$0x4D00] =	vst v63  }
0x10a: {  	v0 =	vld [tilespmem:s21+$0x0];
	_ =	sdelay $0x4  }
0x10b: {  	v0 =	vshll.u32 v0, $0x4  }
0x10c: {  	(v2sf) =	vpush v0, $0x0  }
0x10d: {  	(v2sf) =	vpush v0, $0x1  }
0x10e: {  	(v2sf) =	vpush v0, $0x2;
	_ =	sdelay $0x2  }
0x10f: {  	(v2sf) =	vpush v0, $0x3;
	_ =	sdelay $0x1  }
0x110: {  	(v2sf) =	vpush v0, $0x4;
	_ =	sdelay $0x1  }
0x111: {  	(v2sf) =	vpush v0, $0x5;
	_ =	sdelay $0x1  }
0x112: {  	(v2sf) =	vpush v0, $0x6;
	_ =	sdelay $0x1  }
0x113: {  	(v2sf) =	vpush v0, $0x7;
	_ =	sdelay $0x1  }
0x114: {  	s23 =	spop (v2sf);
	(v2sf) =	vpush v0, $0x8  }
0x115: {  	s22 =	sshra.s32 s24, $0x2;
	s23 =	sand.u32 $0x1FFFFFF0, s23;
	s24 =	spop (v2sf)  }
0x116: {  	s25 =	sadd.s32 $0x2D40, s22;
	s23 =	sadd.s32 s4, s23;
	s26 =	spop (v2sf);
	(v2sf) =	vpush v0, $0x9  }
0x117: {  	s28 =	sadd.s32 $0x2D00, s22;
	s24 =	sand.u32 $0x1FFFFFF0, s24;
	s26 =	sand.u32 $0x1FFFFFF0, s26  }
0x118: {  	[tilespmem:s28], [sflag:$0x1] =	stream.strided.gather [hbm4b:s23+s8], $0x0, s9, s8, $0x38;
	(v2sf) =	vpush v0, $0xA;
	[tilespmem:$0x4D00] =	vst v63  }
0x119: {  	s29 =	spop (v2sf)  }
0x11a: {  	[tilespmem:s28], [sflag:$0x1] =	stream.linear.gather [hbm4b:s23+s3], $0x40, $0x38;
	(v2sf) =	vpush v0, $0xB;
	[tilespmem:$0x4D00] =	vst v63  }
0x11b: {  	s23 =	sadd.s32 s4, s24;
	s24 =	sand.u32 $0x1FFFFFF0, s29;
	s28 =	spop (v2sf)  }
0x11c: {  	[tilespmem:s25], [sflag:$0x1] =	stream.strided.gather [hbm4b:s23+s8], $0x0, s9, s8, $0x38;
	(v2sf) =	vpush v0, $0xC;
	[tilespmem:$0x4D00] =	vst v63  }
0x11d: {  	s29 =	sadd.s32 $0x2D80, s22;
	s28 =	sand.u32 $0x1FFFFFF0, s28;
	s30 =	spop (v2sf)  }
0x11e: {  	[tilespmem:s25], [sflag:$0x1] =	stream.linear.gather [hbm4b:s23+s3], $0x40, $0x38;
	[tilespmem:$0x4D00] =	vst v63  }
0x11f: {  	s23 =	sadd.s32 s4, s26;
	s25 =	sand.u32 $0x1FFFFFF0, s30;
	s26 =	spop (v2sf)  }
0x120: {  	[tilespmem:s29], [sflag:$0x1] =	stream.strided.gather [hbm4b:s23+s8], $0x0, s9, s8, $0x38;
	(v2sf) =	vpush v0, $0xD;
	[tilespmem:$0x4D00] =	vst v63  }
0x121: {  	s30 =	sadd.s32 $0x2DC0, s22;
	s26 =	sand.u32 $0x1FFFFFF0, s26;
	s31 =	spop (v2sf)  }
0x122: {  	[tilespmem:s29], [sflag:$0x1] =	stream.linear.gather [hbm4b:s23+s3], $0x40, $0x38;
	[tilespmem:$0x4D00] =	vst v63  }
0x123: {  	s23 =	sadd.s32 s4, s24;
	s24 =	sand.u32 $0x1FFFFFF0, s31;
	s29 =	spop (v2sf)  }
0x124: {  	[tilespmem:s30], [sflag:$0x1] =	stream.strided.gather [hbm4b:s23+s8], $0x0, s9, s8, $0x38;
	(v2sf) =	vpush v0, $0xE;
	[tilespmem:$0x4D00] =	vst v63  }
0x125: {  	s31 =	sadd.s32 $0x2E00, s22;
	s29 =	sand.u32 $0x1FFFFFF0, s29;
	s1 =	spop (v2sf)  }
0x126: {  	[tilespmem:s30], [sflag:$0x1] =	stream.linear.gather [hbm4b:s23+s3], $0x40, $0x38;
	[tilespmem:$0x4D00] =	vst v63  }
0x127: {  	s23 =	sadd.s32 s4, s28;
	s1 =	sand.u32 $0x1FFFFFF0, s1;
	s28 =	spop (v2sf)  }
0x128: {  	[tilespmem:s31], [sflag:$0x1] =	stream.strided.gather [hbm4b:s23+s8], $0x0, s9, s8, $0x38;
	(v2sf) =	vpush v0, $0xF;
	[tilespmem:$0x4D00] =	vst v63  }
0x129: {  	s30 =	sadd.s32 $0x2E40, s22;
	s28 =	sand.u32 $0x1FFFFFF0, s28;
	s0 =	spop (v2sf)  }
0x12a: {  	[tilespmem:s31], [sflag:$0x1] =	stream.linear.gather [hbm4b:s23+s3], $0x40, $0x38;
	[tilespmem:$0x4D00] =	vst v63  }
0x12b: {  	s23 =	sadd.s32 s4, s25;
	s0 =	sand.u32 $0x1FFFFFF0, s0;
	s25 =	spop (v2sf)  }
0x12c: {  	[tilespmem:s30], [sflag:$0x1] =	stream.strided.gather [hbm4b:s23+s8], $0x0, s9, s8, $0x38;
	[tilespmem:$0x4D00] =	vst v63  }
0x12d: {  	s26 =	sadd.s32 s4, s26;
	s31 =	sadd.s32 $0x2E80, s22;
	s25 =	sand.u32 $0x1FFFFFF0, s25  }
0x12e: {  	[tilespmem:s30], [sflag:$0x1] =	stream.linear.gather [hbm4b:s23+s3], $0x40, $0x38;
	[tilespmem:$0x4D00] =	vst v63  }
0x12f: {  	s23 =	spop (v2sf)  }
0x130: {  	[tilespmem:s31], [sflag:$0x1] =	stream.strided.gather [hbm4b:s26+s8], $0x0, s9, s8, $0x38;
	[tilespmem:$0x4D00] =	vst v63  }
0x131: {  	s24 =	sadd.s32 s4, s24;
	s30 =	sadd.s32 $0x2EC0, s22;
	s23 =	sand.u32 $0x1FFFFFF0, s23  }
0x132: {  	[tilespmem:s31], [sflag:$0x1] =	stream.linear.gather [hbm4b:s26+s3], $0x40, $0x38;
	[tilespmem:$0x4D00] =	vst v63  }
0x133: {  	s26 =	spop (v2sf)  }
0x134: {  	[tilespmem:s30], [sflag:$0x1] =	stream.strided.gather [hbm4b:s24+s8], $0x0, s9, s8, $0x38;
	[tilespmem:$0x4D00] =	vst v63  }
0x135: {  	s29 =	sadd.s32 s4, s29;
	s31 =	sadd.s32 $0x2F00, s22;
	s26 =	sand.u32 $0x1FFFFFF0, s26  }
0x136: {  	[tilespmem:s30], [sflag:$0x1] =	stream.linear.gather [hbm4b:s24+s3], $0x40, $0x38;
	[tilespmem:$0x4D00] =	vst v63  }
0x137: {  	s24 =	spop (v2sf)  }
0x138: {  	[tilespmem:s31], [sflag:$0x1] =	stream.strided.gather [hbm4b:s29+s8], $0x0, s9, s8, $0x38;
	[tilespmem:$0x4D00] =	vst v63  }
0x139: {  	s1 =	sadd.s32 s4, s1;
	s30 =	sadd.s32 $0x2F40, s22;
	s24 =	sand.u32 $0x1FFFFFF0, s24  }
0x13a: {  	[tilespmem:s31], [sflag:$0x1] =	stream.linear.gather [hbm4b:s29+s3], $0x40, $0x38;
	[tilespmem:$0x4D00] =	vst v63  }
0x13b: {  	_ = 	snop  }
0x13c: {  	[tilespmem:s30], [sflag:$0x1] =	stream.strided.gather [hbm4b:s1+s8], $0x0, s9, s8, $0x38;
	[tilespmem:$0x4D00] =	vst v63  }
0x13d: {  	s28 =	sadd.s32 s4, s28;
	s29 =	sadd.s32 $0x2F80, s22  }
0x13e: {  	[tilespmem:s30], [sflag:$0x1] =	stream.linear.gather [hbm4b:s1+s3], $0x40, $0x38;
	[tilespmem:$0x4D00] =	vst v63  }
0x13f: {  	_ = 	snop  }
0x140: {  	[tilespmem:s29], [sflag:$0x1] =	stream.strided.gather [hbm4b:s28+s8], $0x0, s9, s8, $0x38;
	[tilespmem:$0x4D00] =	vst v63  }
0x141: {  	s0 =	sadd.s32 s4, s0;
	s1 =	sadd.s32 $0x2FC0, s22  }
0x142: {  	[tilespmem:s29], [sflag:$0x1] =	stream.linear.gather [hbm4b:s28+s3], $0x40, $0x38;
	[tilespmem:$0x4D00] =	vst v63  }
0x143: {  	_ = 	snop  }
0x144: {  	[tilespmem:s1], [sflag:$0x1] =	stream.strided.gather [hbm4b:s0+s8], $0x0, s9, s8, $0x38;
	[tilespmem:$0x4D00] =	vst v63  }
0x145: {  	s25 =	sadd.s32 s4, s25;
	s28 =	sadd.s32 $0x3000, s22  }
0x146: {  	[tilespmem:s1], [sflag:$0x1] =	stream.linear.gather [hbm4b:s0+s3], $0x40, $0x38;
	[tilespmem:$0x4D00] =	vst v63  }
0x147: {  	_ = 	snop  }
0x148: {  	[tilespmem:s28], [sflag:$0x1] =	stream.strided.gather [hbm4b:s25+s8], $0x0, s9, s8, $0x38;
	[tilespmem:$0x4D00] =	vst v63  }
0x149: {  	s0 =	sadd.s32 $0x3040, s22;
	s1 =	sadd.s32 s4, s23  }
0x14a: {  	[tilespmem:s28], [sflag:$0x1] =	stream.linear.gather [hbm4b:s25+s3], $0x40, $0x38;
	[tilespmem:$0x4D00] =	vst v63  }
0x14b: {  	_ = 	snop  }
0x14c: {  	[tilespmem:s0], [sflag:$0x1] =	stream.strided.gather [hbm4b:s1+s8], $0x0, s9, s8, $0x38;
	[tilespmem:$0x4D00] =	vst v63  }
0x14d: {  	s26 =	sadd.s32 s4, s26;
	s25 =	sadd.s32 $0x3080, s22  }
0x14e: {  	[tilespmem:s0], [sflag:$0x1] =	stream.linear.gather [hbm4b:s1+s3], $0x40, $0x38;
	[tilespmem:$0x4D00] =	vst v63  }
0x14f: {  	_ = 	snop  }
0x150: {  	[tilespmem:s25], [sflag:$0x1] =	stream.strided.gather [hbm4b:s26+s8], $0x0, s9, s8, $0x38;
	[tilespmem:$0x4D00] =	vst v63  }
.Ltmp5:
0x151: {  	_ = 	snop;
	(pc) =	sbr.rel @p0 .LBB2_5-.Ltmp5, $4  }
0x152: {  	s23 =	sadd.s32 s4, s24;
	s22 =	sadd.s32 $0x30C0, s22  }
0x153: {  	[tilespmem:s25], [sflag:$0x1] =	stream.linear.gather [hbm4b:s26+s3], $0x40, $0x38;
	[tilespmem:$0x4D00] =	vst v63  }
0x154: {  	_ = 	snop  }
0x155: {  	[tilespmem:s22], [sflag:$0x1] =	stream.strided.gather [hbm4b:s23+s8], $0x0, s9, s8, $0x38;
	[tilespmem:$0x4D00] =	vst v63  }
0x156: {  	[tilespmem:s22], [sflag:$0x1] =	stream.linear.gather [hbm4b:s23+s3], $0x40, $0x38;
	[tilespmem:$0x4D00] =	vst v63  }
0x157: {  	s0 =	sor.u32 $0x1, s19  }
0x158: {  	s1 =	sshll.u32 s0, $0xD  }
0x159: {  	s31 =	simm.s32 $0x0;
	_ =	swait.ge [sflag:s11], $0x2000;
	s1 =	sadd.s32 s6, s1  }
0x15a: {  	p0 =	sgt.u32 s0, $0x18;
	[sflag:s11] =	ssyncset.done $0x0;
	s1 =	sshrl.u32 s1, $0x3  }
.Ltmp6:
0x15b: {  	[sflag:s11] =	ssyncadd.s32 $0xFFFFE000;
	s1 =	sadd.s32 s2, s1;
	(pc) =	sbr.rel @p0 .LBB2_10-.Ltmp6, $4  }
0x15c: {  	[hbm4b:s1+s31] =	stream.linear.scatter [tilespmem:s13], [sflag:$0x2], $0x2000, $0x38;
	[tilespmem:$0x4D00] =	vst v63  }
0x15d: {  	_ =	swait.ge [sflag:s14], $0x2000  }
0x15e: {  	[sflag:s14] =	ssyncset.done $0x0  }
0x15f: {  	[sflag:s14] =	ssyncadd.s32 $0xFFFFE000  }
0x160: {  	v0 =	vld [tilespmem:s18+$0x0];
	_ =	sdelay $0x4  }
0x161: {  	v0 =	vshll.u32 v0, $0x4  }
0x162: {  	(v2sf) =	vpush v0, $0x0;
	_ =	sdelay $0x1  }
0x163: {  	(v2sf) =	vpush v0, $0x1;
	_ =	sdelay $0x3  }
0x164: {  	(v2sf) =	vpush v0, $0x2;
	_ =	sdelay $0x3  }
0x165: {  	(v2sf) =	vpush v0, $0x3;
	_ =	sdelay $0x3  }
0x166: {  	(v2sf) =	vpush v0, $0x4  }
0x167: {  	s0 =	spop (v2sf)  }
0x168: {  	s0 =	sand.u32 $0x1FFFFFF0, s0  }
0x169: {  	s19 =	simm.s32 $0xD00;
	s1 =	spop (v2sf);
	s0 =	sadd.s32 s4, s0  }
0x16a: {  	(v2sf) =	vpush v0, $0x5;
	[tilespmem:s19], [sflag:$0x1] =	stream.strided.gather [hbm4b:s0+s8], $0x0, s9, s8, $0x38;
	[tilespmem:$0x4D00] =	vst v63  }
0x16b: {  	s1 =	sand.u32 $0x1FFFFFF0, s1  }
0x16c: {  	[tilespmem:s19], [sflag:$0x1] =	stream.linear.gather [hbm4b:s0+s3], $0x40, $0x38;
	[tilespmem:$0x4D00] =	vst v63  }
0x16d: {  	s28 =	simm.s32 $0xD40;
	s29 =	spop (v2sf);
	s1 =	sadd.s32 s4, s1  }
0x16e: {  	(v2sf) =	vpush v0, $0x6;
	[tilespmem:s28], [sflag:$0x1] =	stream.strided.gather [hbm4b:s1+s8], $0x0, s9, s8, $0x38;
	[tilespmem:$0x4D00] =	vst v63  }
0x16f: {  	s19 =	sand.u32 $0x1FFFFFF0, s29  }
0x170: {  	[tilespmem:s28], [sflag:$0x1] =	stream.linear.gather [hbm4b:s1+s3], $0x40, $0x38;
	[tilespmem:$0x4D00] =	vst v63  }
0x171: {  	s31 =	simm.s32 $0xD80;
	s30 =	spop (v2sf);
	s19 =	sadd.s32 s4, s19  }
0x172: {  	(v2sf) =	vpush v0, $0x7;
	[tilespmem:s31], [sflag:$0x1] =	stream.strided.gather [hbm4b:s19+s8], $0x0, s9, s8, $0x38;
	[tilespmem:$0x4D00] =	vst v63  }
0x173: {  	s0 =	sand.u32 $0x1FFFFFF0, s30  }
0x174: {  	[tilespmem:s31], [sflag:$0x1] =	stream.linear.gather [hbm4b:s19+s3], $0x40, $0x38;
	[tilespmem:$0x4D00] =	vst v63  }
0x175: {  	s20 =	simm.s32 $0xDC0;
	s0 =	sadd.s32 s4, s0;
	s19 =	spop (v2sf)  }
0x176: {  	(v2sf) =	vpush v0, $0x8;
	[tilespmem:s20], [sflag:$0x1] =	stream.strided.gather [hbm4b:s0+s8], $0x0, s9, s8, $0x38;
	[tilespmem:$0x4D00] =	vst v63  }
0x177: {  	s1 =	sand.u32 $0x1FFFFFF0, s19  }
0x178: {  	[tilespmem:s20], [sflag:$0x1] =	stream.linear.gather [hbm4b:s0+s3], $0x40, $0x38;
	[tilespmem:$0x4D00] =	vst v63  }
0x179: {  	s22 =	simm.s32 $0xE00;
	s21 =	spop (v2sf);
	s1 =	sadd.s32 s4, s1  }
0x17a: {  	(v2sf) =	vpush v0, $0x9;
	[tilespmem:s22], [sflag:$0x1] =	stream.strided.gather [hbm4b:s1+s8], $0x0, s9, s8, $0x38;
	[tilespmem:$0x4D00] =	vst v63  }
0x17b: {  	s0 =	sand.u32 $0x1FFFFFF0, s21  }
0x17c: {  	[tilespmem:s22], [sflag:$0x1] =	stream.linear.gather [hbm4b:s1+s3], $0x40, $0x38;
	[tilespmem:$0x4D00] =	vst v63  }
0x17d: {  	s24 =	simm.s32 $0xE40;
	s23 =	spop (v2sf);
	s0 =	sadd.s32 s4, s0  }
0x17e: {  	(v2sf) =	vpush v0, $0xA;
	[tilespmem:s24], [sflag:$0x1] =	stream.strided.gather [hbm4b:s0+s8], $0x0, s9, s8, $0x38;
	[tilespmem:$0x4D00] =	vst v63  }
0x17f: {  	s1 =	sand.u32 $0x1FFFFFF0, s23  }
0x180: {  	[tilespmem:s24], [sflag:$0x1] =	stream.linear.gather [hbm4b:s0+s3], $0x40, $0x38;
	[tilespmem:$0x4D00] =	vst v63  }
0x181: {  	s26 =	simm.s32 $0xE80;
	s25 =	spop (v2sf);
	s1 =	sadd.s32 s4, s1  }
0x182: {  	(v2sf) =	vpush v0, $0xB;
	[tilespmem:s26], [sflag:$0x1] =	stream.strided.gather [hbm4b:s1+s8], $0x0, s9, s8, $0x38;
	[tilespmem:$0x4D00] =	vst v63  }
0x183: {  	s0 =	sand.u32 $0x1FFFFFF0, s25  }
0x184: {  	[tilespmem:s26], [sflag:$0x1] =	stream.linear.gather [hbm4b:s1+s3], $0x40, $0x38;
	[tilespmem:$0x4D00] =	vst v63  }
0x185: {  	s29 =	simm.s32 $0xEC0;
	s28 =	spop (v2sf);
	s0 =	sadd.s32 s4, s0  }
0x186: {  	(v2sf) =	vpush v0, $0xC;
	[tilespmem:s29], [sflag:$0x1] =	stream.strided.gather [hbm4b:s0+s8], $0x0, s9, s8, $0x38;
	[tilespmem:$0x4D00] =	vst v63  }
0x187: {  	s1 =	sand.u32 $0x1FFFFFF0, s28  }
0x188: {  	[tilespmem:s29], [sflag:$0x1] =	stream.linear.gather [hbm4b:s0+s3], $0x40, $0x38;
	[tilespmem:$0x4D00] =	vst v63  }
0x189: {  	s31 =	simm.s32 $0xF00;
	s30 =	spop (v2sf);
	s1 =	sadd.s32 s4, s1  }
0x18a: {  	(v2sf) =	vpush v0, $0xD;
	[tilespmem:s31], [sflag:$0x1] =	stream.strided.gather [hbm4b:s1+s8], $0x0, s9, s8, $0x38;
	[tilespmem:$0x4D00] =	vst v63  }
0x18b: {  	s0 =	sand.u32 $0x1FFFFFF0, s30  }
0x18c: {  	[tilespmem:s31], [sflag:$0x1] =	stream.linear.gather [hbm4b:s1+s3], $0x40, $0x38;
	[tilespmem:$0x4D00] =	vst v63  }
0x18d: {  	s20 =	simm.s32 $0xF40;
	s19 =	spop (v2sf);
	s0 =	sadd.s32 s4, s0  }
0x18e: {  	(v2sf) =	vpush v0, $0xE;
	[tilespmem:s20], [sflag:$0x1] =	stream.strided.gather [hbm4b:s0+s8], $0x0, s9, s8, $0x38;
	[tilespmem:$0x4D00] =	vst v63  }
0x18f: {  	s1 =	sand.u32 $0x1FFFFFF0, s19  }
0x190: {  	[tilespmem:s20], [sflag:$0x1] =	stream.linear.gather [hbm4b:s0+s3], $0x40, $0x38;
	[tilespmem:$0x4D00] =	vst v63  }
0x191: {  	s22 =	simm.s32 $0xF80;
	s21 =	spop (v2sf);
	s1 =	sadd.s32 s4, s1  }
0x192: {  	(v2sf) =	vpush v0, $0xF;
	[tilespmem:s22], [sflag:$0x1] =	stream.strided.gather [hbm4b:s1+s8], $0x0, s9, s8, $0x38;
	[tilespmem:$0x4D00] =	vst v63  }
0x193: {  	s0 =	sand.u32 $0x1FFFFFF0, s21  }
0x194: {  	[tilespmem:s22], [sflag:$0x1] =	stream.linear.gather [hbm4b:s1+s3], $0x40, $0x38;
	[tilespmem:$0x4D00] =	vst v63  }
0x195: {  	s24 =	simm.s32 $0xFC0;
	s23 =	spop (v2sf);
	s0 =	sadd.s32 s4, s0  }
0x196: {  	[tilespmem:s24], [sflag:$0x1] =	stream.strided.gather [hbm4b:s0+s8], $0x0, s9, s8, $0x38;
	[tilespmem:$0x4D00] =	vst v63  }
0x197: {  	s1 =	sand.u32 $0x1FFFFFF0, s23  }
0x198: {  	[tilespmem:s24], [sflag:$0x1] =	stream.linear.gather [hbm4b:s0+s3], $0x40, $0x38;
	[tilespmem:$0x4D00] =	vst v63  }
0x199: {  	s26 =	simm.s32 $0x1000;
	s25 =	spop (v2sf);
	s1 =	sadd.s32 s4, s1  }
0x19a: {  	[tilespmem:s26], [sflag:$0x1] =	stream.strided.gather [hbm4b:s1+s8], $0x0, s9, s8, $0x38;
	[tilespmem:$0x4D00] =	vst v63  }
0x19b: {  	s0 =	sand.u32 $0x1FFFFFF0, s25  }
0x19c: {  	[tilespmem:s26], [sflag:$0x1] =	stream.linear.gather [hbm4b:s1+s3], $0x40, $0x38;
	[tilespmem:$0x4D00] =	vst v63  }
0x19d: {  	s29 =	simm.s32 $0x1040;
	s28 =	spop (v2sf);
	s0 =	sadd.s32 s4, s0  }
0x19e: {  	[tilespmem:s29], [sflag:$0x1] =	stream.strided.gather [hbm4b:s0+s8], $0x0, s9, s8, $0x38;
	[tilespmem:$0x4D00] =	vst v63  }
0x19f: {  	s1 =	sand.u32 $0x1FFFFFF0, s28  }
0x1a0: {  	[tilespmem:s29], [sflag:$0x1] =	stream.linear.gather [hbm4b:s0+s3], $0x40, $0x38;
	[tilespmem:$0x4D00] =	vst v63  }
0x1a1: {  	s31 =	simm.s32 $0x1080;
	s30 =	spop (v2sf);
	s1 =	sadd.s32 s4, s1  }
0x1a2: {  	[tilespmem:s31], [sflag:$0x1] =	stream.strided.gather [hbm4b:s1+s8], $0x0, s9, s8, $0x38;
	[tilespmem:$0x4D00] =	vst v63  }
0x1a3: {  	s19 =	simm.s32 $0x1000;
	s0 =	sand.u32 $0x1FFFFFF0, s30  }
0x1a4: {  	[tilespmem:s31], [sflag:$0x1] =	stream.linear.gather [hbm4b:s1+s3], $0x40, $0x38;
	[tilespmem:$0x4D00] =	vst v63  }
0x1a5: {  	s21 =	simm.s32 $0x10C0;
	s20 =	smov.u32 s18;
	s22 =	sadd.s32 s4, s0  }
0x1a6: {  	[tilespmem:s21], [sflag:$0x1] =	stream.strided.gather [hbm4b:s22+s8], $0x0, s9, s8, $0x38;
	[tilespmem:$0x4D00] =	vst v63  }
.LBB2_8:
0x1a7: {  	p0 =	sne.s32 s19, $0x7000  }
0x1a8: {  	s20 =	sadd.s32 $0x10, s20;
	s0 =	smov.u32 s19;
	s19 =	sadd.s32 $0x1000, s19  }
0x1a9: {  	[tilespmem:s21], [sflag:$0x1] =	stream.linear.gather [hbm4b:s22+s3], $0x40, $0x38;
	[tilespmem:$0x4D00] =	vst v63  }
0x1aa: {  	v0 =	vld [tilespmem:s20+$0x0];
	_ =	sdelay $0x4  }
0x1ab: {  	v0 =	vshll.u32 v0, $0x4  }
0x1ac: {  	(v2sf) =	vpush v0, $0x0  }
0x1ad: {  	(v2sf) =	vpush v0, $0x1  }
0x1ae: {  	(v2sf) =	vpush v0, $0x2;
	_ =	sdelay $0x2  }
0x1af: {  	(v2sf) =	vpush v0, $0x3;
	_ =	sdelay $0x1  }
0x1b0: {  	(v2sf) =	vpush v0, $0x4;
	_ =	sdelay $0x1  }
0x1b1: {  	(v2sf) =	vpush v0, $0x5;
	_ =	sdelay $0x1  }
0x1b2: {  	(v2sf) =	vpush v0, $0x6;
	_ =	sdelay $0x1  }
0x1b3: {  	(v2sf) =	vpush v0, $0x7;
	_ =	sdelay $0x1  }
0x1b4: {  	s1 =	spop (v2sf);
	(v2sf) =	vpush v0, $0x8  }
0x1b5: {  	s21 =	sshra.s32 s0, $0x2;
	s0 =	sand.u32 $0x1FFFFFF0, s1;
	s1 =	spop (v2sf)  }
0x1b6: {  	s22 =	sadd.s32 $0xD40, s21;
	s0 =	sadd.s32 s4, s0;
	s23 =	spop (v2sf);
	(v2sf) =	vpush v0, $0x9  }
0x1b7: {  	s24 =	sadd.s32 $0xD00, s21;
	s1 =	sand.u32 $0x1FFFFFF0, s1;
	s23 =	sand.u32 $0x1FFFFFF0, s23  }
0x1b8: {  	[tilespmem:s24], [sflag:$0x1] =	stream.strided.gather [hbm4b:s0+s8], $0x0, s9, s8, $0x38;
	(v2sf) =	vpush v0, $0xA;
	[tilespmem:$0x4D00] =	vst v63  }
0x1b9: {  	s25 =	spop (v2sf)  }
0x1ba: {  	[tilespmem:s24], [sflag:$0x1] =	stream.linear.gather [hbm4b:s0+s3], $0x40, $0x38;
	(v2sf) =	vpush v0, $0xB;
	[tilespmem:$0x4D00] =	vst v63  }
0x1bb: {  	s0 =	sadd.s32 s4, s1;
	s1 =	sand.u32 $0x1FFFFFF0, s25;
	s24 =	spop (v2sf)  }
0x1bc: {  	[tilespmem:s22], [sflag:$0x1] =	stream.strided.gather [hbm4b:s0+s8], $0x0, s9, s8, $0x38;
	(v2sf) =	vpush v0, $0xC;
	[tilespmem:$0x4D00] =	vst v63  }
0x1bd: {  	s25 =	sadd.s32 $0xD80, s21;
	s24 =	sand.u32 $0x1FFFFFF0, s24;
	s26 =	spop (v2sf)  }
0x1be: {  	[tilespmem:s22], [sflag:$0x1] =	stream.linear.gather [hbm4b:s0+s3], $0x40, $0x38;
	[tilespmem:$0x4D00] =	vst v63  }
0x1bf: {  	s0 =	sadd.s32 s4, s23;
	s22 =	sand.u32 $0x1FFFFFF0, s26;
	s23 =	spop (v2sf)  }
0x1c0: {  	[tilespmem:s25], [sflag:$0x1] =	stream.strided.gather [hbm4b:s0+s8], $0x0, s9, s8, $0x38;
	(v2sf) =	vpush v0, $0xD;
	[tilespmem:$0x4D00] =	vst v63  }
0x1c1: {  	s26 =	sadd.s32 $0xDC0, s21;
	s23 =	sand.u32 $0x1FFFFFF0, s23;
	s28 =	spop (v2sf)  }
0x1c2: {  	[tilespmem:s25], [sflag:$0x1] =	stream.linear.gather [hbm4b:s0+s3], $0x40, $0x38;
	[tilespmem:$0x4D00] =	vst v63  }
0x1c3: {  	s0 =	sadd.s32 s4, s1;
	s1 =	sand.u32 $0x1FFFFFF0, s28;
	s25 =	spop (v2sf)  }
0x1c4: {  	[tilespmem:s26], [sflag:$0x1] =	stream.strided.gather [hbm4b:s0+s8], $0x0, s9, s8, $0x38;
	(v2sf) =	vpush v0, $0xE;
	[tilespmem:$0x4D00] =	vst v63  }
0x1c5: {  	s28 =	sadd.s32 $0xE00, s21;
	s25 =	sand.u32 $0x1FFFFFF0, s25;
	s29 =	spop (v2sf)  }
0x1c6: {  	[tilespmem:s26], [sflag:$0x1] =	stream.linear.gather [hbm4b:s0+s3], $0x40, $0x38;
	[tilespmem:$0x4D00] =	vst v63  }
0x1c7: {  	s0 =	sadd.s32 s4, s24;
	s24 =	sand.u32 $0x1FFFFFF0, s29;
	s26 =	spop (v2sf)  }
0x1c8: {  	[tilespmem:s28], [sflag:$0x1] =	stream.strided.gather [hbm4b:s0+s8], $0x0, s9, s8, $0x38;
	(v2sf) =	vpush v0, $0xF;
	[tilespmem:$0x4D00] =	vst v63  }
0x1c9: {  	s29 =	sadd.s32 $0xE40, s21;
	s26 =	sand.u32 $0x1FFFFFF0, s26;
	s30 =	spop (v2sf)  }
0x1ca: {  	[tilespmem:s28], [sflag:$0x1] =	stream.linear.gather [hbm4b:s0+s3], $0x40, $0x38;
	[tilespmem:$0x4D00] =	vst v63  }
0x1cb: {  	s0 =	sadd.s32 s4, s22;
	s22 =	sand.u32 $0x1FFFFFF0, s30;
	s28 =	spop (v2sf)  }
0x1cc: {  	[tilespmem:s29], [sflag:$0x1] =	stream.strided.gather [hbm4b:s0+s8], $0x0, s9, s8, $0x38;
	[tilespmem:$0x4D00] =	vst v63  }
0x1cd: {  	s23 =	sadd.s32 s4, s23;
	s30 =	sadd.s32 $0xE80, s21;
	s28 =	sand.u32 $0x1FFFFFF0, s28  }
0x1ce: {  	[tilespmem:s29], [sflag:$0x1] =	stream.linear.gather [hbm4b:s0+s3], $0x40, $0x38;
	[tilespmem:$0x4D00] =	vst v63  }
0x1cf: {  	s0 =	spop (v2sf)  }
0x1d0: {  	[tilespmem:s30], [sflag:$0x1] =	stream.strided.gather [hbm4b:s23+s8], $0x0, s9, s8, $0x38;
	[tilespmem:$0x4D00] =	vst v63  }
0x1d1: {  	s1 =	sadd.s32 s4, s1;
	s29 =	sadd.s32 $0xEC0, s21;
	s0 =	sand.u32 $0x1FFFFFF0, s0  }
0x1d2: {  	[tilespmem:s30], [sflag:$0x1] =	stream.linear.gather [hbm4b:s23+s3], $0x40, $0x38;
	[tilespmem:$0x4D00] =	vst v63  }
0x1d3: {  	s23 =	spop (v2sf)  }
0x1d4: {  	[tilespmem:s29], [sflag:$0x1] =	stream.strided.gather [hbm4b:s1+s8], $0x0, s9, s8, $0x38;
	[tilespmem:$0x4D00] =	vst v63  }
0x1d5: {  	s25 =	sadd.s32 s4, s25;
	s30 =	sadd.s32 $0xF00, s21;
	s23 =	sand.u32 $0x1FFFFFF0, s23  }
0x1d6: {  	[tilespmem:s29], [sflag:$0x1] =	stream.linear.gather [hbm4b:s1+s3], $0x40, $0x38;
	[tilespmem:$0x4D00] =	vst v63  }
0x1d7: {  	s1 =	spop (v2sf)  }
0x1d8: {  	[tilespmem:s30], [sflag:$0x1] =	stream.strided.gather [hbm4b:s25+s8], $0x0, s9, s8, $0x38;
	[tilespmem:$0x4D00] =	vst v63  }
0x1d9: {  	s24 =	sadd.s32 s4, s24;
	s29 =	sadd.s32 $0xF40, s21;
	s1 =	sand.u32 $0x1FFFFFF0, s1  }
0x1da: {  	[tilespmem:s30], [sflag:$0x1] =	stream.linear.gather [hbm4b:s25+s3], $0x40, $0x38;
	[tilespmem:$0x4D00] =	vst v63  }
0x1db: {  	_ = 	snop  }
0x1dc: {  	[tilespmem:s29], [sflag:$0x1] =	stream.strided.gather [hbm4b:s24+s8], $0x0, s9, s8, $0x38;
	[tilespmem:$0x4D00] =	vst v63  }
0x1dd: {  	s26 =	sadd.s32 s4, s26;
	s25 =	sadd.s32 $0xF80, s21  }
0x1de: {  	[tilespmem:s29], [sflag:$0x1] =	stream.linear.gather [hbm4b:s24+s3], $0x40, $0x38;
	[tilespmem:$0x4D00] =	vst v63  }
0x1df: {  	_ = 	snop  }
0x1e0: {  	[tilespmem:s25], [sflag:$0x1] =	stream.strided.gather [hbm4b:s26+s8], $0x0, s9, s8, $0x38;
	[tilespmem:$0x4D00] =	vst v63  }
0x1e1: {  	s22 =	sadd.s32 s4, s22;
	s24 =	sadd.s32 $0xFC0, s21  }
0x1e2: {  	[tilespmem:s25], [sflag:$0x1] =	stream.linear.gather [hbm4b:s26+s3], $0x40, $0x38;
	[tilespmem:$0x4D00] =	vst v63  }
0x1e3: {  	_ = 	snop  }
0x1e4: {  	[tilespmem:s24], [sflag:$0x1] =	stream.strided.gather [hbm4b:s22+s8], $0x0, s9, s8, $0x38;
	[tilespmem:$0x4D00] =	vst v63  }
0x1e5: {  	s25 =	sadd.s32 $0x1000, s21;
	s26 =	sadd.s32 s4, s28  }
0x1e6: {  	[tilespmem:s24], [sflag:$0x1] =	stream.linear.gather [hbm4b:s22+s3], $0x40, $0x38;
	[tilespmem:$0x4D00] =	vst v63  }
0x1e7: {  	_ = 	snop  }
0x1e8: {  	[tilespmem:s25], [sflag:$0x1] =	stream.strided.gather [hbm4b:s26+s8], $0x0, s9, s8, $0x38;
	[tilespmem:$0x4D00] =	vst v63  }
0x1e9: {  	s0 =	sadd.s32 s4, s0;
	s22 =	sadd.s32 $0x1040, s21  }
0x1ea: {  	[tilespmem:s25], [sflag:$0x1] =	stream.linear.gather [hbm4b:s26+s3], $0x40, $0x38;
	[tilespmem:$0x4D00] =	vst v63  }
0x1eb: {  	_ = 	snop  }
0x1ec: {  	[tilespmem:s22], [sflag:$0x1] =	stream.strided.gather [hbm4b:s0+s8], $0x0, s9, s8, $0x38;
	[tilespmem:$0x4D00] =	vst v63  }
0x1ed: {  	s23 =	sadd.s32 s4, s23;
	s24 =	sadd.s32 $0x1080, s21  }
0x1ee: {  	[tilespmem:s22], [sflag:$0x1] =	stream.linear.gather [hbm4b:s0+s3], $0x40, $0x38;
	[tilespmem:$0x4D00] =	vst v63  }
0x1ef: {  	_ = 	snop  }
0x1f0: {  	[tilespmem:s24], [sflag:$0x1] =	stream.strided.gather [hbm4b:s23+s8], $0x0, s9, s8, $0x38;
	[tilespmem:$0x4D00] =	vst v63  }
.Ltmp7:
0x1f1: {  	_ = 	snop;
	(pc) =	sbr.rel @p0 .LBB2_8-.Ltmp7, $4  }
0x1f2: {  	s21 =	sadd.s32 $0x10C0, s21;
	s22 =	sadd.s32 s4, s1  }
0x1f3: {  	[tilespmem:s24], [sflag:$0x1] =	stream.linear.gather [hbm4b:s23+s3], $0x40, $0x38;
	[tilespmem:$0x4D00] =	vst v63  }
0x1f4: {  	_ = 	snop  }
0x1f5: {  	[tilespmem:s21], [sflag:$0x1] =	stream.strided.gather [hbm4b:s22+s8], $0x0, s9, s8, $0x38;
	[tilespmem:$0x4D00] =	vst v63  }
.Ltmp8:
0x1f6: {  	(pc) =	sbr.rel .LBB2_10-.Ltmp8, $2  }
0x1f7: {  	_ =	sdelay $0x2  }
0x1f8: {  	[tilespmem:s21], [sflag:$0x1] =	stream.linear.gather [hbm4b:s22+s3], $0x40, $0x38;
	[tilespmem:$0x4D00] =	vst v63  }
.LBB2_12:
0x1f9: {  	_ =	sfence.sel $0x180000  }
0x1fa: {  	[bflag:$0x0] =	sbarrier.arrive $0xFFFF  }
0x1fb: {  	_ =	strace $0x90000047  }
0x1fc: {  	s0 =	stileid.u32;
	[bflag:$0x2] =	sbarrier.arrive $0xFFFF  }
0x1fd: {  	p0 =	sne.s32 s0, $0x0;
	s0 =	rddreg [dreg:$0x2]  }
0x1fe: {  	s0 =	sadd.s32 @!p0 $0x100000, s0  }
0x1ff: {  	[sflag:s0] =	ssyncadd.tile.s32 @!p0 $0x1;
	_ =	shalt  }
.Lfunc_end2:
_tile_overlayer_lowered:
.L_overlay_start_2:
0x200: {  	(tag) =	ssettag $0x2  }
0x201: {  	s0 =	rddreg [dreg:$0x0];
	s2 =	stileid.u32  }
0x202: {  	s1 =	rddreg [dreg:$0x1];
	p0 =	sne.s32 s2, $0x0  }
0x203: {  	s3 =	rddreg [dreg:$0x2];
	[bflag:$0x3] =	sbarrier.arrive $0xFFFF;
	s2 =	simm.s32 @!p0 $0x1C03  }
0x204: {  	[timem:s3], [sflag:s2] =	dma.local @!p0 [hbm:s0], s1  }
0x205: {  	s0 =	simm.s32 @!p0 $0x3  }
0x206: {  	_ =	swait.ge @!p0 [sflag:s0], s1  }
0x207: {  	s1 =	ssub.s32 @!p0 $0x0, s1;
	[sflag:s0] =	ssyncset.done @!p0 $0x0  }
0x208: {  	[sflag:s0] =	ssyncadd.s32 @!p0 s1  }
0x209: {  	[bflag:$0x3] =	sbarrier.arrive $0xFFFF  }
0x20a: {  	_ =	shalt  }

</sc_bundles>
